<compile_context>
chip_gen: v7x
topology: tpu7x:2x2x1
jax: 0.10.2.dev20260603
libtpu: 0.0.44.dev20260713+nightly
codegen_flags: <defaults>
</compile_context>

<pallas_src>
import functools

import jax
import jax.numpy as jnp
from jax import lax
from jax.experimental import pallas as pl
from jax.experimental.pallas import tpu as pltpu
from jax.experimental.pallas import tpu_sc as plsc

N_NODES = 10000
N_EDGES = 320000
D_IN = 128
D_HID = 256
D_OUT = 256

NC = 2
NS = 16
NW = NC * NS
BLK = 128
CHK = 8
NCHK1 = 10
NCHK2 = 20
NBLK1 = CHK * NCHK1
NBLK2 = CHK * NCHK2
E_PAD = NW * NBLK1 * BLK
RPT = 632
ACC_N = NS * RPT

NB = NW * NBLK1
DATA_ROWS = N_EDGES // BLK
_PBR = 496

_sc_mesh = plsc.VectorSubcoreMesh(core_axis_name="c", subcore_axis_name="s")


def _prep_body(eidx_ref, s_ref, d_ref):
    i = pl.program_id(0)
    rows = lax.broadcasted_iota(jnp.int32, (_PBR, BLK), 0) + i * _PBR
    lanes = lax.broadcasted_iota(jnp.int32, (_PBR, BLK), 1)
    flat = rows * BLK + lanes
    mask = rows < DATA_ROWS
    s_ref[...] = jnp.where(mask, eidx_ref[0].reshape(_PBR, BLK),
                           flat % N_NODES)
    d_ref[...] = jnp.where(mask, eidx_ref[1].reshape(_PBR, BLK),
                           N_NODES + flat % (ACC_N - N_NODES))


def _prep2_body(s_ref, o_ref):
    o_ref[0] = s_ref[...]
    o_ref[1] = s_ref[...] + N_NODES


def _segsum_loop(tab_hbm, idx_load, idx_wait, src_v, dst_v, rows_v, acc_sh,
                 sem, nchk, per_block=None):
    pltpu.async_copy(tab_hbm.at[src_v.at[0, 0]], rows_v.at[0], sem)

    def chunk(g, carry):
        par = g % 2

        @pl.when(g < nchk - 1)
        def _():
            idx_load(g + 1)

        for b in range(CHK):
            if b < CHK - 1:
                pltpu.async_copy(tab_hbm.at[src_v.at[par, b + 1]],
                                 rows_v.at[(b + 1) % 2], sem)
            else:
                @pl.when(g < nchk - 1)
                def _():
                    idx_wait()
                    pltpu.async_copy(tab_hbm.at[src_v.at[(g + 1) % 2, 0]],
                                     rows_v.at[0], sem)
            if per_block is not None:
                per_block(par, b)
            pltpu.make_async_copy(tab_hbm.at[src_v.at[par, b]],
                                  rows_v.at[b % 2], sem).wait()
            pltpu.sync_copy(rows_v.at[b % 2], acc_sh.at[dst_v.at[par, b]],
                            add=True)
        return carry

    lax.fori_loop(0, nchk, chunk, 0)


@functools.partial(
    pl.kernel,
    mesh=_sc_mesh,
    out_type=[
        jax.ShapeDtypeStruct((NC, ACC_N, D_IN), jnp.float32),
        jax.ShapeDtypeStruct((NC * ACC_N,), jnp.float32),
    ],
    scratch_types=[
        pltpu.VMEM_SHARED((ACC_N, D_IN), jnp.float32),
        pltpu.VMEM_SHARED((ACC_N,), jnp.float32),
        pltpu.VMEM((2, CHK, BLK), jnp.int32),
        pltpu.VMEM((2, CHK, BLK), jnp.int32),
        pltpu.VMEM((2, BLK, D_IN), jnp.float32),
        pltpu.VMEM((BLK,), jnp.float32),
        pltpu.VMEM((RPT,), jnp.float32),
        pltpu.SemaphoreType.DMA,
        pltpu.SemaphoreType.DMA,
        pltpu.SemaphoreType.DMA,
    ],
)
def _sc_segsum1(x_hbm, src_hbm, dst_hbm, z2_hbm, z1_hbm, ones_hbm,
                sum_out, deg_out, acc_sh, deg_sh, src_v, dst_v, rows_v,
                ones_v, deg_v, sem, isem, dsem):
    c = lax.axis_index("c")
    s = lax.axis_index("s")
    wid = c * NS + s
    base = wid * NBLK1
    pltpu.sync_copy(ones_hbm, ones_v)
    pltpu.sync_copy(src_hbm.at[pl.ds(base, CHK)], src_v.at[0])
    pltpu.sync_copy(dst_hbm.at[pl.ds(base, CHK)], dst_v.at[0])
    pltpu.sync_copy(z2_hbm.at[pl.ds(s * RPT, RPT)], acc_sh.at[pl.ds(s * RPT, RPT)])
    pltpu.sync_copy(z1_hbm.at[pl.ds(s * RPT, RPT)], deg_v)
    pltpu.sync_copy(deg_v, deg_sh.at[pl.ds(s * RPT, RPT)])
    plsc.subcore_barrier()

    def deg_drain(n):
        for _ in range(n):
            pltpu.make_async_copy(ones_v, deg_sh.at[dst_v.at[0, 0]],
                                  dsem).wait()

    def idx_load(g):
        @pl.when(g >= 2)
        def _():
            deg_drain(CHK)
        pltpu.async_copy(src_hbm.at[pl.ds(base + g * CHK, CHK)],
                         src_v.at[g % 2], isem)
        pltpu.async_copy(dst_hbm.at[pl.ds(base + g * CHK, CHK)],
                         dst_v.at[g % 2], isem)

    def idx_wait():
        pltpu.make_async_copy(src_hbm.at[pl.ds(base, CHK)], src_v.at[0],
                              isem).wait()
        pltpu.make_async_copy(dst_hbm.at[pl.ds(base, CHK)], dst_v.at[0],
                              isem).wait()

    def per_block(par, b):
        pltpu.async_copy(ones_v, deg_sh.at[dst_v.at[par, b]], dsem, add=True)

    _segsum_loop(x_hbm, idx_load, idx_wait, src_v, dst_v, rows_v, acc_sh,
                 sem, NCHK1, per_block)
    deg_drain(2 * CHK)
    plsc.subcore_barrier()
    pltpu.sync_copy(acc_sh.at[pl.ds(s * RPT, RPT)], sum_out.at[c, pl.ds(s * RPT, RPT)])
    pltpu.sync_copy(deg_sh.at[pl.ds(s * RPT, RPT)], deg_v)
    pltpu.sync_copy(deg_v, deg_out.at[pl.ds(c * ACC_N + s * RPT, RPT)])


@functools.partial(
    pl.kernel,
    mesh=_sc_mesh,
    out_type=jax.ShapeDtypeStruct((NC, ACC_N, D_IN), jnp.float32),
    scratch_types=[
        pltpu.VMEM_SHARED((ACC_N, D_IN), jnp.float32),
        pltpu.VMEM((2, CHK, BLK), jnp.int32),
        pltpu.VMEM((2, CHK, BLK), jnp.int32),
        pltpu.VMEM((2, BLK, D_IN), jnp.float32),
        pltpu.SemaphoreType.DMA,
        pltpu.SemaphoreType.DMA,
    ],
)
def _sc_segsum2(h2_hbm, src2_hbm, dst2_hbm, z2_hbm,
                sum_out, acc_sh, src_v, dst_v, rows_v, sem, isem):
    c = lax.axis_index("c")
    s = lax.axis_index("s")
    base = s * NBLK2
    pltpu.sync_copy(src2_hbm.at[c, pl.ds(base, CHK)], src_v.at[0])
    pltpu.sync_copy(dst2_hbm.at[pl.ds(base, CHK)], dst_v.at[0])
    pltpu.sync_copy(z2_hbm.at[pl.ds(s * RPT, RPT)],
                    acc_sh.at[pl.ds(s * RPT, RPT)])
    plsc.subcore_barrier()

    def idx_load(g):
        pltpu.async_copy(src2_hbm.at[c, pl.ds(base + g * CHK, CHK)],
                         src_v.at[g % 2], isem)
        pltpu.async_copy(dst2_hbm.at[pl.ds(base + g * CHK, CHK)],
                         dst_v.at[g % 2], isem)

    def idx_wait():
        pltpu.make_async_copy(src2_hbm.at[c, pl.ds(base, CHK)], src_v.at[0],
                              isem).wait()
        pltpu.make_async_copy(dst2_hbm.at[pl.ds(base, CHK)], dst_v.at[0],
                              isem).wait()

    _segsum_loop(h2_hbm, idx_load, idx_wait, src_v, dst_v, rows_v, acc_sh,
                 sem, NCHK2)
    plsc.subcore_barrier()
    pltpu.sync_copy(acc_sh.at[pl.ds(s * RPT, RPT)],
                    sum_out.at[c, pl.ds(s * RPT, RPT)])


_DN = (((1,), (1,)), ((), ()))


def _dense_xr_body(x_ref, wr_ref, b_ref, out_ref):
    out_ref[...] = (lax.dot_general(
        x_ref[...], wr_ref[...], _DN,
        preferred_element_type=jnp.float32) + b_ref[...]).astype(jnp.bfloat16)


def _dense1_body(parts_ref, degp_ref, xr_ref, wl_ref, h_ref):
    summed = parts_ref[0] + parts_ref[1]
    deg = jnp.maximum(degp_ref[0, :, :1] + degp_ref[1, :, :1], 1.0)
    agg = summed * (1.0 / deg)
    z = lax.dot_general(agg, wl_ref[...], _DN,
                        preferred_element_type=jnp.float32) \
        + xr_ref[...].astype(jnp.float32)
    h = jnp.maximum(z, 0.0)
    h_ref[0] = h[:, :D_IN]
    h_ref[1] = h[:, D_IN:]


def _dense_hr_body(hlo_ref, hhi_ref, wr_ref, b_ref, out_ref):
    out_ref[...] = (
        lax.dot_general(hlo_ref[0], wr_ref[:, :D_IN], _DN,
                        preferred_element_type=jnp.float32)
        + lax.dot_general(hhi_ref[0], wr_ref[:, D_IN:], _DN,
                          preferred_element_type=jnp.float32)
        + b_ref[...]).astype(jnp.bfloat16)


def _dense2_body(parts_ref, degp_ref, hr_ref, wl_ref, out_ref):
    rdeg = 1.0 / jnp.maximum(degp_ref[0, :, :1] + degp_ref[1, :, :1], 1.0)
    out_ref[...] = (
        lax.dot_general(parts_ref[0] * rdeg, wl_ref[:, :D_IN], _DN,
                        preferred_element_type=jnp.float32)
        + lax.dot_general(parts_ref[1] * rdeg, wl_ref[:, D_IN:], _DN,
                          preferred_element_type=jnp.float32)
        + hr_ref[...].astype(jnp.float32))


_BR = 2000
_NRB = N_NODES // _BR


def _full(shape):
    n = len(shape)
    return pl.BlockSpec(shape, lambda *a: (0,) * n)


def kernel(x, edge_index, W1_l, b1, W1_r, W2_l, b2, W2_r):
    eidx = edge_index.astype(jnp.int32)
    srcw, dstw = pl.pallas_call(
        _prep_body,
        grid=(6,),
        in_specs=[pl.BlockSpec((2, _PBR * BLK), lambda i: (0, i))],
        out_specs=[pl.BlockSpec((_PBR, BLK), lambda i: (i, 0)),
                   pl.BlockSpec((_PBR, BLK), lambda i: (i, 0))],
        out_shape=[jax.ShapeDtypeStruct((NB, BLK), jnp.int32)] * 2,
    )(eidx)
    src2w = pl.pallas_call(
        _prep2_body,
        grid=(5,),
        in_specs=[pl.BlockSpec((512, BLK), lambda i: (i, 0))],
        out_specs=pl.BlockSpec((NC, 512, BLK), lambda i: (0, i, 0)),
        out_shape=jax.ShapeDtypeStruct((NC, NB, BLK), jnp.int32),
    )(srcw)

    grid = (_NRB,)
    row_spec = pl.BlockSpec((_BR, D_IN), lambda i: (i, 0))
    hid_spec = pl.BlockSpec((_BR, D_HID), lambda i: (i, 0))
    parts_spec = pl.BlockSpec((NC, _BR, D_IN), lambda i: (0, i, 0))
    deg_spec = pl.BlockSpec((NC, _BR, 8), lambda i: (0, i, 0))

    sum1, deg1 = _sc_segsum1(x, srcw, dstw,
                             jnp.zeros((ACC_N, D_IN), jnp.float32),
                             jnp.zeros((ACC_N,), jnp.float32),
                             jnp.ones((BLK,), jnp.float32))
    xr = pl.pallas_call(
        _dense_xr_body,
        grid=grid,
        in_specs=[row_spec, _full((D_HID, D_IN)), _full((1, D_HID))],
        out_specs=hid_spec,
        out_shape=jax.ShapeDtypeStruct((N_NODES, D_HID), jnp.bfloat16),
    )(x, W1_r, b1.reshape(1, D_HID))

    deg3 = lax.broadcast_in_dim(deg1.reshape(NC, ACC_N), (NC, ACC_N, 8),
                                (0, 1))
    h2 = pl.pallas_call(
        _dense1_body,
        grid=grid,
        in_specs=[parts_spec, deg_spec, hid_spec, _full((D_HID, D_IN))],
        out_specs=pl.BlockSpec((NC, _BR, D_IN), lambda i: (0, i, 0)),
        out_shape=jax.ShapeDtypeStruct((NC, N_NODES, D_IN), jnp.float32),
    )(sum1, deg3, xr, W1_l)

    sum2 = _sc_segsum2(h2.reshape(2 * N_NODES, D_IN), src2w, dstw,
                       jnp.zeros((ACC_N, D_IN), jnp.float32))
    hr = pl.pallas_call(
        _dense_hr_body,
        grid=grid,
        in_specs=[
            pl.BlockSpec((1, _BR, D_IN), lambda i: (0, i, 0)),
            pl.BlockSpec((1, _BR, D_IN), lambda i: (1, i, 0)),
            _full((D_OUT, D_HID)),
            _full((1, D_OUT)),
        ],
        out_specs=pl.BlockSpec((_BR, D_OUT), lambda i: (i, 0)),
        out_shape=jax.ShapeDtypeStruct((N_NODES, D_OUT), jnp.bfloat16),
    )(h2, h2, W2_r, b2.reshape(1, D_OUT))

    out = pl.pallas_call(
        _dense2_body,
        grid=grid,
        in_specs=[parts_spec, deg_spec,
                  pl.BlockSpec((_BR, D_OUT), lambda i: (i, 0)),
                  _full((D_OUT, D_HID))],
        out_specs=pl.BlockSpec((_BR, D_OUT), lambda i: (i, 0)),
        out_shape=jax.ShapeDtypeStruct((N_NODES, D_OUT), jnp.float32),
    )(sum2, deg3, hr, W2_l)
    return out

# --- scband reference (transcript-rebuilt; emitter-appended) ---
"""Pipeline reference for scband-gnn-12996571037706 (READ-ONLY COPY).

The authoritative reference and input builder live on the scoring server;
editing this copy changes nothing except your own understanding.
"""

import jax, jax.numpy as jnp
import numpy as np

N_NODES = 10000
N_EDGES = 320000
D_IN = 128
D_HID = 256
D_OUT = 256


def setup_inputs(seed: int = 0) -> dict:
    key = jax.random.key(seed)
    k = jax.random.split(key, 8)
    x = jax.random.normal(k[0], (N_NODES, D_IN), dtype=jnp.float32)
    edge_index = jax.random.randint(k[1], (2, N_EDGES), 0, N_NODES, dtype=jnp.int64)
    s1 = 1.0 / np.sqrt(D_IN)
    s2 = 1.0 / np.sqrt(D_HID)
    W1_l = jax.random.uniform(k[2], (D_HID, D_IN), minval=-s1, maxval=s1, dtype=jnp.float32)
    b1 = jnp.zeros((D_HID,), dtype=jnp.float32)
    W1_r = jax.random.uniform(k[3], (D_HID, D_IN), minval=-s1, maxval=s1, dtype=jnp.float32)
    W2_l = jax.random.uniform(k[4], (D_OUT, D_HID), minval=-s2, maxval=s2, dtype=jnp.float32)
    b2 = jnp.zeros((D_OUT,), dtype=jnp.float32)
    W2_r = jax.random.uniform(k[5], (D_OUT, D_HID), minval=-s2, maxval=s2, dtype=jnp.float32)
    return {"x": x, "edge_index": edge_index, "W1_l": W1_l, "b1": b1, "W1_r": W1_r,
            "W2_l": W2_l, "b2": b2, "W2_r": W2_r}


def _sage_conv(x, edge_index, W_l, b_l, W_r):
    # PyG SAGEConv (mean aggregation):
    #   out = lin_l(mean_{j in N(i)} x_j) + lin_r(x_i)
    src = edge_index[0]
    dst = edge_index[1]
    msg = jnp.take(x, src, axis=0)                              # gather x_j
    summed = jax.ops.segment_sum(msg, dst, num_segments=N_NODES)
    deg = jax.ops.segment_sum(jnp.ones((msg.shape[0],), dtype=x.dtype), dst,
                              num_segments=N_NODES)
    deg = jnp.maximum(deg, 1.0)
    agg = summed / deg[:, None]                                 # mean aggregation
    return agg @ W_l.T + b_l + x @ W_r.T


def reference(x, edge_index, W1_l, b1, W1_r, W2_l, b2, W2_r):
    h = _sage_conv(x, edge_index, W1_l, b1, W1_r)
    h = jax.nn.relu(h)
    out = _sage_conv(h, edge_index, W2_l, b2, W2_r)
    return out

if __name__ == "__main__":
    import jax
    _d = setup_inputs()
    print(jax.jit(kernel)(*tuple(_d.values())))

</pallas_src>

<mosaic_0001>
#map = affine_map<(d0, d1) -> (0, 0)>
#map1 = affine_map<(d0, d1) -> (0, 0, 0)>
module attributes {stable_mosaic.version = 14 : i64} {
  func.func @_sc_segsum2(%arg0: i32, %arg1: i32, %arg2: memref<20000x128xf32, #tpu.memory_space<hbm>>, %arg3: memref<2x2560x128xi32, #tpu.memory_space<hbm>>, %arg4: memref<2560x128xi32, #tpu.memory_space<hbm>>, %arg5: memref<10112x128xf32, #tpu.memory_space<hbm>>, %arg6: memref<2x10112x128xf32, #tpu.memory_space<hbm>>, %arg7: memref<10112x128xf32, #tpu.memory_space<vmem_shared>>, %arg8: memref<2x8x128xi32, #tpu.memory_space<vmem>>, %arg9: memref<2x8x128xi32, #tpu.memory_space<vmem>>, %arg10: memref<2x128x128xf32, #tpu.memory_space<vmem>>, %arg11: memref<!tpu.dma_semaphore, #tpu.memory_space<semaphore_mem>>, %arg12: memref<!tpu.dma_semaphore, #tpu.memory_space<semaphore_mem>>) attributes {dimension_semantics = [#tpu.dimension_semantics<core_parallel>, #tpu.dimension_semantics<subcore_parallel>], iteration_bounds = array<i64: 2, 16>, scalar_prefetch = 0 : i64, scratch_operands = 6 : i64, tpu.core_type = #tpu.core_type<sc_vector_subcore>, window_params = [{transform_indices = #map}, {transform_indices = #map1}, {transform_indices = #map}, {transform_indices = #map}, {transform_indices = #map1}]} {
    %mul3A = arith.constant 160 : i32
    %mul3A_0 = arith.muli %arg1, %mul3A : i32
    %run_scoped3A = arith.constant 0 : i32
    "tpu.region"() ({
      %run_scoped3A_28 = tpu.sem_alloc : memref<!tpu.dma_semaphore, #tpu.memory_space<semaphore_mem>>
      %dma_start3A_29 = arith.constant 0 : i32
      %dma_start3A_30 = arith.constant 0 : i32
      %dma_start3A_31 = tpu.memref_slice %arg8[%run_scoped3A, %dma_start3A_29, %dma_start3A_30] : memref<2x8x128xi32, #tpu.memory_space<vmem>> -> memref<1x8x128xi32, #tpu.memory_space<vmem>>
      %dma_start3A_32 = tpu.memref_squeeze %dma_start3A_31 : memref<1x8x128xi32, #tpu.memory_space<vmem>> -> memref<8x128xi32, #tpu.memory_space<vmem>>
      %dma_start3A_33 = arith.constant 0 : i32
      %dma_start3A_34 = tpu.memref_slice %arg3[%arg0, %mul3A_0, %dma_start3A_33] : memref<2x2560x128xi32, #tpu.memory_space<hbm>> -> memref<1x8x128xi32, #tpu.memory_space<hbm>>
      %dma_start3A_35 = tpu.memref_squeeze %dma_start3A_34 : memref<1x8x128xi32, #tpu.memory_space<hbm>> -> memref<8x128xi32, #tpu.memory_space<hbm>>
      %dma_start3A_36 = arith.constant 0 : i32
      %dma_start3A_37 = arith.constant 0 : i32
      %dma_start3A_38 = tpu.memref_slice %arg8[%run_scoped3A, %dma_start3A_36, %dma_start3A_37] : memref<2x8x128xi32, #tpu.memory_space<vmem>> -> memref<1x8x128xi32, #tpu.memory_space<vmem>>
      %dma_start3A_39 = tpu.memref_squeeze %dma_start3A_38 : memref<1x8x128xi32, #tpu.memory_space<vmem>> -> memref<8x128xi32, #tpu.memory_space<vmem>>
      %dma_start3A_40 = arith.constant 0 : i32
      %dma_start3A_41 = tpu.memref_slice %arg3[%arg0, %mul3A_0, %dma_start3A_40] : memref<2x2560x128xi32, #tpu.memory_space<hbm>> -> memref<1x8x128xi32, #tpu.memory_space<hbm>>
      %dma_start3A_42 = tpu.memref_squeeze %dma_start3A_41 : memref<1x8x128xi32, #tpu.memory_space<hbm>> -> memref<8x128xi32, #tpu.memory_space<hbm>>
      tpu.enqueue_dma source(%dma_start3A_42 : memref<8x128xi32, #tpu.memory_space<hbm>>) target(%dma_start3A_39 : memref<8x128xi32, #tpu.memory_space<vmem>>) target_semaphore(%run_scoped3A_28 : memref<!tpu.dma_semaphore, #tpu.memory_space<semaphore_mem>>)
      %dma_wait3A = arith.constant 0 : i32
      %dma_wait3A_43 = arith.constant 0 : i32
      %dma_wait3A_44 = tpu.memref_slice %arg8[%run_scoped3A, %dma_wait3A, %dma_wait3A_43] : memref<2x8x128xi32, #tpu.memory_space<vmem>> -> memref<1x8x128xi32, #tpu.memory_space<vmem>>
      %dma_wait3A_45 = tpu.memref_squeeze %dma_wait3A_44 : memref<1x8x128xi32, #tpu.memory_space<vmem>> -> memref<8x128xi32, #tpu.memory_space<vmem>>
      %dma_wait3A_46 = arith.constant 0 : i32
      %dma_wait3A_47 = tpu.memref_slice %arg3[%arg0, %mul3A_0, %dma_wait3A_46] : memref<2x2560x128xi32, #tpu.memory_space<hbm>> -> memref<1x8x128xi32, #tpu.memory_space<hbm>>
      %dma_wait3A_48 = tpu.memref_squeeze %dma_wait3A_47 : memref<1x8x128xi32, #tpu.memory_space<hbm>> -> memref<8x128xi32, #tpu.memory_space<hbm>>
      %dma_wait3A_49 = arith.constant 0 : i32
      %dma_wait3A_50 = arith.constant 0 : i32
      %dma_wait3A_51 = tpu.memref_slice %arg8[%run_scoped3A, %dma_wait3A_49, %dma_wait3A_50] : memref<2x8x128xi32, #tpu.memory_space<vmem>> -> memref<1x8x128xi32, #tpu.memory_space<vmem>>
      %dma_wait3A_52 = tpu.memref_squeeze %dma_wait3A_51 : memref<1x8x128xi32, #tpu.memory_space<vmem>> -> memref<8x128xi32, #tpu.memory_space<vmem>>
      %dma_wait3A_53 = arith.constant 0 : i32
      %dma_wait3A_54 = tpu.memref_slice %arg3[%arg0, %mul3A_0, %dma_wait3A_53] : memref<2x2560x128xi32, #tpu.memory_space<hbm>> -> memref<1x8x128xi32, #tpu.memory_space<hbm>>
      %dma_wait3A_55 = tpu.memref_squeeze %dma_wait3A_54 : memref<1x8x128xi32, #tpu.memory_space<hbm>> -> memref<8x128xi32, #tpu.memory_space<hbm>>
      tpu.wait_dma2 semaphore(%run_scoped3A_28 : memref<!tpu.dma_semaphore, #tpu.memory_space<semaphore_mem>>) src(%dma_wait3A_55 : memref<8x128xi32, #tpu.memory_space<hbm>>) dst(%dma_wait3A_52 : memref<8x128xi32, #tpu.memory_space<vmem>>)
      tpu.yield
    }) : () -> ()
    %run_scoped3A_1 = arith.constant 0 : i32
    "tpu.region"() ({
      %run_scoped3A_28 = tpu.sem_alloc : memref<!tpu.dma_semaphore, #tpu.memory_space<semaphore_mem>>
      %dma_start3A_29 = arith.constant 0 : i32
      %dma_start3A_30 = arith.constant 0 : i32
      %dma_start3A_31 = tpu.memref_slice %arg9[%run_scoped3A_1, %dma_start3A_29, %dma_start3A_30] : memref<2x8x128xi32, #tpu.memory_space<vmem>> -> memref<1x8x128xi32, #tpu.memory_space<vmem>>
      %dma_start3A_32 = tpu.memref_squeeze %dma_start3A_31 : memref<1x8x128xi32, #tpu.memory_space<vmem>> -> memref<8x128xi32, #tpu.memory_space<vmem>>
      %dma_start3A_33 = arith.constant 0 : i32
      %dma_start3A_34 = tpu.memref_slice %arg4[%mul3A_0, %dma_start3A_33] : memref<2560x128xi32, #tpu.memory_space<hbm>> -> memref<8x128xi32, #tpu.memory_space<hbm>>
      %dma_start3A_35 = arith.constant 0 : i32
      %dma_start3A_36 = arith.constant 0 : i32
      %dma_start3A_37 = tpu.memref_slice %arg9[%run_scoped3A_1, %dma_start3A_35, %dma_start3A_36] : memref<2x8x128xi32, #tpu.memory_space<vmem>> -> memref<1x8x128xi32, #tpu.memory_space<vmem>>
      %dma_start3A_38 = tpu.memref_squeeze %dma_start3A_37 : memref<1x8x128xi32, #tpu.memory_space<vmem>> -> memref<8x128xi32, #tpu.memory_space<vmem>>
      %dma_start3A_39 = arith.constant 0 : i32
      %dma_start3A_40 = tpu.memref_slice %arg4[%mul3A_0, %dma_start3A_39] : memref<2560x128xi32, #tpu.memory_space<hbm>> -> memref<8x128xi32, #tpu.memory_space<hbm>>
      tpu.enqueue_dma source(%dma_start3A_40 : memref<8x128xi32, #tpu.memory_space<hbm>>) target(%dma_start3A_38 : memref<8x128xi32, #tpu.memory_space<vmem>>) target_semaphore(%run_scoped3A_28 : memref<!tpu.dma_semaphore, #tpu.memory_space<semaphore_mem>>)
      %dma_wait3A = arith.constant 0 : i32
      %dma_wait3A_41 = arith.constant 0 : i32
      %dma_wait3A_42 = tpu.memref_slice %arg9[%run_scoped3A_1, %dma_wait3A, %dma_wait3A_41] : memref<2x8x128xi32, #tpu.memory_space<vmem>> -> memref<1x8x128xi32, #tpu.memory_space<vmem>>
      %dma_wait3A_43 = tpu.memref_squeeze %dma_wait3A_42 : memref<1x8x128xi32, #tpu.memory_space<vmem>> -> memref<8x128xi32, #tpu.memory_space<vmem>>
      %dma_wait3A_44 = arith.constant 0 : i32
      %dma_wait3A_45 = tpu.memref_slice %arg4[%mul3A_0, %dma_wait3A_44] : memref<2560x128xi32, #tpu.memory_space<hbm>> -> memref<8x128xi32, #tpu.memory_space<hbm>>
      %dma_wait3A_46 = arith.constant 0 : i32
      %dma_wait3A_47 = arith.constant 0 : i32
      %dma_wait3A_48 = tpu.memref_slice %arg9[%run_scoped3A_1, %dma_wait3A_46, %dma_wait3A_47] : memref<2x8x128xi32, #tpu.memory_space<vmem>> -> memref<1x8x128xi32, #tpu.memory_space<vmem>>
      %dma_wait3A_49 = tpu.memref_squeeze %dma_wait3A_48 : memref<1x8x128xi32, #tpu.memory_space<vmem>> -> memref<8x128xi32, #tpu.memory_space<vmem>>
      %dma_wait3A_50 = arith.constant 0 : i32
      %dma_wait3A_51 = tpu.memref_slice %arg4[%mul3A_0, %dma_wait3A_50] : memref<2560x128xi32, #tpu.memory_space<hbm>> -> memref<8x128xi32, #tpu.memory_space<hbm>>
      tpu.wait_dma2 semaphore(%run_scoped3A_28 : memref<!tpu.dma_semaphore, #tpu.memory_space<semaphore_mem>>) src(%dma_wait3A_51 : memref<8x128xi32, #tpu.memory_space<hbm>>) dst(%dma_wait3A_49 : memref<8x128xi32, #tpu.memory_space<vmem>>)
      tpu.yield
    }) : () -> ()
    %mul3A_2 = arith.constant 632 : i32
    %mul3A_3 = arith.muli %arg1, %mul3A_2 : i32
    %mul3A_4 = arith.constant 632 : i32
    %mul3A_5 = arith.muli %arg1, %mul3A_4 : i32
    "tpu.region"() ({
      %run_scoped3A_28 = tpu.sem_alloc : memref<!tpu.dma_semaphore, #tpu.memory_space<semaphore_mem>>
      %dma_start3A_29 = arith.constant 0 : i32
      %dma_start3A_30 = tpu.memref_slice %arg7[%mul3A_5, %dma_start3A_29] : memref<10112x128xf32, #tpu.memory_space<vmem_shared>> -> memref<632x128xf32, #tpu.memory_space<vmem_shared>>
      %dma_start3A_31 = arith.constant 0 : i32
      %dma_start3A_32 = tpu.memref_slice %arg5[%mul3A_3, %dma_start3A_31] : memref<10112x128xf32, #tpu.memory_space<hbm>> -> memref<632x128xf32, #tpu.memory_space<hbm>>
      tpu.enqueue_dma source(%dma_start3A_32 : memref<632x128xf32, #tpu.memory_space<hbm>>) target(%dma_start3A_30 : memref<632x128xf32, #tpu.memory_space<vmem_shared>>) target_semaphore(%run_scoped3A_28 : memref<!tpu.dma_semaphore, #tpu.memory_space<semaphore_mem>>)
      %dma_wait3A = arith.constant 0 : i32
      %dma_wait3A_33 = tpu.memref_slice %arg7[%mul3A_5, %dma_wait3A] : memref<10112x128xf32, #tpu.memory_space<vmem_shared>> -> memref<632x128xf32, #tpu.memory_space<vmem_shared>>
      %dma_wait3A_34 = arith.constant 0 : i32
      %dma_wait3A_35 = tpu.memref_slice %arg5[%mul3A_3, %dma_wait3A_34] : memref<10112x128xf32, #tpu.memory_space<hbm>> -> memref<632x128xf32, #tpu.memory_space<hbm>>
      tpu.wait_dma2 semaphore(%run_scoped3A_28 : memref<!tpu.dma_semaphore, #tpu.memory_space<semaphore_mem>>) src(%dma_wait3A_35 : memref<632x128xf32, #tpu.memory_space<hbm>>) dst(%dma_wait3A_33 : memref<632x128xf32, #tpu.memory_space<vmem_shared>>)
      tpu.yield
    }) : () -> ()
    %barrier3A = arith.constant 0 : index
    tpu.barrier barrier_id(%barrier3A)
    %dma_start3A = arith.constant 0 : i32
    %dma_start3A_6 = arith.constant 0 : i32
    %dma_start3A_7 = arith.constant 0 : i32
    %dma_start3A_8 = arith.constant 0 : i32
    %dma_start3A_9 = arith.constant 0 : i32
    %dma_start3A_10 = tpu.memref_slice %arg10[%dma_start3A_7, %dma_start3A_8, %dma_start3A_9] : memref<2x128x128xf32, #tpu.memory_space<vmem>> -> memref<1x128x128xf32, #tpu.memory_space<vmem>>
    %dma_start3A_11 = tpu.memref_squeeze %dma_start3A_10 : memref<1x128x128xf32, #tpu.memory_space<vmem>> -> memref<128x128xf32, #tpu.memory_space<vmem>>
    %dma_start3A_12 = arith.constant 0 : i32
    %dma_start3A_13 = tpu.memref_slice %arg8[%dma_start3A, %dma_start3A_6, %dma_start3A_12] : memref<2x8x128xi32, #tpu.memory_space<vmem>> -> memref<1x1x128xi32, #tpu.memory_space<vmem>>
    %dma_start3A_14 = tpu.memref_squeeze %dma_start3A_13 : memref<1x1x128xi32, #tpu.memory_space<vmem>> -> memref<128xi32, #tpu.memory_space<vmem>>
    %dma_start3A_15 = arith.constant 0 : i32
    %dma_start3A_16 = arith.constant 0 : i32
    %dma_start3A_17 = tpu.memref_slice %arg2[%dma_start3A_15, %dma_start3A_16] : memref<20000x128xf32, #tpu.memory_space<hbm>> -> memref<20000x128xf32, #tpu.memory_space<hbm>>
    tpu.enqueue_indirect_dma source(%dma_start3A_17 : memref<20000x128xf32, #tpu.memory_space<hbm>>) target(%dma_start3A_11 : memref<128x128xf32, #tpu.memory_space<vmem>>) offsets(%dma_start3A_14 : memref<128xi32, #tpu.memory_space<vmem>>) semaphore(%arg11 : memref<!tpu.dma_semaphore, #tpu.memory_space<semaphore_mem>>)
    %scan3A = arith.constant 0 : i32
    %scan3A_18 = arith.constant 0 : i32
    %scan3A_19 = arith.constant 20 : i32
    %scan3A_20 = arith.addi %scan3A_18, %scan3A_19 : i32
    %scan3A_21 = arith.constant 1 : i32
    scf.for %scan3A_28 = %scan3A_18 to %scan3A_20 step %scan3A_21  : i32 {
      %jit3A = arith.constant 2 : i32
      %eq3A = arith.constant 0 : i32
      %eq3A_29 = arith.cmpi eq, %jit3A, %eq3A : i32
      %jit3A_30 = arith.constant 1 : i32
      %select_n3A = arith.select %eq3A_29, %jit3A_30, %jit3A : i32
      %rem3A = arith.remsi %scan3A_28, %select_n3A : i32
      %ne3A = arith.constant 0 : i32
      %ne3A_31 = arith.cmpi ne, %rem3A, %ne3A : i32
      %lt3A = arith.constant 0 : i32
      %lt3A_32 = arith.cmpi slt, %rem3A, %lt3A : i32
      %lt3A_33 = arith.constant 0 : i32
      %lt3A_34 = arith.cmpi slt, %select_n3A, %lt3A_33 : i32
      %ne3A_35 = arith.xori %lt3A_32, %lt3A_34 : i1
      %and3A = arith.andi %ne3A_35, %ne3A_31 : i1
      %add3A = arith.addi %rem3A, %select_n3A : i32
      %select_n3A_36 = arith.select %and3A, %add3A, %rem3A : i32
      %lt3A_37 = arith.constant 19 : i32
      %lt3A_38 = arith.cmpi slt, %scan3A_28, %lt3A_37 : i32
      %convert_element_type3A = arith.extui %lt3A_38 : i1 to i32
      %cond3A = arith.constant 0 : i32
      %cond3A_39 = arith.cmpi ne, %convert_element_type3A, %cond3A : i32
      scf.if %cond3A_39 {
        %add3A_240 = arith.constant 1 : i32
        %add3A_241 = arith.addi %scan3A_28, %add3A_240 : i32
        %mul3A_242 = arith.constant 8 : i32
        %mul3A_243 = arith.muli %add3A_241, %mul3A_242 : i32
        %add3A_244 = arith.addi %mul3A_0, %mul3A_243 : i32
        %jit3A_245 = arith.constant 2 : i32
        %eq3A_246 = arith.constant 0 : i32
        %eq3A_247 = arith.cmpi eq, %jit3A_245, %eq3A_246 : i32
        %jit3A_248 = arith.constant 1 : i32
        %select_n3A_249 = arith.select %eq3A_247, %jit3A_248, %jit3A_245 : i32
        %rem3A_250 = arith.remsi %add3A_241, %select_n3A_249 : i32
        %ne3A_251 = arith.constant 0 : i32
        %ne3A_252 = arith.cmpi ne, %rem3A_250, %ne3A_251 : i32
        %lt3A_253 = arith.constant 0 : i32
        %lt3A_254 = arith.cmpi slt, %rem3A_250, %lt3A_253 : i32
        %lt3A_255 = arith.constant 0 : i32
        %lt3A_256 = arith.cmpi slt, %select_n3A_249, %lt3A_255 : i32
        %ne3A_257 = arith.xori %lt3A_254, %lt3A_256 : i1
        %and3A_258 = arith.andi %ne3A_257, %ne3A_252 : i1
        %add3A_259 = arith.addi %rem3A_250, %select_n3A_249 : i32
        %select_n3A_260 = arith.select %and3A_258, %add3A_259, %rem3A_250 : i32
        %dma_start3A_261 = arith.constant 0 : i32
        %dma_start3A_262 = arith.constant 0 : i32
        %dma_start3A_263 = tpu.memref_slice %arg8[%select_n3A_260, %dma_start3A_261, %dma_start3A_262] : memref<2x8x128xi32, #tpu.memory_space<vmem>> -> memref<1x8x128xi32, #tpu.memory_space<vmem>>
        %dma_start3A_264 = tpu.memref_squeeze %dma_start3A_263 : memref<1x8x128xi32, #tpu.memory_space<vmem>> -> memref<8x128xi32, #tpu.memory_space<vmem>>
        %dma_start3A_265 = arith.constant 0 : i32
        %dma_start3A_266 = tpu.memref_slice %arg3[%arg0, %add3A_244, %dma_start3A_265] : memref<2x2560x128xi32, #tpu.memory_space<hbm>> -> memref<1x8x128xi32, #tpu.memory_space<hbm>>
        %dma_start3A_267 = tpu.memref_squeeze %dma_start3A_266 : memref<1x8x128xi32, #tpu.memory_space<hbm>> -> memref<8x128xi32, #tpu.memory_space<hbm>>
        %dma_start3A_268 = arith.constant 0 : i32
        %dma_start3A_269 = arith.constant 0 : i32
        %dma_start3A_270 = tpu.memref_slice %arg8[%select_n3A_260, %dma_start3A_268, %dma_start3A_269] : memref<2x8x128xi32, #tpu.memory_space<vmem>> -> memref<1x8x128xi32, #tpu.memory_space<vmem>>
        %dma_start3A_271 = tpu.memref_squeeze %dma_start3A_270 : memref<1x8x128xi32, #tpu.memory_space<vmem>> -> memref<8x128xi32, #tpu.memory_space<vmem>>
        %dma_start3A_272 = arith.constant 0 : i32
        %dma_start3A_273 = tpu.memref_slice %arg3[%arg0, %add3A_244, %dma_start3A_272] : memref<2x2560x128xi32, #tpu.memory_space<hbm>> -> memref<1x8x128xi32, #tpu.memory_space<hbm>>
        %dma_start3A_274 = tpu.memref_squeeze %dma_start3A_273 : memref<1x8x128xi32, #tpu.memory_space<hbm>> -> memref<8x128xi32, #tpu.memory_space<hbm>>
        tpu.enqueue_dma source(%dma_start3A_274 : memref<8x128xi32, #tpu.memory_space<hbm>>) target(%dma_start3A_271 : memref<8x128xi32, #tpu.memory_space<vmem>>) target_semaphore(%arg12 : memref<!tpu.dma_semaphore, #tpu.memory_space<semaphore_mem>>)
        %mul3A_275 = arith.constant 8 : i32
        %mul3A_276 = arith.muli %add3A_241, %mul3A_275 : i32
        %add3A_277 = arith.addi %mul3A_0, %mul3A_276 : i32
        %jit3A_278 = arith.constant 2 : i32
        %eq3A_279 = arith.constant 0 : i32
        %eq3A_280 = arith.cmpi eq, %jit3A_278, %eq3A_279 : i32
        %jit3A_281 = arith.constant 1 : i32
        %select_n3A_282 = arith.select %eq3A_280, %jit3A_281, %jit3A_278 : i32
        %rem3A_283 = arith.remsi %add3A_241, %select_n3A_282 : i32
        %ne3A_284 = arith.constant 0 : i32
        %ne3A_285 = arith.cmpi ne, %rem3A_283, %ne3A_284 : i32
        %lt3A_286 = arith.constant 0 : i32
        %lt3A_287 = arith.cmpi slt, %rem3A_283, %lt3A_286 : i32
        %lt3A_288 = arith.constant 0 : i32
        %lt3A_289 = arith.cmpi slt, %select_n3A_282, %lt3A_288 : i32
        %ne3A_290 = arith.xori %lt3A_287, %lt3A_289 : i1
        %and3A_291 = arith.andi %ne3A_290, %ne3A_285 : i1
        %add3A_292 = arith.addi %rem3A_283, %select_n3A_282 : i32
        %select_n3A_293 = arith.select %and3A_291, %add3A_292, %rem3A_283 : i32
        %dma_start3A_294 = arith.constant 0 : i32
        %dma_start3A_295 = arith.constant 0 : i32
        %dma_start3A_296 = tpu.memref_slice %arg9[%select_n3A_293, %dma_start3A_294, %dma_start3A_295] : memref<2x8x128xi32, #tpu.memory_space<vmem>> -> memref<1x8x128xi32, #tpu.memory_space<vmem>>
        %dma_start3A_297 = tpu.memref_squeeze %dma_start3A_296 : memref<1x8x128xi32, #tpu.memory_space<vmem>> -> memref<8x128xi32, #tpu.memory_space<vmem>>
        %dma_start3A_298 = arith.constant 0 : i32
        %dma_start3A_299 = tpu.memref_slice %arg4[%add3A_277, %dma_start3A_298] : memref<2560x128xi32, #tpu.memory_space<hbm>> -> memref<8x128xi32, #tpu.memory_space<hbm>>
        %dma_start3A_300 = arith.constant 0 : i32
        %dma_start3A_301 = arith.constant 0 : i32
        %dma_start3A_302 = tpu.memref_slice %arg9[%select_n3A_293, %dma_start3A_300, %dma_start3A_301] : memref<2x8x128xi32, #tpu.memory_space<vmem>> -> memref<1x8x128xi32, #tpu.memory_space<vmem>>
        %dma_start3A_303 = tpu.memref_squeeze %dma_start3A_302 : memref<1x8x128xi32, #tpu.memory_space<vmem>> -> memref<8x128xi32, #tpu.memory_space<vmem>>
        %dma_start3A_304 = arith.constant 0 : i32
        %dma_start3A_305 = tpu.memref_slice %arg4[%add3A_277, %dma_start3A_304] : memref<2560x128xi32, #tpu.memory_space<hbm>> -> memref<8x128xi32, #tpu.memory_space<hbm>>
        tpu.enqueue_dma source(%dma_start3A_305 : memref<8x128xi32, #tpu.memory_space<hbm>>) target(%dma_start3A_303 : memref<8x128xi32, #tpu.memory_space<vmem>>) target_semaphore(%arg12 : memref<!tpu.dma_semaphore, #tpu.memory_space<semaphore_mem>>)
      } else {
      }
      %dma_start3A_40 = arith.constant 1 : i32
      %dma_start3A_41 = arith.constant 1 : i32
      %dma_start3A_42 = arith.constant 0 : i32
      %dma_start3A_43 = arith.constant 0 : i32
      %dma_start3A_44 = tpu.memref_slice %arg10[%dma_start3A_41, %dma_start3A_42, %dma_start3A_43] : memref<2x128x128xf32, #tpu.memory_space<vmem>> -> memref<1x128x128xf32, #tpu.memory_space<vmem>>
      %dma_start3A_45 = tpu.memref_squeeze %dma_start3A_44 : memref<1x128x128xf32, #tpu.memory_space<vmem>> -> memref<128x128xf32, #tpu.memory_space<vmem>>
      %dma_start3A_46 = arith.constant 0 : i32
      %dma_start3A_47 = tpu.memref_slice %arg8[%select_n3A_36, %dma_start3A_40, %dma_start3A_46] : memref<2x8x128xi32, #tpu.memory_space<vmem>> -> memref<1x1x128xi32, #tpu.memory_space<vmem>>
      %dma_start3A_48 = tpu.memref_squeeze %dma_start3A_47 : memref<1x1x128xi32, #tpu.memory_space<vmem>> -> memref<128xi32, #tpu.memory_space<vmem>>
      %dma_start3A_49 = arith.constant 0 : i32
      %dma_start3A_50 = arith.constant 0 : i32
      %dma_start3A_51 = tpu.memref_slice %arg2[%dma_start3A_49, %dma_start3A_50] : memref<20000x128xf32, #tpu.memory_space<hbm>> -> memref<20000x128xf32, #tpu.memory_space<hbm>>
      tpu.enqueue_indirect_dma source(%dma_start3A_51 : memref<20000x128xf32, #tpu.memory_space<hbm>>) target(%dma_start3A_45 : memref<128x128xf32, #tpu.memory_space<vmem>>) offsets(%dma_start3A_48 : memref<128xi32, #tpu.memory_space<vmem>>) semaphore(%arg11 : memref<!tpu.dma_semaphore, #tpu.memory_space<semaphore_mem>>)
      %dma_wait3A = arith.constant 0 : i32
      %dma_wait3A_52 = arith.constant 0 : i32
      %dma_wait3A_53 = arith.constant 0 : i32
      %dma_wait3A_54 = arith.constant 0 : i32
      %dma_wait3A_55 = tpu.memref_slice %arg10[%dma_wait3A_52, %dma_wait3A_53, %dma_wait3A_54] : memref<2x128x128xf32, #tpu.memory_space<vmem>> -> memref<1x128x128xf32, #tpu.memory_space<vmem>>
      %dma_wait3A_56 = tpu.memref_squeeze %dma_wait3A_55 : memref<1x128x128xf32, #tpu.memory_space<vmem>> -> memref<128x128xf32, #tpu.memory_space<vmem>>
      %dma_wait3A_57 = arith.constant 0 : i32
      %dma_wait3A_58 = tpu.memref_slice %arg8[%select_n3A_36, %dma_wait3A, %dma_wait3A_57] : memref<2x8x128xi32, #tpu.memory_space<vmem>> -> memref<1x1x128xi32, #tpu.memory_space<vmem>>
      %dma_wait3A_59 = tpu.memref_squeeze %dma_wait3A_58 : memref<1x1x128xi32, #tpu.memory_space<vmem>> -> memref<128xi32, #tpu.memory_space<vmem>>
      %dma_wait3A_60 = arith.constant 0 : i32
      %dma_wait3A_61 = arith.constant 0 : i32
      %dma_wait3A_62 = tpu.memref_slice %arg2[%dma_wait3A_60, %dma_wait3A_61] : memref<20000x128xf32, #tpu.memory_space<hbm>> -> memref<20000x128xf32, #tpu.memory_space<hbm>>
      tpu.wait_indirect_dma semaphore(%arg11 : memref<!tpu.dma_semaphore, #tpu.memory_space<semaphore_mem>>) src(%dma_wait3A_62 : memref<20000x128xf32, #tpu.memory_space<hbm>>) dst(%dma_wait3A_56 : memref<128x128xf32, #tpu.memory_space<vmem>>)
      %run_scoped3A_63 = arith.constant 0 : i32
      %run_scoped3A_64 = arith.constant 0 : i32
      "tpu.region"() ({
        %run_scoped3A_240 = tpu.sem_alloc : memref<!tpu.dma_semaphore, #tpu.memory_space<semaphore_mem>>
        %dma_start3A_241 = arith.constant 0 : i32
        %dma_start3A_242 = arith.constant 0 : i32
        %dma_start3A_243 = tpu.memref_slice %arg10[%run_scoped3A_63, %dma_start3A_241, %dma_start3A_242] : memref<2x128x128xf32, #tpu.memory_space<vmem>> -> memref<1x128x128xf32, #tpu.memory_space<vmem>>
        %dma_start3A_244 = tpu.memref_squeeze %dma_start3A_243 : memref<1x128x128xf32, #tpu.memory_space<vmem>> -> memref<128x128xf32, #tpu.memory_space<vmem>>
        %dma_start3A_245 = arith.constant 0 : i32
        %dma_start3A_246 = tpu.memref_slice %arg9[%select_n3A_36, %run_scoped3A_64, %dma_start3A_245] : memref<2x8x128xi32, #tpu.memory_space<vmem>> -> memref<1x1x128xi32, #tpu.memory_space<vmem>>
        %dma_start3A_247 = tpu.memref_squeeze %dma_start3A_246 : memref<1x1x128xi32, #tpu.memory_space<vmem>> -> memref<128xi32, #tpu.memory_space<vmem>>
        %dma_start3A_248 = arith.constant 0 : i32
        %dma_start3A_249 = arith.constant 0 : i32
        %dma_start3A_250 = tpu.memref_slice %arg7[%dma_start3A_248, %dma_start3A_249] : memref<10112x128xf32, #tpu.memory_space<vmem_shared>> -> memref<10112x128xf32, #tpu.memory_space<vmem_shared>>
        tpu.enqueue_indirect_dma source(%dma_start3A_244 : memref<128x128xf32, #tpu.memory_space<vmem>>) target(%dma_start3A_250 : memref<10112x128xf32, #tpu.memory_space<vmem_shared>>) offsets(%dma_start3A_247 : memref<128xi32, #tpu.memory_space<vmem>>) semaphore(%run_scoped3A_240 : memref<!tpu.dma_semaphore, #tpu.memory_space<semaphore_mem>>) {add = true}
        %dma_wait3A_251 = arith.constant 0 : i32
        %dma_wait3A_252 = arith.constant 0 : i32
        %dma_wait3A_253 = tpu.memref_slice %arg10[%run_scoped3A_63, %dma_wait3A_251, %dma_wait3A_252] : memref<2x128x128xf32, #tpu.memory_space<vmem>> -> memref<1x128x128xf32, #tpu.memory_space<vmem>>
        %dma_wait3A_254 = tpu.memref_squeeze %dma_wait3A_253 : memref<1x128x128xf32, #tpu.memory_space<vmem>> -> memref<128x128xf32, #tpu.memory_space<vmem>>
        %dma_wait3A_255 = arith.constant 0 : i32
        %dma_wait3A_256 = tpu.memref_slice %arg9[%select_n3A_36, %run_scoped3A_64, %dma_wait3A_255] : memref<2x8x128xi32, #tpu.memory_space<vmem>> -> memref<1x1x128xi32, #tpu.memory_space<vmem>>
        %dma_wait3A_257 = tpu.memref_squeeze %dma_wait3A_256 : memref<1x1x128xi32, #tpu.memory_space<vmem>> -> memref<128xi32, #tpu.memory_space<vmem>>
        %dma_wait3A_258 = arith.constant 0 : i32
        %dma_wait3A_259 = arith.constant 0 : i32
        %dma_wait3A_260 = tpu.memref_slice %arg7[%dma_wait3A_258, %dma_wait3A_259] : memref<10112x128xf32, #tpu.memory_space<vmem_shared>> -> memref<10112x128xf32, #tpu.memory_space<vmem_shared>>
        tpu.wait_indirect_dma semaphore(%run_scoped3A_240 : memref<!tpu.dma_semaphore, #tpu.memory_space<semaphore_mem>>) src(%dma_wait3A_254 : memref<128x128xf32, #tpu.memory_space<vmem>>) dst(%dma_wait3A_260 : memref<10112x128xf32, #tpu.memory_space<vmem_shared>>)
        tpu.yield
      }) : () -> ()
      %dma_start3A_65 = arith.constant 2 : i32
      %dma_start3A_66 = arith.constant 0 : i32
      %dma_start3A_67 = arith.constant 0 : i32
      %dma_start3A_68 = arith.constant 0 : i32
      %dma_start3A_69 = tpu.memref_slice %arg10[%dma_start3A_66, %dma_start3A_67, %dma_start3A_68] : memref<2x128x128xf32, #tpu.memory_space<vmem>> -> memref<1x128x128xf32, #tpu.memory_space<vmem>>
      %dma_start3A_70 = tpu.memref_squeeze %dma_start3A_69 : memref<1x128x128xf32, #tpu.memory_space<vmem>> -> memref<128x128xf32, #tpu.memory_space<vmem>>
      %dma_start3A_71 = arith.constant 0 : i32
      %dma_start3A_72 = tpu.memref_slice %arg8[%select_n3A_36, %dma_start3A_65, %dma_start3A_71] : memref<2x8x128xi32, #tpu.memory_space<vmem>> -> memref<1x1x128xi32, #tpu.memory_space<vmem>>
      %dma_start3A_73 = tpu.memref_squeeze %dma_start3A_72 : memref<1x1x128xi32, #tpu.memory_space<vmem>> -> memref<128xi32, #tpu.memory_space<vmem>>
      %dma_start3A_74 = arith.constant 0 : i32
      %dma_start3A_75 = arith.constant 0 : i32
      %dma_start3A_76 = tpu.memref_slice %arg2[%dma_start3A_74, %dma_start3A_75] : memref<20000x128xf32, #tpu.memory_space<hbm>> -> memref<20000x128xf32, #tpu.memory_space<hbm>>
      tpu.enqueue_indirect_dma source(%dma_start3A_76 : memref<20000x128xf32, #tpu.memory_space<hbm>>) target(%dma_start3A_70 : memref<128x128xf32, #tpu.memory_space<vmem>>) offsets(%dma_start3A_73 : memref<128xi32, #tpu.memory_space<vmem>>) semaphore(%arg11 : memref<!tpu.dma_semaphore, #tpu.memory_space<semaphore_mem>>)
      %dma_wait3A_77 = arith.constant 1 : i32
      %dma_wait3A_78 = arith.constant 1 : i32
      %dma_wait3A_79 = arith.constant 0 : i32
      %dma_wait3A_80 = arith.constant 0 : i32
      %dma_wait3A_81 = tpu.memref_slice %arg10[%dma_wait3A_78, %dma_wait3A_79, %dma_wait3A_80] : memref<2x128x128xf32, #tpu.memory_space<vmem>> -> memref<1x128x128xf32, #tpu.memory_space<vmem>>
      %dma_wait3A_82 = tpu.memref_squeeze %dma_wait3A_81 : memref<1x128x128xf32, #tpu.memory_space<vmem>> -> memref<128x128xf32, #tpu.memory_space<vmem>>
      %dma_wait3A_83 = arith.constant 0 : i32
      %dma_wait3A_84 = tpu.memref_slice %arg8[%select_n3A_36, %dma_wait3A_77, %dma_wait3A_83] : memref<2x8x128xi32, #tpu.memory_space<vmem>> -> memref<1x1x128xi32, #tpu.memory_space<vmem>>
      %dma_wait3A_85 = tpu.memref_squeeze %dma_wait3A_84 : memref<1x1x128xi32, #tpu.memory_space<vmem>> -> memref<128xi32, #tpu.memory_space<vmem>>
      %dma_wait3A_86 = arith.constant 0 : i32
      %dma_wait3A_87 = arith.constant 0 : i32
      %dma_wait3A_88 = tpu.memref_slice %arg2[%dma_wait3A_86, %dma_wait3A_87] : memref<20000x128xf32, #tpu.memory_space<hbm>> -> memref<20000x128xf32, #tpu.memory_space<hbm>>
      tpu.wait_indirect_dma semaphore(%arg11 : memref<!tpu.dma_semaphore, #tpu.memory_space<semaphore_mem>>) src(%dma_wait3A_88 : memref<20000x128xf32, #tpu.memory_space<hbm>>) dst(%dma_wait3A_82 : memref<128x128xf32, #tpu.memory_space<vmem>>)
      %run_scoped3A_89 = arith.constant 1 : i32
      %run_scoped3A_90 = arith.constant 1 : i32
      "tpu.region"() ({
        %run_scoped3A_240 = tpu.sem_alloc : memref<!tpu.dma_semaphore, #tpu.memory_space<semaphore_mem>>
        %dma_start3A_241 = arith.constant 0 : i32
        %dma_start3A_242 = arith.constant 0 : i32
        %dma_start3A_243 = tpu.memref_slice %arg10[%run_scoped3A_89, %dma_start3A_241, %dma_start3A_242] : memref<2x128x128xf32, #tpu.memory_space<vmem>> -> memref<1x128x128xf32, #tpu.memory_space<vmem>>
        %dma_start3A_244 = tpu.memref_squeeze %dma_start3A_243 : memref<1x128x128xf32, #tpu.memory_space<vmem>> -> memref<128x128xf32, #tpu.memory_space<vmem>>
        %dma_start3A_245 = arith.constant 0 : i32
        %dma_start3A_246 = tpu.memref_slice %arg9[%select_n3A_36, %run_scoped3A_90, %dma_start3A_245] : memref<2x8x128xi32, #tpu.memory_space<vmem>> -> memref<1x1x128xi32, #tpu.memory_space<vmem>>
        %dma_start3A_247 = tpu.memref_squeeze %dma_start3A_246 : memref<1x1x128xi32, #tpu.memory_space<vmem>> -> memref<128xi32, #tpu.memory_space<vmem>>
        %dma_start3A_248 = arith.constant 0 : i32
        %dma_start3A_249 = arith.constant 0 : i32
        %dma_start3A_250 = tpu.memref_slice %arg7[%dma_start3A_248, %dma_start3A_249] : memref<10112x128xf32, #tpu.memory_space<vmem_shared>> -> memref<10112x128xf32, #tpu.memory_space<vmem_shared>>
        tpu.enqueue_indirect_dma source(%dma_start3A_244 : memref<128x128xf32, #tpu.memory_space<vmem>>) target(%dma_start3A_250 : memref<10112x128xf32, #tpu.memory_space<vmem_shared>>) offsets(%dma_start3A_247 : memref<128xi32, #tpu.memory_space<vmem>>) semaphore(%run_scoped3A_240 : memref<!tpu.dma_semaphore, #tpu.memory_space<semaphore_mem>>) {add = true}
        %dma_wait3A_251 = arith.constant 0 : i32
        %dma_wait3A_252 = arith.constant 0 : i32
        %dma_wait3A_253 = tpu.memref_slice %arg10[%run_scoped3A_89, %dma_wait3A_251, %dma_wait3A_252] : memref<2x128x128xf32, #tpu.memory_space<vmem>> -> memref<1x128x128xf32, #tpu.memory_space<vmem>>
        %dma_wait3A_254 = tpu.memref_squeeze %dma_wait3A_253 : memref<1x128x128xf32, #tpu.memory_space<vmem>> -> memref<128x128xf32, #tpu.memory_space<vmem>>
        %dma_wait3A_255 = arith.constant 0 : i32
        %dma_wait3A_256 = tpu.memref_slice %arg9[%select_n3A_36, %run_scoped3A_90, %dma_wait3A_255] : memref<2x8x128xi32, #tpu.memory_space<vmem>> -> memref<1x1x128xi32, #tpu.memory_space<vmem>>
        %dma_wait3A_257 = tpu.memref_squeeze %dma_wait3A_256 : memref<1x1x128xi32, #tpu.memory_space<vmem>> -> memref<128xi32, #tpu.memory_space<vmem>>
        %dma_wait3A_258 = arith.constant 0 : i32
        %dma_wait3A_259 = arith.constant 0 : i32
        %dma_wait3A_260 = tpu.memref_slice %arg7[%dma_wait3A_258, %dma_wait3A_259] : memref<10112x128xf32, #tpu.memory_space<vmem_shared>> -> memref<10112x128xf32, #tpu.memory_space<vmem_shared>>
        tpu.wait_indirect_dma semaphore(%run_scoped3A_240 : memref<!tpu.dma_semaphore, #tpu.memory_space<semaphore_mem>>) src(%dma_wait3A_254 : memref<128x128xf32, #tpu.memory_space<vmem>>) dst(%dma_wait3A_260 : memref<10112x128xf32, #tpu.memory_space<vmem_shared>>)
        tpu.yield
      }) : () -> ()
      %dma_start3A_91 = arith.constant 3 : i32
      %dma_start3A_92 = arith.constant 1 : i32
      %dma_start3A_93 = arith.constant 0 : i32
      %dma_start3A_94 = arith.constant 0 : i32
      %dma_start3A_95 = tpu.memref_slice %arg10[%dma_start3A_92, %dma_start3A_93, %dma_start3A_94] : memref<2x128x128xf32, #tpu.memory_space<vmem>> -> memref<1x128x128xf32, #tpu.memory_space<vmem>>
      %dma_start3A_96 = tpu.memref_squeeze %dma_start3A_95 : memref<1x128x128xf32, #tpu.memory_space<vmem>> -> memref<128x128xf32, #tpu.memory_space<vmem>>
      %dma_start3A_97 = arith.constant 0 : i32
      %dma_start3A_98 = tpu.memref_slice %arg8[%select_n3A_36, %dma_start3A_91, %dma_start3A_97] : memref<2x8x128xi32, #tpu.memory_space<vmem>> -> memref<1x1x128xi32, #tpu.memory_space<vmem>>
      %dma_start3A_99 = tpu.memref_squeeze %dma_start3A_98 : memref<1x1x128xi32, #tpu.memory_space<vmem>> -> memref<128xi32, #tpu.memory_space<vmem>>
      %dma_start3A_100 = arith.constant 0 : i32
      %dma_start3A_101 = arith.constant 0 : i32
      %dma_start3A_102 = tpu.memref_slice %arg2[%dma_start3A_100, %dma_start3A_101] : memref<20000x128xf32, #tpu.memory_space<hbm>> -> memref<20000x128xf32, #tpu.memory_space<hbm>>
      tpu.enqueue_indirect_dma source(%dma_start3A_102 : memref<20000x128xf32, #tpu.memory_space<hbm>>) target(%dma_start3A_96 : memref<128x128xf32, #tpu.memory_space<vmem>>) offsets(%dma_start3A_99 : memref<128xi32, #tpu.memory_space<vmem>>) semaphore(%arg11 : memref<!tpu.dma_semaphore, #tpu.memory_space<semaphore_mem>>)
      %dma_wait3A_103 = arith.constant 2 : i32
      %dma_wait3A_104 = arith.constant 0 : i32
      %dma_wait3A_105 = arith.constant 0 : i32
      %dma_wait3A_106 = arith.constant 0 : i32
      %dma_wait3A_107 = tpu.memref_slice %arg10[%dma_wait3A_104, %dma_wait3A_105, %dma_wait3A_106] : memref<2x128x128xf32, #tpu.memory_space<vmem>> -> memref<1x128x128xf32, #tpu.memory_space<vmem>>
      %dma_wait3A_108 = tpu.memref_squeeze %dma_wait3A_107 : memref<1x128x128xf32, #tpu.memory_space<vmem>> -> memref<128x128xf32, #tpu.memory_space<vmem>>
      %dma_wait3A_109 = arith.constant 0 : i32
      %dma_wait3A_110 = tpu.memref_slice %arg8[%select_n3A_36, %dma_wait3A_103, %dma_wait3A_109] : memref<2x8x128xi32, #tpu.memory_space<vmem>> -> memref<1x1x128xi32, #tpu.memory_space<vmem>>
      %dma_wait3A_111 = tpu.memref_squeeze %dma_wait3A_110 : memref<1x1x128xi32, #tpu.memory_space<vmem>> -> memref<128xi32, #tpu.memory_space<vmem>>
      %dma_wait3A_112 = arith.constant 0 : i32
      %dma_wait3A_113 = arith.constant 0 : i32
      %dma_wait3A_114 = tpu.memref_slice %arg2[%dma_wait3A_112, %dma_wait3A_113] : memref<20000x128xf32, #tpu.memory_space<hbm>> -> memref<20000x128xf32, #tpu.memory_space<hbm>>
      tpu.wait_indirect_dma semaphore(%arg11 : memref<!tpu.dma_semaphore, #tpu.memory_space<semaphore_mem>>) src(%dma_wait3A_114 : memref<20000x128xf32, #tpu.memory_space<hbm>>) dst(%dma_wait3A_108 : memref<128x128xf32, #tpu.memory_space<vmem>>)
      %run_scoped3A_115 = arith.constant 0 : i32
      %run_scoped3A_116 = arith.constant 2 : i32
      "tpu.region"() ({
        %run_scoped3A_240 = tpu.sem_alloc : memref<!tpu.dma_semaphore, #tpu.memory_space<semaphore_mem>>
        %dma_start3A_241 = arith.constant 0 : i32
        %dma_start3A_242 = arith.constant 0 : i32
        %dma_start3A_243 = tpu.memref_slice %arg10[%run_scoped3A_115, %dma_start3A_241, %dma_start3A_242] : memref<2x128x128xf32, #tpu.memory_space<vmem>> -> memref<1x128x128xf32, #tpu.memory_space<vmem>>
        %dma_start3A_244 = tpu.memref_squeeze %dma_start3A_243 : memref<1x128x128xf32, #tpu.memory_space<vmem>> -> memref<128x128xf32, #tpu.memory_space<vmem>>
        %dma_start3A_245 = arith.constant 0 : i32
        %dma_start3A_246 = tpu.memref_slice %arg9[%select_n3A_36, %run_scoped3A_116, %dma_start3A_245] : memref<2x8x128xi32, #tpu.memory_space<vmem>> -> memref<1x1x128xi32, #tpu.memory_space<vmem>>
        %dma_start3A_247 = tpu.memref_squeeze %dma_start3A_246 : memref<1x1x128xi32, #tpu.memory_space<vmem>> -> memref<128xi32, #tpu.memory_space<vmem>>
        %dma_start3A_248 = arith.constant 0 : i32
        %dma_start3A_249 = arith.constant 0 : i32
        %dma_start3A_250 = tpu.memref_slice %arg7[%dma_start3A_248, %dma_start3A_249] : memref<10112x128xf32, #tpu.memory_space<vmem_shared>> -> memref<10112x128xf32, #tpu.memory_space<vmem_shared>>
        tpu.enqueue_indirect_dma source(%dma_start3A_244 : memref<128x128xf32, #tpu.memory_space<vmem>>) target(%dma_start3A_250 : memref<10112x128xf32, #tpu.memory_space<vmem_shared>>) offsets(%dma_start3A_247 : memref<128xi32, #tpu.memory_space<vmem>>) semaphore(%run_scoped3A_240 : memref<!tpu.dma_semaphore, #tpu.memory_space<semaphore_mem>>) {add = true}
        %dma_wait3A_251 = arith.constant 0 : i32
        %dma_wait3A_252 = arith.constant 0 : i32
        %dma_wait3A_253 = tpu.memref_slice %arg10[%run_scoped3A_115, %dma_wait3A_251, %dma_wait3A_252] : memref<2x128x128xf32, #tpu.memory_space<vmem>> -> memref<1x128x128xf32, #tpu.memory_space<vmem>>
        %dma_wait3A_254 = tpu.memref_squeeze %dma_wait3A_253 : memref<1x128x128xf32, #tpu.memory_space<vmem>> -> memref<128x128xf32, #tpu.memory_space<vmem>>
        %dma_wait3A_255 = arith.constant 0 : i32
        %dma_wait3A_256 = tpu.memref_slice %arg9[%select_n3A_36, %run_scoped3A_116, %dma_wait3A_255] : memref<2x8x128xi32, #tpu.memory_space<vmem>> -> memref<1x1x128xi32, #tpu.memory_space<vmem>>
        %dma_wait3A_257 = tpu.memref_squeeze %dma_wait3A_256 : memref<1x1x128xi32, #tpu.memory_space<vmem>> -> memref<128xi32, #tpu.memory_space<vmem>>
        %dma_wait3A_258 = arith.constant 0 : i32
        %dma_wait3A_259 = arith.constant 0 : i32
        %dma_wait3A_260 = tpu.memref_slice %arg7[%dma_wait3A_258, %dma_wait3A_259] : memref<10112x128xf32, #tpu.memory_space<vmem_shared>> -> memref<10112x128xf32, #tpu.memory_space<vmem_shared>>
        tpu.wait_indirect_dma semaphore(%run_scoped3A_240 : memref<!tpu.dma_semaphore, #tpu.memory_space<semaphore_mem>>) src(%dma_wait3A_254 : memref<128x128xf32, #tpu.memory_space<vmem>>) dst(%dma_wait3A_260 : memref<10112x128xf32, #tpu.memory_space<vmem_shared>>)
        tpu.yield
      }) : () -> ()
      %dma_start3A_117 = arith.constant 4 : i32
      %dma_start3A_118 = arith.constant 0 : i32
      %dma_start3A_119 = arith.constant 0 : i32
      %dma_start3A_120 = arith.constant 0 : i32
      %dma_start3A_121 = tpu.memref_slice %arg10[%dma_start3A_118, %dma_start3A_119, %dma_start3A_120] : memref<2x128x128xf32, #tpu.memory_space<vmem>> -> memref<1x128x128xf32, #tpu.memory_space<vmem>>
      %dma_start3A_122 = tpu.memref_squeeze %dma_start3A_121 : memref<1x128x128xf32, #tpu.memory_space<vmem>> -> memref<128x128xf32, #tpu.memory_space<vmem>>
      %dma_start3A_123 = arith.constant 0 : i32
      %dma_start3A_124 = tpu.memref_slice %arg8[%select_n3A_36, %dma_start3A_117, %dma_start3A_123] : memref<2x8x128xi32, #tpu.memory_space<vmem>> -> memref<1x1x128xi32, #tpu.memory_space<vmem>>
      %dma_start3A_125 = tpu.memref_squeeze %dma_start3A_124 : memref<1x1x128xi32, #tpu.memory_space<vmem>> -> memref<128xi32, #tpu.memory_space<vmem>>
      %dma_start3A_126 = arith.constant 0 : i32
      %dma_start3A_127 = arith.constant 0 : i32
      %dma_start3A_128 = tpu.memref_slice %arg2[%dma_start3A_126, %dma_start3A_127] : memref<20000x128xf32, #tpu.memory_space<hbm>> -> memref<20000x128xf32, #tpu.memory_space<hbm>>
      tpu.enqueue_indirect_dma source(%dma_start3A_128 : memref<20000x128xf32, #tpu.memory_space<hbm>>) target(%dma_start3A_122 : memref<128x128xf32, #tpu.memory_space<vmem>>) offsets(%dma_start3A_125 : memref<128xi32, #tpu.memory_space<vmem>>) semaphore(%arg11 : memref<!tpu.dma_semaphore, #tpu.memory_space<semaphore_mem>>)
      %dma_wait3A_129 = arith.constant 3 : i32
      %dma_wait3A_130 = arith.constant 1 : i32
      %dma_wait3A_131 = arith.constant 0 : i32
      %dma_wait3A_132 = arith.constant 0 : i32
      %dma_wait3A_133 = tpu.memref_slice %arg10[%dma_wait3A_130, %dma_wait3A_131, %dma_wait3A_132] : memref<2x128x128xf32, #tpu.memory_space<vmem>> -> memref<1x128x128xf32, #tpu.memory_space<vmem>>
      %dma_wait3A_134 = tpu.memref_squeeze %dma_wait3A_133 : memref<1x128x128xf32, #tpu.memory_space<vmem>> -> memref<128x128xf32, #tpu.memory_space<vmem>>
      %dma_wait3A_135 = arith.constant 0 : i32
      %dma_wait3A_136 = tpu.memref_slice %arg8[%select_n3A_36, %dma_wait3A_129, %dma_wait3A_135] : memref<2x8x128xi32, #tpu.memory_space<vmem>> -> memref<1x1x128xi32, #tpu.memory_space<vmem>>
      %dma_wait3A_137 = tpu.memref_squeeze %dma_wait3A_136 : memref<1x1x128xi32, #tpu.memory_space<vmem>> -> memref<128xi32, #tpu.memory_space<vmem>>
      %dma_wait3A_138 = arith.constant 0 : i32
      %dma_wait3A_139 = arith.constant 0 : i32
      %dma_wait3A_140 = tpu.memref_slice %arg2[%dma_wait3A_138, %dma_wait3A_139] : memref<20000x128xf32, #tpu.memory_space<hbm>> -> memref<20000x128xf32, #tpu.memory_space<hbm>>
      tpu.wait_indirect_dma semaphore(%arg11 : memref<!tpu.dma_semaphore, #tpu.memory_space<semaphore_mem>>) src(%dma_wait3A_140 : memref<20000x128xf32, #tpu.memory_space<hbm>>) dst(%dma_wait3A_134 : memref<128x128xf32, #tpu.memory_space<vmem>>)
      %run_scoped3A_141 = arith.constant 1 : i32
      %run_scoped3A_142 = arith.constant 3 : i32
      "tpu.region"() ({
        %run_scoped3A_240 = tpu.sem_alloc : memref<!tpu.dma_semaphore, #tpu.memory_space<semaphore_mem>>
        %dma_start3A_241 = arith.constant 0 : i32
        %dma_start3A_242 = arith.constant 0 : i32
        %dma_start3A_243 = tpu.memref_slice %arg10[%run_scoped3A_141, %dma_start3A_241, %dma_start3A_242] : memref<2x128x128xf32, #tpu.memory_space<vmem>> -> memref<1x128x128xf32, #tpu.memory_space<vmem>>
        %dma_start3A_244 = tpu.memref_squeeze %dma_start3A_243 : memref<1x128x128xf32, #tpu.memory_space<vmem>> -> memref<128x128xf32, #tpu.memory_space<vmem>>
        %dma_start3A_245 = arith.constant 0 : i32
        %dma_start3A_246 = tpu.memref_slice %arg9[%select_n3A_36, %run_scoped3A_142, %dma_start3A_245] : memref<2x8x128xi32, #tpu.memory_space<vmem>> -> memref<1x1x128xi32, #tpu.memory_space<vmem>>
        %dma_start3A_247 = tpu.memref_squeeze %dma_start3A_246 : memref<1x1x128xi32, #tpu.memory_space<vmem>> -> memref<128xi32, #tpu.memory_space<vmem>>
        %dma_start3A_248 = arith.constant 0 : i32
        %dma_start3A_249 = arith.constant 0 : i32
        %dma_start3A_250 = tpu.memref_slice %arg7[%dma_start3A_248, %dma_start3A_249] : memref<10112x128xf32, #tpu.memory_space<vmem_shared>> -> memref<10112x128xf32, #tpu.memory_space<vmem_shared>>
        tpu.enqueue_indirect_dma source(%dma_start3A_244 : memref<128x128xf32, #tpu.memory_space<vmem>>) target(%dma_start3A_250 : memref<10112x128xf32, #tpu.memory_space<vmem_shared>>) offsets(%dma_start3A_247 : memref<128xi32, #tpu.memory_space<vmem>>) semaphore(%run_scoped3A_240 : memref<!tpu.dma_semaphore, #tpu.memory_space<semaphore_mem>>) {add = true}
        %dma_wait3A_251 = arith.constant 0 : i32
        %dma_wait3A_252 = arith.constant 0 : i32
        %dma_wait3A_253 = tpu.memref_slice %arg10[%run_scoped3A_141, %dma_wait3A_251, %dma_wait3A_252] : memref<2x128x128xf32, #tpu.memory_space<vmem>> -> memref<1x128x128xf32, #tpu.memory_space<vmem>>
        %dma_wait3A_254 = tpu.memref_squeeze %dma_wait3A_253 : memref<1x128x128xf32, #tpu.memory_space<vmem>> -> memref<128x128xf32, #tpu.memory_space<vmem>>
        %dma_wait3A_255 = arith.constant 0 : i32
        %dma_wait3A_256 = tpu.memref_slice %arg9[%select_n3A_36, %run_scoped3A_142, %dma_wait3A_255] : memref<2x8x128xi32, #tpu.memory_space<vmem>> -> memref<1x1x128xi32, #tpu.memory_space<vmem>>
        %dma_wait3A_257 = tpu.memref_squeeze %dma_wait3A_256 : memref<1x1x128xi32, #tpu.memory_space<vmem>> -> memref<128xi32, #tpu.memory_space<vmem>>
        %dma_wait3A_258 = arith.constant 0 : i32
        %dma_wait3A_259 = arith.constant 0 : i32
        %dma_wait3A_260 = tpu.memref_slice %arg7[%dma_wait3A_258, %dma_wait3A_259] : memref<10112x128xf32, #tpu.memory_space<vmem_shared>> -> memref<10112x128xf32, #tpu.memory_space<vmem_shared>>
        tpu.wait_indirect_dma semaphore(%run_scoped3A_240 : memref<!tpu.dma_semaphore, #tpu.memory_space<semaphore_mem>>) src(%dma_wait3A_254 : memref<128x128xf32, #tpu.memory_space<vmem>>) dst(%dma_wait3A_260 : memref<10112x128xf32, #tpu.memory_space<vmem_shared>>)
        tpu.yield
      }) : () -> ()
      %dma_start3A_143 = arith.constant 5 : i32
      %dma_start3A_144 = arith.constant 1 : i32
      %dma_start3A_145 = arith.constant 0 : i32
      %dma_start3A_146 = arith.constant 0 : i32
      %dma_start3A_147 = tpu.memref_slice %arg10[%dma_start3A_144, %dma_start3A_145, %dma_start3A_146] : memref<2x128x128xf32, #tpu.memory_space<vmem>> -> memref<1x128x128xf32, #tpu.memory_space<vmem>>
      %dma_start3A_148 = tpu.memref_squeeze %dma_start3A_147 : memref<1x128x128xf32, #tpu.memory_space<vmem>> -> memref<128x128xf32, #tpu.memory_space<vmem>>
      %dma_start3A_149 = arith.constant 0 : i32
      %dma_start3A_150 = tpu.memref_slice %arg8[%select_n3A_36, %dma_start3A_143, %dma_start3A_149] : memref<2x8x128xi32, #tpu.memory_space<vmem>> -> memref<1x1x128xi32, #tpu.memory_space<vmem>>
      %dma_start3A_151 = tpu.memref_squeeze %dma_start3A_150 : memref<1x1x128xi32, #tpu.memory_space<vmem>> -> memref<128xi32, #tpu.memory_space<vmem>>
      %dma_start3A_152 = arith.constant 0 : i32
      %dma_start3A_153 = arith.constant 0 : i32
      %dma_start3A_154 = tpu.memref_slice %arg2[%dma_start3A_152, %dma_start3A_153] : memref<20000x128xf32, #tpu.memory_space<hbm>> -> memref<20000x128xf32, #tpu.memory_space<hbm>>
      tpu.enqueue_indirect_dma source(%dma_start3A_154 : memref<20000x128xf32, #tpu.memory_space<hbm>>) target(%dma_start3A_148 : memref<128x128xf32, #tpu.memory_space<vmem>>) offsets(%dma_start3A_151 : memref<128xi32, #tpu.memory_space<vmem>>) semaphore(%arg11 : memref<!tpu.dma_semaphore, #tpu.memory_space<semaphore_mem>>)
      %dma_wait3A_155 = arith.constant 4 : i32
      %dma_wait3A_156 = arith.constant 0 : i32
      %dma_wait3A_157 = arith.constant 0 : i32
      %dma_wait3A_158 = arith.constant 0 : i32
      %dma_wait3A_159 = tpu.memref_slice %arg10[%dma_wait3A_156, %dma_wait3A_157, %dma_wait3A_158] : memref<2x128x128xf32, #tpu.memory_space<vmem>> -> memref<1x128x128xf32, #tpu.memory_space<vmem>>
      %dma_wait3A_160 = tpu.memref_squeeze %dma_wait3A_159 : memref<1x128x128xf32, #tpu.memory_space<vmem>> -> memref<128x128xf32, #tpu.memory_space<vmem>>
      %dma_wait3A_161 = arith.constant 0 : i32
      %dma_wait3A_162 = tpu.memref_slice %arg8[%select_n3A_36, %dma_wait3A_155, %dma_wait3A_161] : memref<2x8x128xi32, #tpu.memory_space<vmem>> -> memref<1x1x128xi32, #tpu.memory_space<vmem>>
      %dma_wait3A_163 = tpu.memref_squeeze %dma_wait3A_162 : memref<1x1x128xi32, #tpu.memory_space<vmem>> -> memref<128xi32, #tpu.memory_space<vmem>>
      %dma_wait3A_164 = arith.constant 0 : i32
      %dma_wait3A_165 = arith.constant 0 : i32
      %dma_wait3A_166 = tpu.memref_slice %arg2[%dma_wait3A_164, %dma_wait3A_165] : memref<20000x128xf32, #tpu.memory_space<hbm>> -> memref<20000x128xf32, #tpu.memory_space<hbm>>
      tpu.wait_indirect_dma semaphore(%arg11 : memref<!tpu.dma_semaphore, #tpu.memory_space<semaphore_mem>>) src(%dma_wait3A_166 : memref<20000x128xf32, #tpu.memory_space<hbm>>) dst(%dma_wait3A_160 : memref<128x128xf32, #tpu.memory_space<vmem>>)
      %run_scoped3A_167 = arith.constant 0 : i32
      %run_scoped3A_168 = arith.constant 4 : i32
      "tpu.region"() ({
        %run_scoped3A_240 = tpu.sem_alloc : memref<!tpu.dma_semaphore, #tpu.memory_space<semaphore_mem>>
        %dma_start3A_241 = arith.constant 0 : i32
        %dma_start3A_242 = arith.constant 0 : i32
        %dma_start3A_243 = tpu.memref_slice %arg10[%run_scoped3A_167, %dma_start3A_241, %dma_start3A_242] : memref<2x128x128xf32, #tpu.memory_space<vmem>> -> memref<1x128x128xf32, #tpu.memory_space<vmem>>
        %dma_start3A_244 = tpu.memref_squeeze %dma_start3A_243 : memref<1x128x128xf32, #tpu.memory_space<vmem>> -> memref<128x128xf32, #tpu.memory_space<vmem>>
        %dma_start3A_245 = arith.constant 0 : i32
        %dma_start3A_246 = tpu.memref_slice %arg9[%select_n3A_36, %run_scoped3A_168, %dma_start3A_245] : memref<2x8x128xi32, #tpu.memory_space<vmem>> -> memref<1x1x128xi32, #tpu.memory_space<vmem>>
        %dma_start3A_247 = tpu.memref_squeeze %dma_start3A_246 : memref<1x1x128xi32, #tpu.memory_space<vmem>> -> memref<128xi32, #tpu.memory_space<vmem>>
        %dma_start3A_248 = arith.constant 0 : i32
        %dma_start3A_249 = arith.constant 0 : i32
        %dma_start3A_250 = tpu.memref_slice %arg7[%dma_start3A_248, %dma_start3A_249] : memref<10112x128xf32, #tpu.memory_space<vmem_shared>> -> memref<10112x128xf32, #tpu.memory_space<vmem_shared>>
        tpu.enqueue_indirect_dma source(%dma_start3A_244 : memref<128x128xf32, #tpu.memory_space<vmem>>) target(%dma_start3A_250 : memref<10112x128xf32, #tpu.memory_space<vmem_shared>>) offsets(%dma_start3A_247 : memref<128xi32, #tpu.memory_space<vmem>>) semaphore(%run_scoped3A_240 : memref<!tpu.dma_semaphore, #tpu.memory_space<semaphore_mem>>) {add = true}
        %dma_wait3A_251 = arith.constant 0 : i32
        %dma_wait3A_252 = arith.constant 0 : i32
        %dma_wait3A_253 = tpu.memref_slice %arg10[%run_scoped3A_167, %dma_wait3A_251, %dma_wait3A_252] : memref<2x128x128xf32, #tpu.memory_space<vmem>> -> memref<1x128x128xf32, #tpu.memory_space<vmem>>
        %dma_wait3A_254 = tpu.memref_squeeze %dma_wait3A_253 : memref<1x128x128xf32, #tpu.memory_space<vmem>> -> memref<128x128xf32, #tpu.memory_space<vmem>>
        %dma_wait3A_255 = arith.constant 0 : i32
        %dma_wait3A_256 = tpu.memref_slice %arg9[%select_n3A_36, %run_scoped3A_168, %dma_wait3A_255] : memref<2x8x128xi32, #tpu.memory_space<vmem>> -> memref<1x1x128xi32, #tpu.memory_space<vmem>>
        %dma_wait3A_257 = tpu.memref_squeeze %dma_wait3A_256 : memref<1x1x128xi32, #tpu.memory_space<vmem>> -> memref<128xi32, #tpu.memory_space<vmem>>
        %dma_wait3A_258 = arith.constant 0 : i32
        %dma_wait3A_259 = arith.constant 0 : i32
        %dma_wait3A_260 = tpu.memref_slice %arg7[%dma_wait3A_258, %dma_wait3A_259] : memref<10112x128xf32, #tpu.memory_space<vmem_shared>> -> memref<10112x128xf32, #tpu.memory_space<vmem_shared>>
        tpu.wait_indirect_dma semaphore(%run_scoped3A_240 : memref<!tpu.dma_semaphore, #tpu.memory_space<semaphore_mem>>) src(%dma_wait3A_254 : memref<128x128xf32, #tpu.memory_space<vmem>>) dst(%dma_wait3A_260 : memref<10112x128xf32, #tpu.memory_space<vmem_shared>>)
        tpu.yield
      }) : () -> ()
      %dma_start3A_169 = arith.constant 6 : i32
      %dma_start3A_170 = arith.constant 0 : i32
      %dma_start3A_171 = arith.constant 0 : i32
      %dma_start3A_172 = arith.constant 0 : i32
      %dma_start3A_173 = tpu.memref_slice %arg10[%dma_start3A_170, %dma_start3A_171, %dma_start3A_172] : memref<2x128x128xf32, #tpu.memory_space<vmem>> -> memref<1x128x128xf32, #tpu.memory_space<vmem>>
      %dma_start3A_174 = tpu.memref_squeeze %dma_start3A_173 : memref<1x128x128xf32, #tpu.memory_space<vmem>> -> memref<128x128xf32, #tpu.memory_space<vmem>>
      %dma_start3A_175 = arith.constant 0 : i32
      %dma_start3A_176 = tpu.memref_slice %arg8[%select_n3A_36, %dma_start3A_169, %dma_start3A_175] : memref<2x8x128xi32, #tpu.memory_space<vmem>> -> memref<1x1x128xi32, #tpu.memory_space<vmem>>
      %dma_start3A_177 = tpu.memref_squeeze %dma_start3A_176 : memref<1x1x128xi32, #tpu.memory_space<vmem>> -> memref<128xi32, #tpu.memory_space<vmem>>
      %dma_start3A_178 = arith.constant 0 : i32
      %dma_start3A_179 = arith.constant 0 : i32
      %dma_start3A_180 = tpu.memref_slice %arg2[%dma_start3A_178, %dma_start3A_179] : memref<20000x128xf32, #tpu.memory_space<hbm>> -> memref<20000x128xf32, #tpu.memory_space<hbm>>
      tpu.enqueue_indirect_dma source(%dma_start3A_180 : memref<20000x128xf32, #tpu.memory_space<hbm>>) target(%dma_start3A_174 : memref<128x128xf32, #tpu.memory_space<vmem>>) offsets(%dma_start3A_177 : memref<128xi32, #tpu.memory_space<vmem>>) semaphore(%arg11 : memref<!tpu.dma_semaphore, #tpu.memory_space<semaphore_mem>>)
      %dma_wait3A_181 = arith.constant 5 : i32
      %dma_wait3A_182 = arith.constant 1 : i32
      %dma_wait3A_183 = arith.constant 0 : i32
      %dma_wait3A_184 = arith.constant 0 : i32
      %dma_wait3A_185 = tpu.memref_slice %arg10[%dma_wait3A_182, %dma_wait3A_183, %dma_wait3A_184] : memref<2x128x128xf32, #tpu.memory_space<vmem>> -> memref<1x128x128xf32, #tpu.memory_space<vmem>>
      %dma_wait3A_186 = tpu.memref_squeeze %dma_wait3A_185 : memref<1x128x128xf32, #tpu.memory_space<vmem>> -> memref<128x128xf32, #tpu.memory_space<vmem>>
      %dma_wait3A_187 = arith.constant 0 : i32
      %dma_wait3A_188 = tpu.memref_slice %arg8[%select_n3A_36, %dma_wait3A_181, %dma_wait3A_187] : memref<2x8x128xi32, #tpu.memory_space<vmem>> -> memref<1x1x128xi32, #tpu.memory_space<vmem>>
      %dma_wait3A_189 = tpu.memref_squeeze %dma_wait3A_188 : memref<1x1x128xi32, #tpu.memory_space<vmem>> -> memref<128xi32, #tpu.memory_space<vmem>>
      %dma_wait3A_190 = arith.constant 0 : i32
      %dma_wait3A_191 = arith.constant 0 : i32
      %dma_wait3A_192 = tpu.memref_slice %arg2[%dma_wait3A_190, %dma_wait3A_191] : memref<20000x128xf32, #tpu.memory_space<hbm>> -> memref<20000x128xf32, #tpu.memory_space<hbm>>
      tpu.wait_indirect_dma semaphore(%arg11 : memref<!tpu.dma_semaphore, #tpu.memory_space<semaphore_mem>>) src(%dma_wait3A_192 : memref<20000x128xf32, #tpu.memory_space<hbm>>) dst(%dma_wait3A_186 : memref<128x128xf32, #tpu.memory_space<vmem>>)
      %run_scoped3A_193 = arith.constant 1 : i32
      %run_scoped3A_194 = arith.constant 5 : i32
      "tpu.region"() ({
        %run_scoped3A_240 = tpu.sem_alloc : memref<!tpu.dma_semaphore, #tpu.memory_space<semaphore_mem>>
        %dma_start3A_241 = arith.constant 0 : i32
        %dma_start3A_242 = arith.constant 0 : i32
        %dma_start3A_243 = tpu.memref_slice %arg10[%run_scoped3A_193, %dma_start3A_241, %dma_start3A_242] : memref<2x128x128xf32, #tpu.memory_space<vmem>> -> memref<1x128x128xf32, #tpu.memory_space<vmem>>
        %dma_start3A_244 = tpu.memref_squeeze %dma_start3A_243 : memref<1x128x128xf32, #tpu.memory_space<vmem>> -> memref<128x128xf32, #tpu.memory_space<vmem>>
        %dma_start3A_245 = arith.constant 0 : i32
        %dma_start3A_246 = tpu.memref_slice %arg9[%select_n3A_36, %run_scoped3A_194, %dma_start3A_245] : memref<2x8x128xi32, #tpu.memory_space<vmem>> -> memref<1x1x128xi32, #tpu.memory_space<vmem>>
        %dma_start3A_247 = tpu.memref_squeeze %dma_start3A_246 : memref<1x1x128xi32, #tpu.memory_space<vmem>> -> memref<128xi32, #tpu.memory_space<vmem>>
        %dma_start3A_248 = arith.constant 0 : i32
        %dma_start3A_249 = arith.constant 0 : i32
        %dma_start3A_250 = tpu.memref_slice %arg7[%dma_start3A_248, %dma_start3A_249] : memref<10112x128xf32, #tpu.memory_space<vmem_shared>> -> memref<10112x128xf32, #tpu.memory_space<vmem_shared>>
        tpu.enqueue_indirect_dma source(%dma_start3A_244 : memref<128x128xf32, #tpu.memory_space<vmem>>) target(%dma_start3A_250 : memref<10112x128xf32, #tpu.memory_space<vmem_shared>>) offsets(%dma_start3A_247 : memref<128xi32, #tpu.memory_space<vmem>>) semaphore(%run_scoped3A_240 : memref<!tpu.dma_semaphore, #tpu.memory_space<semaphore_mem>>) {add = true}
        %dma_wait3A_251 = arith.constant 0 : i32
        %dma_wait3A_252 = arith.constant 0 : i32
        %dma_wait3A_253 = tpu.memref_slice %arg10[%run_scoped3A_193, %dma_wait3A_251, %dma_wait3A_252] : memref<2x128x128xf32, #tpu.memory_space<vmem>> -> memref<1x128x128xf32, #tpu.memory_space<vmem>>
        %dma_wait3A_254 = tpu.memref_squeeze %dma_wait3A_253 : memref<1x128x128xf32, #tpu.memory_space<vmem>> -> memref<128x128xf32, #tpu.memory_space<vmem>>
        %dma_wait3A_255 = arith.constant 0 : i32
        %dma_wait3A_256 = tpu.memref_slice %arg9[%select_n3A_36, %run_scoped3A_194, %dma_wait3A_255] : memref<2x8x128xi32, #tpu.memory_space<vmem>> -> memref<1x1x128xi32, #tpu.memory_space<vmem>>
        %dma_wait3A_257 = tpu.memref_squeeze %dma_wait3A_256 : memref<1x1x128xi32, #tpu.memory_space<vmem>> -> memref<128xi32, #tpu.memory_space<vmem>>
        %dma_wait3A_258 = arith.constant 0 : i32
        %dma_wait3A_259 = arith.constant 0 : i32
        %dma_wait3A_260 = tpu.memref_slice %arg7[%dma_wait3A_258, %dma_wait3A_259] : memref<10112x128xf32, #tpu.memory_space<vmem_shared>> -> memref<10112x128xf32, #tpu.memory_space<vmem_shared>>
        tpu.wait_indirect_dma semaphore(%run_scoped3A_240 : memref<!tpu.dma_semaphore, #tpu.memory_space<semaphore_mem>>) src(%dma_wait3A_254 : memref<128x128xf32, #tpu.memory_space<vmem>>) dst(%dma_wait3A_260 : memref<10112x128xf32, #tpu.memory_space<vmem_shared>>)
        tpu.yield
      }) : () -> ()
      %dma_start3A_195 = arith.constant 7 : i32
      %dma_start3A_196 = arith.constant 1 : i32
      %dma_start3A_197 = arith.constant 0 : i32
      %dma_start3A_198 = arith.constant 0 : i32
      %dma_start3A_199 = tpu.memref_slice %arg10[%dma_start3A_196, %dma_start3A_197, %dma_start3A_198] : memref<2x128x128xf32, #tpu.memory_space<vmem>> -> memref<1x128x128xf32, #tpu.memory_space<vmem>>
      %dma_start3A_200 = tpu.memref_squeeze %dma_start3A_199 : memref<1x128x128xf32, #tpu.memory_space<vmem>> -> memref<128x128xf32, #tpu.memory_space<vmem>>
      %dma_start3A_201 = arith.constant 0 : i32
      %dma_start3A_202 = tpu.memref_slice %arg8[%select_n3A_36, %dma_start3A_195, %dma_start3A_201] : memref<2x8x128xi32, #tpu.memory_space<vmem>> -> memref<1x1x128xi32, #tpu.memory_space<vmem>>
      %dma_start3A_203 = tpu.memref_squeeze %dma_start3A_202 : memref<1x1x128xi32, #tpu.memory_space<vmem>> -> memref<128xi32, #tpu.memory_space<vmem>>
      %dma_start3A_204 = arith.constant 0 : i32
      %dma_start3A_205 = arith.constant 0 : i32
      %dma_start3A_206 = tpu.memref_slice %arg2[%dma_start3A_204, %dma_start3A_205] : memref<20000x128xf32, #tpu.memory_space<hbm>> -> memref<20000x128xf32, #tpu.memory_space<hbm>>
      tpu.enqueue_indirect_dma source(%dma_start3A_206 : memref<20000x128xf32, #tpu.memory_space<hbm>>) target(%dma_start3A_200 : memref<128x128xf32, #tpu.memory_space<vmem>>) offsets(%dma_start3A_203 : memref<128xi32, #tpu.memory_space<vmem>>) semaphore(%arg11 : memref<!tpu.dma_semaphore, #tpu.memory_space<semaphore_mem>>)
      %dma_wait3A_207 = arith.constant 6 : i32
      %dma_wait3A_208 = arith.constant 0 : i32
      %dma_wait3A_209 = arith.constant 0 : i32
      %dma_wait3A_210 = arith.constant 0 : i32
      %dma_wait3A_211 = tpu.memref_slice %arg10[%dma_wait3A_208, %dma_wait3A_209, %dma_wait3A_210] : memref<2x128x128xf32, #tpu.memory_space<vmem>> -> memref<1x128x128xf32, #tpu.memory_space<vmem>>
      %dma_wait3A_212 = tpu.memref_squeeze %dma_wait3A_211 : memref<1x128x128xf32, #tpu.memory_space<vmem>> -> memref<128x128xf32, #tpu.memory_space<vmem>>
      %dma_wait3A_213 = arith.constant 0 : i32
      %dma_wait3A_214 = tpu.memref_slice %arg8[%select_n3A_36, %dma_wait3A_207, %dma_wait3A_213] : memref<2x8x128xi32, #tpu.memory_space<vmem>> -> memref<1x1x128xi32, #tpu.memory_space<vmem>>
      %dma_wait3A_215 = tpu.memref_squeeze %dma_wait3A_214 : memref<1x1x128xi32, #tpu.memory_space<vmem>> -> memref<128xi32, #tpu.memory_space<vmem>>
      %dma_wait3A_216 = arith.constant 0 : i32
      %dma_wait3A_217 = arith.constant 0 : i32
      %dma_wait3A_218 = tpu.memref_slice %arg2[%dma_wait3A_216, %dma_wait3A_217] : memref<20000x128xf32, #tpu.memory_space<hbm>> -> memref<20000x128xf32, #tpu.memory_space<hbm>>
      tpu.wait_indirect_dma semaphore(%arg11 : memref<!tpu.dma_semaphore, #tpu.memory_space<semaphore_mem>>) src(%dma_wait3A_218 : memref<20000x128xf32, #tpu.memory_space<hbm>>) dst(%dma_wait3A_212 : memref<128x128xf32, #tpu.memory_space<vmem>>)
      %run_scoped3A_219 = arith.constant 0 : i32
      %run_scoped3A_220 = arith.constant 6 : i32
      "tpu.region"() ({
        %run_scoped3A_240 = tpu.sem_alloc : memref<!tpu.dma_semaphore, #tpu.memory_space<semaphore_mem>>
        %dma_start3A_241 = arith.constant 0 : i32
        %dma_start3A_242 = arith.constant 0 : i32
        %dma_start3A_243 = tpu.memref_slice %arg10[%run_scoped3A_219, %dma_start3A_241, %dma_start3A_242] : memref<2x128x128xf32, #tpu.memory_space<vmem>> -> memref<1x128x128xf32, #tpu.memory_space<vmem>>
        %dma_start3A_244 = tpu.memref_squeeze %dma_start3A_243 : memref<1x128x128xf32, #tpu.memory_space<vmem>> -> memref<128x128xf32, #tpu.memory_space<vmem>>
        %dma_start3A_245 = arith.constant 0 : i32
        %dma_start3A_246 = tpu.memref_slice %arg9[%select_n3A_36, %run_scoped3A_220, %dma_start3A_245] : memref<2x8x128xi32, #tpu.memory_space<vmem>> -> memref<1x1x128xi32, #tpu.memory_space<vmem>>
        %dma_start3A_247 = tpu.memref_squeeze %dma_start3A_246 : memref<1x1x128xi32, #tpu.memory_space<vmem>> -> memref<128xi32, #tpu.memory_space<vmem>>
        %dma_start3A_248 = arith.constant 0 : i32
        %dma_start3A_249 = arith.constant 0 : i32
        %dma_start3A_250 = tpu.memref_slice %arg7[%dma_start3A_248, %dma_start3A_249] : memref<10112x128xf32, #tpu.memory_space<vmem_shared>> -> memref<10112x128xf32, #tpu.memory_space<vmem_shared>>
        tpu.enqueue_indirect_dma source(%dma_start3A_244 : memref<128x128xf32, #tpu.memory_space<vmem>>) target(%dma_start3A_250 : memref<10112x128xf32, #tpu.memory_space<vmem_shared>>) offsets(%dma_start3A_247 : memref<128xi32, #tpu.memory_space<vmem>>) semaphore(%run_scoped3A_240 : memref<!tpu.dma_semaphore, #tpu.memory_space<semaphore_mem>>) {add = true}
        %dma_wait3A_251 = arith.constant 0 : i32
        %dma_wait3A_252 = arith.constant 0 : i32
        %dma_wait3A_253 = tpu.memref_slice %arg10[%run_scoped3A_219, %dma_wait3A_251, %dma_wait3A_252] : memref<2x128x128xf32, #tpu.memory_space<vmem>> -> memref<1x128x128xf32, #tpu.memory_space<vmem>>
        %dma_wait3A_254 = tpu.memref_squeeze %dma_wait3A_253 : memref<1x128x128xf32, #tpu.memory_space<vmem>> -> memref<128x128xf32, #tpu.memory_space<vmem>>
        %dma_wait3A_255 = arith.constant 0 : i32
        %dma_wait3A_256 = tpu.memref_slice %arg9[%select_n3A_36, %run_scoped3A_220, %dma_wait3A_255] : memref<2x8x128xi32, #tpu.memory_space<vmem>> -> memref<1x1x128xi32, #tpu.memory_space<vmem>>
        %dma_wait3A_257 = tpu.memref_squeeze %dma_wait3A_256 : memref<1x1x128xi32, #tpu.memory_space<vmem>> -> memref<128xi32, #tpu.memory_space<vmem>>
        %dma_wait3A_258 = arith.constant 0 : i32
        %dma_wait3A_259 = arith.constant 0 : i32
        %dma_wait3A_260 = tpu.memref_slice %arg7[%dma_wait3A_258, %dma_wait3A_259] : memref<10112x128xf32, #tpu.memory_space<vmem_shared>> -> memref<10112x128xf32, #tpu.memory_space<vmem_shared>>
        tpu.wait_indirect_dma semaphore(%run_scoped3A_240 : memref<!tpu.dma_semaphore, #tpu.memory_space<semaphore_mem>>) src(%dma_wait3A_254 : memref<128x128xf32, #tpu.memory_space<vmem>>) dst(%dma_wait3A_260 : memref<10112x128xf32, #tpu.memory_space<vmem_shared>>)
        tpu.yield
      }) : () -> ()
      %lt3A_221 = arith.constant 19 : i32
      %lt3A_222 = arith.cmpi slt, %scan3A_28, %lt3A_221 : i32
      %convert_element_type3A_223 = arith.extui %lt3A_222 : i1 to i32
      %cond3A_224 = arith.constant 0 : i32
      %cond3A_225 = arith.cmpi ne, %convert_element_type3A_223, %cond3A_224 : i32
      scf.if %cond3A_225 {
        %dma_wait3A_240 = arith.constant 0 : i32
        %dma_wait3A_241 = arith.constant 0 : i32
        %dma_wait3A_242 = arith.constant 0 : i32
        %dma_wait3A_243 = tpu.memref_slice %arg8[%dma_wait3A_240, %dma_wait3A_241, %dma_wait3A_242] : memref<2x8x128xi32, #tpu.memory_space<vmem>> -> memref<1x8x128xi32, #tpu.memory_space<vmem>>
        %dma_wait3A_244 = tpu.memref_squeeze %dma_wait3A_243 : memref<1x8x128xi32, #tpu.memory_space<vmem>> -> memref<8x128xi32, #tpu.memory_space<vmem>>
        %dma_wait3A_245 = arith.constant 0 : i32
        %dma_wait3A_246 = tpu.memref_slice %arg3[%arg0, %mul3A_0, %dma_wait3A_245] : memref<2x2560x128xi32, #tpu.memory_space<hbm>> -> memref<1x8x128xi32, #tpu.memory_space<hbm>>
        %dma_wait3A_247 = tpu.memref_squeeze %dma_wait3A_246 : memref<1x8x128xi32, #tpu.memory_space<hbm>> -> memref<8x128xi32, #tpu.memory_space<hbm>>
        %dma_wait3A_248 = arith.constant 0 : i32
        %dma_wait3A_249 = arith.constant 0 : i32
        %dma_wait3A_250 = tpu.memref_slice %arg8[%dma_wait3A_240, %dma_wait3A_248, %dma_wait3A_249] : memref<2x8x128xi32, #tpu.memory_space<vmem>> -> memref<1x8x128xi32, #tpu.memory_space<vmem>>
        %dma_wait3A_251 = tpu.memref_squeeze %dma_wait3A_250 : memref<1x8x128xi32, #tpu.memory_space<vmem>> -> memref<8x128xi32, #tpu.memory_space<vmem>>
        %dma_wait3A_252 = arith.constant 0 : i32
        %dma_wait3A_253 = tpu.memref_slice %arg3[%arg0, %mul3A_0, %dma_wait3A_252] : memref<2x2560x128xi32, #tpu.memory_space<hbm>> -> memref<1x8x128xi32, #tpu.memory_space<hbm>>
        %dma_wait3A_254 = tpu.memref_squeeze %dma_wait3A_253 : memref<1x8x128xi32, #tpu.memory_space<hbm>> -> memref<8x128xi32, #tpu.memory_space<hbm>>
        tpu.wait_dma2 semaphore(%arg12 : memref<!tpu.dma_semaphore, #tpu.memory_space<semaphore_mem>>) src(%dma_wait3A_254 : memref<8x128xi32, #tpu.memory_space<hbm>>) dst(%dma_wait3A_251 : memref<8x128xi32, #tpu.memory_space<vmem>>)
        %dma_wait3A_255 = arith.constant 0 : i32
        %dma_wait3A_256 = arith.constant 0 : i32
        %dma_wait3A_257 = arith.constant 0 : i32
        %dma_wait3A_258 = tpu.memref_slice %arg9[%dma_wait3A_255, %dma_wait3A_256, %dma_wait3A_257] : memref<2x8x128xi32, #tpu.memory_space<vmem>> -> memref<1x8x128xi32, #tpu.memory_space<vmem>>
        %dma_wait3A_259 = tpu.memref_squeeze %dma_wait3A_258 : memref<1x8x128xi32, #tpu.memory_space<vmem>> -> memref<8x128xi32, #tpu.memory_space<vmem>>
        %dma_wait3A_260 = arith.constant 0 : i32
        %dma_wait3A_261 = tpu.memref_slice %arg4[%mul3A_0, %dma_wait3A_260] : memref<2560x128xi32, #tpu.memory_space<hbm>> -> memref<8x128xi32, #tpu.memory_space<hbm>>
        %dma_wait3A_262 = arith.constant 0 : i32
        %dma_wait3A_263 = arith.constant 0 : i32
        %dma_wait3A_264 = tpu.memref_slice %arg9[%dma_wait3A_255, %dma_wait3A_262, %dma_wait3A_263] : memref<2x8x128xi32, #tpu.memory_space<vmem>> -> memref<1x8x128xi32, #tpu.memory_space<vmem>>
        %dma_wait3A_265 = tpu.memref_squeeze %dma_wait3A_264 : memref<1x8x128xi32, #tpu.memory_space<vmem>> -> memref<8x128xi32, #tpu.memory_space<vmem>>
        %dma_wait3A_266 = arith.constant 0 : i32
        %dma_wait3A_267 = tpu.memref_slice %arg4[%mul3A_0, %dma_wait3A_266] : memref<2560x128xi32, #tpu.memory_space<hbm>> -> memref<8x128xi32, #tpu.memory_space<hbm>>
        tpu.wait_dma2 semaphore(%arg12 : memref<!tpu.dma_semaphore, #tpu.memory_space<semaphore_mem>>) src(%dma_wait3A_267 : memref<8x128xi32, #tpu.memory_space<hbm>>) dst(%dma_wait3A_265 : memref<8x128xi32, #tpu.memory_space<vmem>>)
        %add3A_268 = arith.constant 1 : i32
        %add3A_269 = arith.addi %scan3A_28, %add3A_268 : i32
        %jit3A_270 = arith.constant 2 : i32
        %eq3A_271 = arith.constant 0 : i32
        %eq3A_272 = arith.cmpi eq, %jit3A_270, %eq3A_271 : i32
        %jit3A_273 = arith.constant 1 : i32
        %select_n3A_274 = arith.select %eq3A_272, %jit3A_273, %jit3A_270 : i32
        %rem3A_275 = arith.remsi %add3A_269, %select_n3A_274 : i32
        %ne3A_276 = arith.constant 0 : i32
        %ne3A_277 = arith.cmpi ne, %rem3A_275, %ne3A_276 : i32
        %lt3A_278 = arith.constant 0 : i32
        %lt3A_279 = arith.cmpi slt, %rem3A_275, %lt3A_278 : i32
        %lt3A_280 = arith.constant 0 : i32
        %lt3A_281 = arith.cmpi slt, %select_n3A_274, %lt3A_280 : i32
        %ne3A_282 = arith.xori %lt3A_279, %lt3A_281 : i1
        %and3A_283 = arith.andi %ne3A_282, %ne3A_277 : i1
        %add3A_284 = arith.addi %rem3A_275, %select_n3A_274 : i32
        %select_n3A_285 = arith.select %and3A_283, %add3A_284, %rem3A_275 : i32
        %dma_start3A_286 = arith.constant 0 : i32
        %dma_start3A_287 = arith.constant 0 : i32
        %dma_start3A_288 = arith.constant 0 : i32
        %dma_start3A_289 = arith.constant 0 : i32
        %dma_start3A_290 = tpu.memref_slice %arg10[%dma_start3A_287, %dma_start3A_288, %dma_start3A_289] : memref<2x128x128xf32, #tpu.memory_space<vmem>> -> memref<1x128x128xf32, #tpu.memory_space<vmem>>
        %dma_start3A_291 = tpu.memref_squeeze %dma_start3A_290 : memref<1x128x128xf32, #tpu.memory_space<vmem>> -> memref<128x128xf32, #tpu.memory_space<vmem>>
        %dma_start3A_292 = arith.constant 0 : i32
        %dma_start3A_293 = tpu.memref_slice %arg8[%select_n3A_285, %dma_start3A_286, %dma_start3A_292] : memref<2x8x128xi32, #tpu.memory_space<vmem>> -> memref<1x1x128xi32, #tpu.memory_space<vmem>>
        %dma_start3A_294 = tpu.memref_squeeze %dma_start3A_293 : memref<1x1x128xi32, #tpu.memory_space<vmem>> -> memref<128xi32, #tpu.memory_space<vmem>>
        %dma_start3A_295 = arith.constant 0 : i32
        %dma_start3A_296 = arith.constant 0 : i32
        %dma_start3A_297 = tpu.memref_slice %arg2[%dma_start3A_295, %dma_start3A_296] : memref<20000x128xf32, #tpu.memory_space<hbm>> -> memref<20000x128xf32, #tpu.memory_space<hbm>>
        tpu.enqueue_indirect_dma source(%dma_start3A_297 : memref<20000x128xf32, #tpu.memory_space<hbm>>) target(%dma_start3A_291 : memref<128x128xf32, #tpu.memory_space<vmem>>) offsets(%dma_start3A_294 : memref<128xi32, #tpu.memory_space<vmem>>) semaphore(%arg11 : memref<!tpu.dma_semaphore, #tpu.memory_space<semaphore_mem>>)
      } else {
      }
      %dma_wait3A_226 = arith.constant 7 : i32
      %dma_wait3A_227 = arith.constant 1 : i32
      %dma_wait3A_228 = arith.constant 0 : i32
      %dma_wait3A_229 = arith.constant 0 : i32
      %dma_wait3A_230 = tpu.memref_slice %arg10[%dma_wait3A_227, %dma_wait3A_228, %dma_wait3A_229] : memref<2x128x128xf32, #tpu.memory_space<vmem>> -> memref<1x128x128xf32, #tpu.memory_space<vmem>>
      %dma_wait3A_231 = tpu.memref_squeeze %dma_wait3A_230 : memref<1x128x128xf32, #tpu.memory_space<vmem>> -> memref<128x128xf32, #tpu.memory_space<vmem>>
      %dma_wait3A_232 = arith.constant 0 : i32
      %dma_wait3A_233 = tpu.memref_slice %arg8[%select_n3A_36, %dma_wait3A_226, %dma_wait3A_232] : memref<2x8x128xi32, #tpu.memory_space<vmem>> -> memref<1x1x128xi32, #tpu.memory_space<vmem>>
      %dma_wait3A_234 = tpu.memref_squeeze %dma_wait3A_233 : memref<1x1x128xi32, #tpu.memory_space<vmem>> -> memref<128xi32, #tpu.memory_space<vmem>>
      %dma_wait3A_235 = arith.constant 0 : i32
      %dma_wait3A_236 = arith.constant 0 : i32
      %dma_wait3A_237 = tpu.memref_slice %arg2[%dma_wait3A_235, %dma_wait3A_236] : memref<20000x128xf32, #tpu.memory_space<hbm>> -> memref<20000x128xf32, #tpu.memory_space<hbm>>
      tpu.wait_indirect_dma semaphore(%arg11 : memref<!tpu.dma_semaphore, #tpu.memory_space<semaphore_mem>>) src(%dma_wait3A_237 : memref<20000x128xf32, #tpu.memory_space<hbm>>) dst(%dma_wait3A_231 : memref<128x128xf32, #tpu.memory_space<vmem>>)
      %run_scoped3A_238 = arith.constant 1 : i32
      %run_scoped3A_239 = arith.constant 7 : i32
      "tpu.region"() ({
        %run_scoped3A_240 = tpu.sem_alloc : memref<!tpu.dma_semaphore, #tpu.memory_space<semaphore_mem>>
        %dma_start3A_241 = arith.constant 0 : i32
        %dma_start3A_242 = arith.constant 0 : i32
        %dma_start3A_243 = tpu.memref_slice %arg10[%run_scoped3A_238, %dma_start3A_241, %dma_start3A_242] : memref<2x128x128xf32, #tpu.memory_space<vmem>> -> memref<1x128x128xf32, #tpu.memory_space<vmem>>
        %dma_start3A_244 = tpu.memref_squeeze %dma_start3A_243 : memref<1x128x128xf32, #tpu.memory_space<vmem>> -> memref<128x128xf32, #tpu.memory_space<vmem>>
        %dma_start3A_245 = arith.constant 0 : i32
        %dma_start3A_246 = tpu.memref_slice %arg9[%select_n3A_36, %run_scoped3A_239, %dma_start3A_245] : memref<2x8x128xi32, #tpu.memory_space<vmem>> -> memref<1x1x128xi32, #tpu.memory_space<vmem>>
        %dma_start3A_247 = tpu.memref_squeeze %dma_start3A_246 : memref<1x1x128xi32, #tpu.memory_space<vmem>> -> memref<128xi32, #tpu.memory_space<vmem>>
        %dma_start3A_248 = arith.constant 0 : i32
        %dma_start3A_249 = arith.constant 0 : i32
        %dma_start3A_250 = tpu.memref_slice %arg7[%dma_start3A_248, %dma_start3A_249] : memref<10112x128xf32, #tpu.memory_space<vmem_shared>> -> memref<10112x128xf32, #tpu.memory_space<vmem_shared>>
        tpu.enqueue_indirect_dma source(%dma_start3A_244 : memref<128x128xf32, #tpu.memory_space<vmem>>) target(%dma_start3A_250 : memref<10112x128xf32, #tpu.memory_space<vmem_shared>>) offsets(%dma_start3A_247 : memref<128xi32, #tpu.memory_space<vmem>>) semaphore(%run_scoped3A_240 : memref<!tpu.dma_semaphore, #tpu.memory_space<semaphore_mem>>) {add = true}
        %dma_wait3A_251 = arith.constant 0 : i32
        %dma_wait3A_252 = arith.constant 0 : i32
        %dma_wait3A_253 = tpu.memref_slice %arg10[%run_scoped3A_238, %dma_wait3A_251, %dma_wait3A_252] : memref<2x128x128xf32, #tpu.memory_space<vmem>> -> memref<1x128x128xf32, #tpu.memory_space<vmem>>
        %dma_wait3A_254 = tpu.memref_squeeze %dma_wait3A_253 : memref<1x128x128xf32, #tpu.memory_space<vmem>> -> memref<128x128xf32, #tpu.memory_space<vmem>>
        %dma_wait3A_255 = arith.constant 0 : i32
        %dma_wait3A_256 = tpu.memref_slice %arg9[%select_n3A_36, %run_scoped3A_239, %dma_wait3A_255] : memref<2x8x128xi32, #tpu.memory_space<vmem>> -> memref<1x1x128xi32, #tpu.memory_space<vmem>>
        %dma_wait3A_257 = tpu.memref_squeeze %dma_wait3A_256 : memref<1x1x128xi32, #tpu.memory_space<vmem>> -> memref<128xi32, #tpu.memory_space<vmem>>
        %dma_wait3A_258 = arith.constant 0 : i32
        %dma_wait3A_259 = arith.constant 0 : i32
        %dma_wait3A_260 = tpu.memref_slice %arg7[%dma_wait3A_258, %dma_wait3A_259] : memref<10112x128xf32, #tpu.memory_space<vmem_shared>> -> memref<10112x128xf32, #tpu.memory_space<vmem_shared>>
        tpu.wait_indirect_dma semaphore(%run_scoped3A_240 : memref<!tpu.dma_semaphore, #tpu.memory_space<semaphore_mem>>) src(%dma_wait3A_254 : memref<128x128xf32, #tpu.memory_space<vmem>>) dst(%dma_wait3A_260 : memref<10112x128xf32, #tpu.memory_space<vmem_shared>>)
        tpu.yield
      }) : () -> ()
    }
    %scan3A_22 = arith.constant 20 : i32
    %barrier3A_23 = arith.constant 0 : index
    tpu.barrier barrier_id(%barrier3A_23)
    %mul3A_24 = arith.constant 632 : i32
    %mul3A_25 = arith.muli %arg1, %mul3A_24 : i32
    %mul3A_26 = arith.constant 632 : i32
    %mul3A_27 = arith.muli %arg1, %mul3A_26 : i32
    "tpu.region"() ({
      %run_scoped3A_28 = tpu.sem_alloc : memref<!tpu.dma_semaphore, #tpu.memory_space<semaphore_mem>>
      %dma_start3A_29 = arith.constant 0 : i32
      %dma_start3A_30 = tpu.memref_slice %arg6[%arg0, %mul3A_27, %dma_start3A_29] : memref<2x10112x128xf32, #tpu.memory_space<hbm>> -> memref<1x632x128xf32, #tpu.memory_space<hbm>>
      %dma_start3A_31 = tpu.memref_squeeze %dma_start3A_30 : memref<1x632x128xf32, #tpu.memory_space<hbm>> -> memref<632x128xf32, #tpu.memory_space<hbm>>
      %dma_start3A_32 = arith.constant 0 : i32
      %dma_start3A_33 = tpu.memref_slice %arg7[%mul3A_25, %dma_start3A_32] : memref<10112x128xf32, #tpu.memory_space<vmem_shared>> -> memref<632x128xf32, #tpu.memory_space<vmem_shared>>
      tpu.enqueue_dma source(%dma_start3A_33 : memref<632x128xf32, #tpu.memory_space<vmem_shared>>) target(%dma_start3A_31 : memref<632x128xf32, #tpu.memory_space<hbm>>) target_semaphore(%run_scoped3A_28 : memref<!tpu.dma_semaphore, #tpu.memory_space<semaphore_mem>>)
      %dma_wait3A = arith.constant 0 : i32
      %dma_wait3A_34 = tpu.memref_slice %arg6[%arg0, %mul3A_27, %dma_wait3A] : memref<2x10112x128xf32, #tpu.memory_space<hbm>> -> memref<1x632x128xf32, #tpu.memory_space<hbm>>
      %dma_wait3A_35 = tpu.memref_squeeze %dma_wait3A_34 : memref<1x632x128xf32, #tpu.memory_space<hbm>> -> memref<632x128xf32, #tpu.memory_space<hbm>>
      %dma_wait3A_36 = arith.constant 0 : i32
      %dma_wait3A_37 = tpu.memref_slice %arg7[%mul3A_25, %dma_wait3A_36] : memref<10112x128xf32, #tpu.memory_space<vmem_shared>> -> memref<632x128xf32, #tpu.memory_space<vmem_shared>>
      tpu.wait_dma2 semaphore(%run_scoped3A_28 : memref<!tpu.dma_semaphore, #tpu.memory_space<semaphore_mem>>) src(%dma_wait3A_37 : memref<632x128xf32, #tpu.memory_space<vmem_shared>>) dst(%dma_wait3A_35 : memref<632x128xf32, #tpu.memory_space<hbm>>)
      tpu.yield
    }) : () -> ()
    return
  }
}

#map = affine_map<(d0, d1) -> (0, 0)>
#map1 = affine_map<(d0, d1) -> (0)>
#map2 = affine_map<(d0, d1) -> (0, 0, 0)>
module attributes {stable_mosaic.version = 14 : i64} {
  func.func @_sc_segsum1(%arg0: i32, %arg1: i32, %arg2: memref<10000x128xf32, #tpu.memory_space<hbm>>, %arg3: memref<2560x128xi32, #tpu.memory_space<hbm>>, %arg4: memref<2560x128xi32, #tpu.memory_space<hbm>>, %arg5: memref<10112x128xf32, #tpu.memory_space<hbm>>, %arg6: memref<10112xf32, #tpu.memory_space<hbm>>, %arg7: memref<128xf32, #tpu.memory_space<hbm>>, %arg8: memref<2x10112x128xf32, #tpu.memory_space<hbm>>, %arg9: memref<20224xf32, #tpu.memory_space<hbm>>, %arg10: memref<10112x128xf32, #tpu.memory_space<vmem_shared>>, %arg11: memref<10112xf32, #tpu.memory_space<vmem_shared>>, %arg12: memref<2x8x128xi32, #tpu.memory_space<vmem>>, %arg13: memref<2x8x128xi32, #tpu.memory_space<vmem>>, %arg14: memref<2x128x128xf32, #tpu.memory_space<vmem>>, %arg15: memref<128xf32, #tpu.memory_space<vmem>>, %arg16: memref<632xf32, #tpu.memory_space<vmem>>, %arg17: memref<!tpu.dma_semaphore, #tpu.memory_space<semaphore_mem>>, %arg18: memref<!tpu.dma_semaphore, #tpu.memory_space<semaphore_mem>>, %arg19: memref<!tpu.dma_semaphore, #tpu.memory_space<semaphore_mem>>) attributes {dimension_semantics = [#tpu.dimension_semantics<core_parallel>, #tpu.dimension_semantics<subcore_parallel>], iteration_bounds = array<i64: 2, 16>, scalar_prefetch = 0 : i64, scratch_operands = 10 : i64, tpu.core_type = #tpu.core_type<sc_vector_subcore>, window_params = [{transform_indices = #map}, {transform_indices = #map}, {transform_indices = #map}, {transform_indices = #map}, {transform_indices = #map1}, {transform_indices = #map1}, {transform_indices = #map2}, {transform_indices = #map1}]} {
    %mul3A = arith.constant 16 : i32
    %mul3A_0 = arith.muli %arg0, %mul3A : i32
    %add3A = arith.addi %mul3A_0, %arg1 : i32
    %mul3A_1 = arith.constant 80 : i32
    %mul3A_2 = arith.muli %add3A, %mul3A_1 : i32
    "tpu.region"() ({
      %run_scoped3A_152 = tpu.sem_alloc : memref<!tpu.dma_semaphore, #tpu.memory_space<semaphore_mem>>
      tpu.enqueue_dma source(%arg7 : memref<128xf32, #tpu.memory_space<hbm>>) target(%arg15 : memref<128xf32, #tpu.memory_space<vmem>>) target_semaphore(%run_scoped3A_152 : memref<!tpu.dma_semaphore, #tpu.memory_space<semaphore_mem>>)
      tpu.wait_dma2 semaphore(%run_scoped3A_152 : memref<!tpu.dma_semaphore, #tpu.memory_space<semaphore_mem>>) src(%arg7 : memref<128xf32, #tpu.memory_space<hbm>>) dst(%arg15 : memref<128xf32, #tpu.memory_space<vmem>>)
      tpu.yield
    }) : () -> ()
    %run_scoped3A = arith.constant 0 : i32
    "tpu.region"() ({
      %run_scoped3A_152 = tpu.sem_alloc : memref<!tpu.dma_semaphore, #tpu.memory_space<semaphore_mem>>
      %dma_start3A_153 = arith.constant 0 : i32
      %dma_start3A_154 = arith.constant 0 : i32
      %dma_start3A_155 = tpu.memref_slice %arg12[%run_scoped3A, %dma_start3A_153, %dma_start3A_154] : memref<2x8x128xi32, #tpu.memory_space<vmem>> -> memref<1x8x128xi32, #tpu.memory_space<vmem>>
      %dma_start3A_156 = tpu.memref_squeeze %dma_start3A_155 : memref<1x8x128xi32, #tpu.memory_space<vmem>> -> memref<8x128xi32, #tpu.memory_space<vmem>>
      %dma_start3A_157 = arith.constant 0 : i32
      %dma_start3A_158 = tpu.memref_slice %arg3[%mul3A_2, %dma_start3A_157] : memref<2560x128xi32, #tpu.memory_space<hbm>> -> memref<8x128xi32, #tpu.memory_space<hbm>>
      %dma_start3A_159 = arith.constant 0 : i32
      %dma_start3A_160 = arith.constant 0 : i32
      %dma_start3A_161 = tpu.memref_slice %arg12[%run_scoped3A, %dma_start3A_159, %dma_start3A_160] : memref<2x8x128xi32, #tpu.memory_space<vmem>> -> memref<1x8x128xi32, #tpu.memory_space<vmem>>
      %dma_start3A_162 = tpu.memref_squeeze %dma_start3A_161 : memref<1x8x128xi32, #tpu.memory_space<vmem>> -> memref<8x128xi32, #tpu.memory_space<vmem>>
      %dma_start3A_163 = arith.constant 0 : i32
      %dma_start3A_164 = tpu.memref_slice %arg3[%mul3A_2, %dma_start3A_163] : memref<2560x128xi32, #tpu.memory_space<hbm>> -> memref<8x128xi32, #tpu.memory_space<hbm>>
      tpu.enqueue_dma source(%dma_start3A_164 : memref<8x128xi32, #tpu.memory_space<hbm>>) target(%dma_start3A_162 : memref<8x128xi32, #tpu.memory_space<vmem>>) target_semaphore(%run_scoped3A_152 : memref<!tpu.dma_semaphore, #tpu.memory_space<semaphore_mem>>)
      %dma_wait3A_165 = arith.constant 0 : i32
      %dma_wait3A_166 = arith.constant 0 : i32
      %dma_wait3A_167 = tpu.memref_slice %arg12[%run_scoped3A, %dma_wait3A_165, %dma_wait3A_166] : memref<2x8x128xi32, #tpu.memory_space<vmem>> -> memref<1x8x128xi32, #tpu.memory_space<vmem>>
      %dma_wait3A_168 = tpu.memref_squeeze %dma_wait3A_167 : memref<1x8x128xi32, #tpu.memory_space<vmem>> -> memref<8x128xi32, #tpu.memory_space<vmem>>
      %dma_wait3A_169 = arith.constant 0 : i32
      %dma_wait3A_170 = tpu.memref_slice %arg3[%mul3A_2, %dma_wait3A_169] : memref<2560x128xi32, #tpu.memory_space<hbm>> -> memref<8x128xi32, #tpu.memory_space<hbm>>
      %dma_wait3A_171 = arith.constant 0 : i32
      %dma_wait3A_172 = arith.constant 0 : i32
      %dma_wait3A_173 = tpu.memref_slice %arg12[%run_scoped3A, %dma_wait3A_171, %dma_wait3A_172] : memref<2x8x128xi32, #tpu.memory_space<vmem>> -> memref<1x8x128xi32, #tpu.memory_space<vmem>>
      %dma_wait3A_174 = tpu.memref_squeeze %dma_wait3A_173 : memref<1x8x128xi32, #tpu.memory_space<vmem>> -> memref<8x128xi32, #tpu.memory_space<vmem>>
      %dma_wait3A_175 = arith.constant 0 : i32
      %dma_wait3A_176 = tpu.memref_slice %arg3[%mul3A_2, %dma_wait3A_175] : memref<2560x128xi32, #tpu.memory_space<hbm>> -> memref<8x128xi32, #tpu.memory_space<hbm>>
      tpu.wait_dma2 semaphore(%run_scoped3A_152 : memref<!tpu.dma_semaphore, #tpu.memory_space<semaphore_mem>>) src(%dma_wait3A_176 : memref<8x128xi32, #tpu.memory_space<hbm>>) dst(%dma_wait3A_174 : memref<8x128xi32, #tpu.memory_space<vmem>>)
      tpu.yield
    }) : () -> ()
    %run_scoped3A_3 = arith.constant 0 : i32
    "tpu.region"() ({
      %run_scoped3A_152 = tpu.sem_alloc : memref<!tpu.dma_semaphore, #tpu.memory_space<semaphore_mem>>
      %dma_start3A_153 = arith.constant 0 : i32
      %dma_start3A_154 = arith.constant 0 : i32
      %dma_start3A_155 = tpu.memref_slice %arg13[%run_scoped3A_3, %dma_start3A_153, %dma_start3A_154] : memref<2x8x128xi32, #tpu.memory_space<vmem>> -> memref<1x8x128xi32, #tpu.memory_space<vmem>>
      %dma_start3A_156 = tpu.memref_squeeze %dma_start3A_155 : memref<1x8x128xi32, #tpu.memory_space<vmem>> -> memref<8x128xi32, #tpu.memory_space<vmem>>
      %dma_start3A_157 = arith.constant 0 : i32
      %dma_start3A_158 = tpu.memref_slice %arg4[%mul3A_2, %dma_start3A_157] : memref<2560x128xi32, #tpu.memory_space<hbm>> -> memref<8x128xi32, #tpu.memory_space<hbm>>
      %dma_start3A_159 = arith.constant 0 : i32
      %dma_start3A_160 = arith.constant 0 : i32
      %dma_start3A_161 = tpu.memref_slice %arg13[%run_scoped3A_3, %dma_start3A_159, %dma_start3A_160] : memref<2x8x128xi32, #tpu.memory_space<vmem>> -> memref<1x8x128xi32, #tpu.memory_space<vmem>>
      %dma_start3A_162 = tpu.memref_squeeze %dma_start3A_161 : memref<1x8x128xi32, #tpu.memory_space<vmem>> -> memref<8x128xi32, #tpu.memory_space<vmem>>
      %dma_start3A_163 = arith.constant 0 : i32
      %dma_start3A_164 = tpu.memref_slice %arg4[%mul3A_2, %dma_start3A_163] : memref<2560x128xi32, #tpu.memory_space<hbm>> -> memref<8x128xi32, #tpu.memory_space<hbm>>
      tpu.enqueue_dma source(%dma_start3A_164 : memref<8x128xi32, #tpu.memory_space<hbm>>) target(%dma_start3A_162 : memref<8x128xi32, #tpu.memory_space<vmem>>) target_semaphore(%run_scoped3A_152 : memref<!tpu.dma_semaphore, #tpu.memory_space<semaphore_mem>>)
      %dma_wait3A_165 = arith.constant 0 : i32
      %dma_wait3A_166 = arith.constant 0 : i32
      %dma_wait3A_167 = tpu.memref_slice %arg13[%run_scoped3A_3, %dma_wait3A_165, %dma_wait3A_166] : memref<2x8x128xi32, #tpu.memory_space<vmem>> -> memref<1x8x128xi32, #tpu.memory_space<vmem>>
      %dma_wait3A_168 = tpu.memref_squeeze %dma_wait3A_167 : memref<1x8x128xi32, #tpu.memory_space<vmem>> -> memref<8x128xi32, #tpu.memory_space<vmem>>
      %dma_wait3A_169 = arith.constant 0 : i32
      %dma_wait3A_170 = tpu.memref_slice %arg4[%mul3A_2, %dma_wait3A_169] : memref<2560x128xi32, #tpu.memory_space<hbm>> -> memref<8x128xi32, #tpu.memory_space<hbm>>
      %dma_wait3A_171 = arith.constant 0 : i32
      %dma_wait3A_172 = arith.constant 0 : i32
      %dma_wait3A_173 = tpu.memref_slice %arg13[%run_scoped3A_3, %dma_wait3A_171, %dma_wait3A_172] : memref<2x8x128xi32, #tpu.memory_space<vmem>> -> memref<1x8x128xi32, #tpu.memory_space<vmem>>
      %dma_wait3A_174 = tpu.memref_squeeze %dma_wait3A_173 : memref<1x8x128xi32, #tpu.memory_space<vmem>> -> memref<8x128xi32, #tpu.memory_space<vmem>>
      %dma_wait3A_175 = arith.constant 0 : i32
      %dma_wait3A_176 = tpu.memref_slice %arg4[%mul3A_2, %dma_wait3A_175] : memref<2560x128xi32, #tpu.memory_space<hbm>> -> memref<8x128xi32, #tpu.memory_space<hbm>>
      tpu.wait_dma2 semaphore(%run_scoped3A_152 : memref<!tpu.dma_semaphore, #tpu.memory_space<semaphore_mem>>) src(%dma_wait3A_176 : memref<8x128xi32, #tpu.memory_space<hbm>>) dst(%dma_wait3A_174 : memref<8x128xi32, #tpu.memory_space<vmem>>)
      tpu.yield
    }) : () -> ()
    %mul3A_4 = arith.constant 632 : i32
    %mul3A_5 = arith.muli %arg1, %mul3A_4 : i32
    %mul3A_6 = arith.constant 632 : i32
    %mul3A_7 = arith.muli %arg1, %mul3A_6 : i32
    "tpu.region"() ({
      %run_scoped3A_152 = tpu.sem_alloc : memref<!tpu.dma_semaphore, #tpu.memory_space<semaphore_mem>>
      %dma_start3A_153 = arith.constant 0 : i32
      %dma_start3A_154 = tpu.memref_slice %arg10[%mul3A_7, %dma_start3A_153] : memref<10112x128xf32, #tpu.memory_space<vmem_shared>> -> memref<632x128xf32, #tpu.memory_space<vmem_shared>>
      %dma_start3A_155 = arith.constant 0 : i32
      %dma_start3A_156 = tpu.memref_slice %arg5[%mul3A_5, %dma_start3A_155] : memref<10112x128xf32, #tpu.memory_space<hbm>> -> memref<632x128xf32, #tpu.memory_space<hbm>>
      tpu.enqueue_dma source(%dma_start3A_156 : memref<632x128xf32, #tpu.memory_space<hbm>>) target(%dma_start3A_154 : memref<632x128xf32, #tpu.memory_space<vmem_shared>>) target_semaphore(%run_scoped3A_152 : memref<!tpu.dma_semaphore, #tpu.memory_space<semaphore_mem>>)
      %dma_wait3A_157 = arith.constant 0 : i32
      %dma_wait3A_158 = tpu.memref_slice %arg10[%mul3A_7, %dma_wait3A_157] : memref<10112x128xf32, #tpu.memory_space<vmem_shared>> -> memref<632x128xf32, #tpu.memory_space<vmem_shared>>
      %dma_wait3A_159 = arith.constant 0 : i32
      %dma_wait3A_160 = tpu.memref_slice %arg5[%mul3A_5, %dma_wait3A_159] : memref<10112x128xf32, #tpu.memory_space<hbm>> -> memref<632x128xf32, #tpu.memory_space<hbm>>
      tpu.wait_dma2 semaphore(%run_scoped3A_152 : memref<!tpu.dma_semaphore, #tpu.memory_space<semaphore_mem>>) src(%dma_wait3A_160 : memref<632x128xf32, #tpu.memory_space<hbm>>) dst(%dma_wait3A_158 : memref<632x128xf32, #tpu.memory_space<vmem_shared>>)
      tpu.yield
    }) : () -> ()
    %mul3A_8 = arith.constant 632 : i32
    %mul3A_9 = arith.muli %arg1, %mul3A_8 : i32
    "tpu.region"() ({
      %run_scoped3A_152 = tpu.sem_alloc : memref<!tpu.dma_semaphore, #tpu.memory_space<semaphore_mem>>
      %dma_start3A_153 = tpu.memref_slice %arg6[%mul3A_9] : memref<10112xf32, #tpu.memory_space<hbm>> -> memref<632xf32, #tpu.memory_space<hbm>>
      %dma_start3A_154 = tpu.memref_slice %arg6[%mul3A_9] : memref<10112xf32, #tpu.memory_space<hbm>> -> memref<632xf32, #tpu.memory_space<hbm>>
      tpu.enqueue_dma source(%dma_start3A_154 : memref<632xf32, #tpu.memory_space<hbm>>) target(%arg16 : memref<632xf32, #tpu.memory_space<vmem>>) target_semaphore(%run_scoped3A_152 : memref<!tpu.dma_semaphore, #tpu.memory_space<semaphore_mem>>)
      %dma_wait3A_155 = tpu.memref_slice %arg6[%mul3A_9] : memref<10112xf32, #tpu.memory_space<hbm>> -> memref<632xf32, #tpu.memory_space<hbm>>
      %dma_wait3A_156 = tpu.memref_slice %arg6[%mul3A_9] : memref<10112xf32, #tpu.memory_space<hbm>> -> memref<632xf32, #tpu.memory_space<hbm>>
      tpu.wait_dma2 semaphore(%run_scoped3A_152 : memref<!tpu.dma_semaphore, #tpu.memory_space<semaphore_mem>>) src(%dma_wait3A_156 : memref<632xf32, #tpu.memory_space<hbm>>) dst(%arg16 : memref<632xf32, #tpu.memory_space<vmem>>)
      tpu.yield
    }) : () -> ()
    %mul3A_10 = arith.constant 632 : i32
    %mul3A_11 = arith.muli %arg1, %mul3A_10 : i32
    "tpu.region"() ({
      %run_scoped3A_152 = tpu.sem_alloc : memref<!tpu.dma_semaphore, #tpu.memory_space<semaphore_mem>>
      %dma_start3A_153 = tpu.memref_slice %arg11[%mul3A_11] : memref<10112xf32, #tpu.memory_space<vmem_shared>> -> memref<632xf32, #tpu.memory_space<vmem_shared>>
      %dma_start3A_154 = tpu.memref_slice %arg11[%mul3A_11] : memref<10112xf32, #tpu.memory_space<vmem_shared>> -> memref<632xf32, #tpu.memory_space<vmem_shared>>
      tpu.enqueue_dma source(%arg16 : memref<632xf32, #tpu.memory_space<vmem>>) target(%dma_start3A_154 : memref<632xf32, #tpu.memory_space<vmem_shared>>) target_semaphore(%run_scoped3A_152 : memref<!tpu.dma_semaphore, #tpu.memory_space<semaphore_mem>>)
      %dma_wait3A_155 = tpu.memref_slice %arg11[%mul3A_11] : memref<10112xf32, #tpu.memory_space<vmem_shared>> -> memref<632xf32, #tpu.memory_space<vmem_shared>>
      %dma_wait3A_156 = tpu.memref_slice %arg11[%mul3A_11] : memref<10112xf32, #tpu.memory_space<vmem_shared>> -> memref<632xf32, #tpu.memory_space<vmem_shared>>
      tpu.wait_dma2 semaphore(%run_scoped3A_152 : memref<!tpu.dma_semaphore, #tpu.memory_space<semaphore_mem>>) src(%arg16 : memref<632xf32, #tpu.memory_space<vmem>>) dst(%dma_wait3A_156 : memref<632xf32, #tpu.memory_space<vmem_shared>>)
      tpu.yield
    }) : () -> ()
    %barrier3A = arith.constant 0 : index
    tpu.barrier barrier_id(%barrier3A)
    %dma_start3A = arith.constant 0 : i32
    %dma_start3A_12 = arith.constant 0 : i32
    %dma_start3A_13 = arith.constant 0 : i32
    %dma_start3A_14 = arith.constant 0 : i32
    %dma_start3A_15 = arith.constant 0 : i32
    %dma_start3A_16 = tpu.memref_slice %arg14[%dma_start3A_13, %dma_start3A_14, %dma_start3A_15] : memref<2x128x128xf32, #tpu.memory_space<vmem>> -> memref<1x128x128xf32, #tpu.memory_space<vmem>>
    %dma_start3A_17 = tpu.memref_squeeze %dma_start3A_16 : memref<1x128x128xf32, #tpu.memory_space<vmem>> -> memref<128x128xf32, #tpu.memory_space<vmem>>
    %dma_start3A_18 = arith.constant 0 : i32
    %dma_start3A_19 = tpu.memref_slice %arg12[%dma_start3A, %dma_start3A_12, %dma_start3A_18] : memref<2x8x128xi32, #tpu.memory_space<vmem>> -> memref<1x1x128xi32, #tpu.memory_space<vmem>>
    %dma_start3A_20 = tpu.memref_squeeze %dma_start3A_19 : memref<1x1x128xi32, #tpu.memory_space<vmem>> -> memref<128xi32, #tpu.memory_space<vmem>>
    %dma_start3A_21 = arith.constant 0 : i32
    %dma_start3A_22 = arith.constant 0 : i32
    %dma_start3A_23 = tpu.memref_slice %arg2[%dma_start3A_21, %dma_start3A_22] : memref<10000x128xf32, #tpu.memory_space<hbm>> -> memref<10000x128xf32, #tpu.memory_space<hbm>>
    tpu.enqueue_indirect_dma source(%dma_start3A_23 : memref<10000x128xf32, #tpu.memory_space<hbm>>) target(%dma_start3A_17 : memref<128x128xf32, #tpu.memory_space<vmem>>) offsets(%dma_start3A_20 : memref<128xi32, #tpu.memory_space<vmem>>) semaphore(%arg17 : memref<!tpu.dma_semaphore, #tpu.memory_space<semaphore_mem>>)
    %scan3A = arith.constant 0 : i32
    %scan3A_24 = arith.constant 0 : i32
    %scan3A_25 = arith.constant 10 : i32
    %scan3A_26 = arith.addi %scan3A_24, %scan3A_25 : i32
    %scan3A_27 = arith.constant 1 : i32
    scf.for %scan3A_152 = %scan3A_24 to %scan3A_26 step %scan3A_27  : i32 {
      %jit3A = arith.constant 2 : i32
      %eq3A = arith.constant 0 : i32
      %eq3A_153 = arith.cmpi eq, %jit3A, %eq3A : i32
      %jit3A_154 = arith.constant 1 : i32
      %select_n3A = arith.select %eq3A_153, %jit3A_154, %jit3A : i32
      %rem3A = arith.remsi %scan3A_152, %select_n3A : i32
      %ne3A = arith.constant 0 : i32
      %ne3A_155 = arith.cmpi ne, %rem3A, %ne3A : i32
      %lt3A = arith.constant 0 : i32
      %lt3A_156 = arith.cmpi slt, %rem3A, %lt3A : i32
      %lt3A_157 = arith.constant 0 : i32
      %lt3A_158 = arith.cmpi slt, %select_n3A, %lt3A_157 : i32
      %ne3A_159 = arith.xori %lt3A_156, %lt3A_158 : i1
      %and3A = arith.andi %ne3A_159, %ne3A_155 : i1
      %add3A_160 = arith.addi %rem3A, %select_n3A : i32
      %select_n3A_161 = arith.select %and3A, %add3A_160, %rem3A : i32
      %lt3A_162 = arith.constant 9 : i32
      %lt3A_163 = arith.cmpi slt, %scan3A_152, %lt3A_162 : i32
      %convert_element_type3A = arith.extui %lt3A_163 : i1 to i32
      %cond3A = arith.constant 0 : i32
      %cond3A_164 = arith.cmpi ne, %convert_element_type3A, %cond3A : i32
      scf.if %cond3A_164 {
        %add3A_414 = arith.constant 1 : i32
        %add3A_415 = arith.addi %scan3A_152, %add3A_414 : i32
        %ge3A = arith.constant 2 : i32
        %ge3A_416 = arith.cmpi sge, %add3A_415, %ge3A : i32
        %convert_element_type3A_417 = arith.extui %ge3A_416 : i1 to i32
        %cond3A_418 = arith.constant 0 : i32
        %cond3A_419 = arith.cmpi ne, %convert_element_type3A_417, %cond3A_418 : i32
        scf.if %cond3A_419 {
          %dma_wait3A_482 = arith.constant 0 : i32
          %dma_wait3A_483 = arith.constant 0 : i32
          %dma_wait3A_484 = arith.constant 0 : i32
          %dma_wait3A_485 = tpu.memref_slice %arg13[%dma_wait3A_482, %dma_wait3A_483, %dma_wait3A_484] : memref<2x8x128xi32, #tpu.memory_space<vmem>> -> memref<1x1x128xi32, #tpu.memory_space<vmem>>
          %dma_wait3A_486 = tpu.memref_squeeze %dma_wait3A_485 : memref<1x1x128xi32, #tpu.memory_space<vmem>> -> memref<128xi32, #tpu.memory_space<vmem>>
          %dma_wait3A_487 = arith.constant 0 : i32
          %dma_wait3A_488 = tpu.memref_slice %arg11[%dma_wait3A_487] : memref<10112xf32, #tpu.memory_space<vmem_shared>> -> memref<10112xf32, #tpu.memory_space<vmem_shared>>
          tpu.wait_indirect_dma semaphore(%arg19 : memref<!tpu.dma_semaphore, #tpu.memory_space<semaphore_mem>>) src(%arg15 : memref<128xf32, #tpu.memory_space<vmem>>) dst(%dma_wait3A_488 : memref<10112xf32, #tpu.memory_space<vmem_shared>>)
          %dma_wait3A_489 = arith.constant 0 : i32
          %dma_wait3A_490 = arith.constant 0 : i32
          %dma_wait3A_491 = arith.constant 0 : i32
          %dma_wait3A_492 = tpu.memref_slice %arg13[%dma_wait3A_489, %dma_wait3A_490, %dma_wait3A_491] : memref<2x8x128xi32, #tpu.memory_space<vmem>> -> memref<1x1x128xi32, #tpu.memory_space<vmem>>
          %dma_wait3A_493 = tpu.memref_squeeze %dma_wait3A_492 : memref<1x1x128xi32, #tpu.memory_space<vmem>> -> memref<128xi32, #tpu.memory_space<vmem>>
          %dma_wait3A_494 = arith.constant 0 : i32
          %dma_wait3A_495 = tpu.memref_slice %arg11[%dma_wait3A_494] : memref<10112xf32, #tpu.memory_space<vmem_shared>> -> memref<10112xf32, #tpu.memory_space<vmem_shared>>
          tpu.wait_indirect_dma semaphore(%arg19 : memref<!tpu.dma_semaphore, #tpu.memory_space<semaphore_mem>>) src(%arg15 : memref<128xf32, #tpu.memory_space<vmem>>) dst(%dma_wait3A_495 : memref<10112xf32, #tpu.memory_space<vmem_shared>>)
          %dma_wait3A_496 = arith.constant 0 : i32
          %dma_wait3A_497 = arith.constant 0 : i32
          %dma_wait3A_498 = arith.constant 0 : i32
          %dma_wait3A_499 = tpu.memref_slice %arg13[%dma_wait3A_496, %dma_wait3A_497, %dma_wait3A_498] : memref<2x8x128xi32, #tpu.memory_space<vmem>> -> memref<1x1x128xi32, #tpu.memory_space<vmem>>
          %dma_wait3A_500 = tpu.memref_squeeze %dma_wait3A_499 : memref<1x1x128xi32, #tpu.memory_space<vmem>> -> memref<128xi32, #tpu.memory_space<vmem>>
          %dma_wait3A_501 = arith.constant 0 : i32
          %dma_wait3A_502 = tpu.memref_slice %arg11[%dma_wait3A_501] : memref<10112xf32, #tpu.memory_space<vmem_shared>> -> memref<10112xf32, #tpu.memory_space<vmem_shared>>
          tpu.wait_indirect_dma semaphore(%arg19 : memref<!tpu.dma_semaphore, #tpu.memory_space<semaphore_mem>>) src(%arg15 : memref<128xf32, #tpu.memory_space<vmem>>) dst(%dma_wait3A_502 : memref<10112xf32, #tpu.memory_space<vmem_shared>>)
          %dma_wait3A_503 = arith.constant 0 : i32
          %dma_wait3A_504 = arith.constant 0 : i32
          %dma_wait3A_505 = arith.constant 0 : i32
          %dma_wait3A_506 = tpu.memref_slice %arg13[%dma_wait3A_503, %dma_wait3A_504, %dma_wait3A_505] : memref<2x8x128xi32, #tpu.memory_space<vmem>> -> memref<1x1x128xi32, #tpu.memory_space<vmem>>
          %dma_wait3A_507 = tpu.memref_squeeze %dma_wait3A_506 : memref<1x1x128xi32, #tpu.memory_space<vmem>> -> memref<128xi32, #tpu.memory_space<vmem>>
          %dma_wait3A_508 = arith.constant 0 : i32
          %dma_wait3A_509 = tpu.memref_slice %arg11[%dma_wait3A_508] : memref<10112xf32, #tpu.memory_space<vmem_shared>> -> memref<10112xf32, #tpu.memory_space<vmem_shared>>
          tpu.wait_indirect_dma semaphore(%arg19 : memref<!tpu.dma_semaphore, #tpu.memory_space<semaphore_mem>>) src(%arg15 : memref<128xf32, #tpu.memory_space<vmem>>) dst(%dma_wait3A_509 : memref<10112xf32, #tpu.memory_space<vmem_shared>>)
          %dma_wait3A_510 = arith.constant 0 : i32
          %dma_wait3A_511 = arith.constant 0 : i32
          %dma_wait3A_512 = arith.constant 0 : i32
          %dma_wait3A_513 = tpu.memref_slice %arg13[%dma_wait3A_510, %dma_wait3A_511, %dma_wait3A_512] : memref<2x8x128xi32, #tpu.memory_space<vmem>> -> memref<1x1x128xi32, #tpu.memory_space<vmem>>
          %dma_wait3A_514 = tpu.memref_squeeze %dma_wait3A_513 : memref<1x1x128xi32, #tpu.memory_space<vmem>> -> memref<128xi32, #tpu.memory_space<vmem>>
          %dma_wait3A_515 = arith.constant 0 : i32
          %dma_wait3A_516 = tpu.memref_slice %arg11[%dma_wait3A_515] : memref<10112xf32, #tpu.memory_space<vmem_shared>> -> memref<10112xf32, #tpu.memory_space<vmem_shared>>
          tpu.wait_indirect_dma semaphore(%arg19 : memref<!tpu.dma_semaphore, #tpu.memory_space<semaphore_mem>>) src(%arg15 : memref<128xf32, #tpu.memory_space<vmem>>) dst(%dma_wait3A_516 : memref<10112xf32, #tpu.memory_space<vmem_shared>>)
          %dma_wait3A_517 = arith.constant 0 : i32
          %dma_wait3A_518 = arith.constant 0 : i32
          %dma_wait3A_519 = arith.constant 0 : i32
          %dma_wait3A_520 = tpu.memref_slice %arg13[%dma_wait3A_517, %dma_wait3A_518, %dma_wait3A_519] : memref<2x8x128xi32, #tpu.memory_space<vmem>> -> memref<1x1x128xi32, #tpu.memory_space<vmem>>
          %dma_wait3A_521 = tpu.memref_squeeze %dma_wait3A_520 : memref<1x1x128xi32, #tpu.memory_space<vmem>> -> memref<128xi32, #tpu.memory_space<vmem>>
          %dma_wait3A_522 = arith.constant 0 : i32
          %dma_wait3A_523 = tpu.memref_slice %arg11[%dma_wait3A_522] : memref<10112xf32, #tpu.memory_space<vmem_shared>> -> memref<10112xf32, #tpu.memory_space<vmem_shared>>
          tpu.wait_indirect_dma semaphore(%arg19 : memref<!tpu.dma_semaphore, #tpu.memory_space<semaphore_mem>>) src(%arg15 : memref<128xf32, #tpu.memory_space<vmem>>) dst(%dma_wait3A_523 : memref<10112xf32, #tpu.memory_space<vmem_shared>>)
          %dma_wait3A_524 = arith.constant 0 : i32
          %dma_wait3A_525 = arith.constant 0 : i32
          %dma_wait3A_526 = arith.constant 0 : i32
          %dma_wait3A_527 = tpu.memref_slice %arg13[%dma_wait3A_524, %dma_wait3A_525, %dma_wait3A_526] : memref<2x8x128xi32, #tpu.memory_space<vmem>> -> memref<1x1x128xi32, #tpu.memory_space<vmem>>
          %dma_wait3A_528 = tpu.memref_squeeze %dma_wait3A_527 : memref<1x1x128xi32, #tpu.memory_space<vmem>> -> memref<128xi32, #tpu.memory_space<vmem>>
          %dma_wait3A_529 = arith.constant 0 : i32
          %dma_wait3A_530 = tpu.memref_slice %arg11[%dma_wait3A_529] : memref<10112xf32, #tpu.memory_space<vmem_shared>> -> memref<10112xf32, #tpu.memory_space<vmem_shared>>
          tpu.wait_indirect_dma semaphore(%arg19 : memref<!tpu.dma_semaphore, #tpu.memory_space<semaphore_mem>>) src(%arg15 : memref<128xf32, #tpu.memory_space<vmem>>) dst(%dma_wait3A_530 : memref<10112xf32, #tpu.memory_space<vmem_shared>>)
          %dma_wait3A_531 = arith.constant 0 : i32
          %dma_wait3A_532 = arith.constant 0 : i32
          %dma_wait3A_533 = arith.constant 0 : i32
          %dma_wait3A_534 = tpu.memref_slice %arg13[%dma_wait3A_531, %dma_wait3A_532, %dma_wait3A_533] : memref<2x8x128xi32, #tpu.memory_space<vmem>> -> memref<1x1x128xi32, #tpu.memory_space<vmem>>
          %dma_wait3A_535 = tpu.memref_squeeze %dma_wait3A_534 : memref<1x1x128xi32, #tpu.memory_space<vmem>> -> memref<128xi32, #tpu.memory_space<vmem>>
          %dma_wait3A_536 = arith.constant 0 : i32
          %dma_wait3A_537 = tpu.memref_slice %arg11[%dma_wait3A_536] : memref<10112xf32, #tpu.memory_space<vmem_shared>> -> memref<10112xf32, #tpu.memory_space<vmem_shared>>
          tpu.wait_indirect_dma semaphore(%arg19 : memref<!tpu.dma_semaphore, #tpu.memory_space<semaphore_mem>>) src(%arg15 : memref<128xf32, #tpu.memory_space<vmem>>) dst(%dma_wait3A_537 : memref<10112xf32, #tpu.memory_space<vmem_shared>>)
        } else {
        }
        %mul3A_420 = arith.constant 8 : i32
        %mul3A_421 = arith.muli %add3A_415, %mul3A_420 : i32
        %add3A_422 = arith.addi %mul3A_2, %mul3A_421 : i32
        %jit3A_423 = arith.constant 2 : i32
        %eq3A_424 = arith.constant 0 : i32
        %eq3A_425 = arith.cmpi eq, %jit3A_423, %eq3A_424 : i32
        %jit3A_426 = arith.constant 1 : i32
        %select_n3A_427 = arith.select %eq3A_425, %jit3A_426, %jit3A_423 : i32
        %rem3A_428 = arith.remsi %add3A_415, %select_n3A_427 : i32
        %ne3A_429 = arith.constant 0 : i32
        %ne3A_430 = arith.cmpi ne, %rem3A_428, %ne3A_429 : i32
        %lt3A_431 = arith.constant 0 : i32
        %lt3A_432 = arith.cmpi slt, %rem3A_428, %lt3A_431 : i32
        %lt3A_433 = arith.constant 0 : i32
        %lt3A_434 = arith.cmpi slt, %select_n3A_427, %lt3A_433 : i32
        %ne3A_435 = arith.xori %lt3A_432, %lt3A_434 : i1
        %and3A_436 = arith.andi %ne3A_435, %ne3A_430 : i1
        %add3A_437 = arith.addi %rem3A_428, %select_n3A_427 : i32
        %select_n3A_438 = arith.select %and3A_436, %add3A_437, %rem3A_428 : i32
        %dma_start3A_439 = arith.constant 0 : i32
        %dma_start3A_440 = arith.constant 0 : i32
        %dma_start3A_441 = tpu.memref_slice %arg12[%select_n3A_438, %dma_start3A_439, %dma_start3A_440] : memref<2x8x128xi32, #tpu.memory_space<vmem>> -> memref<1x8x128xi32, #tpu.memory_space<vmem>>
        %dma_start3A_442 = tpu.memref_squeeze %dma_start3A_441 : memref<1x8x128xi32, #tpu.memory_space<vmem>> -> memref<8x128xi32, #tpu.memory_space<vmem>>
        %dma_start3A_443 = arith.constant 0 : i32
        %dma_start3A_444 = tpu.memref_slice %arg3[%add3A_422, %dma_start3A_443] : memref<2560x128xi32, #tpu.memory_space<hbm>> -> memref<8x128xi32, #tpu.memory_space<hbm>>
        %dma_start3A_445 = arith.constant 0 : i32
        %dma_start3A_446 = arith.constant 0 : i32
        %dma_start3A_447 = tpu.memref_slice %arg12[%select_n3A_438, %dma_start3A_445, %dma_start3A_446] : memref<2x8x128xi32, #tpu.memory_space<vmem>> -> memref<1x8x128xi32, #tpu.memory_space<vmem>>
        %dma_start3A_448 = tpu.memref_squeeze %dma_start3A_447 : memref<1x8x128xi32, #tpu.memory_space<vmem>> -> memref<8x128xi32, #tpu.memory_space<vmem>>
        %dma_start3A_449 = arith.constant 0 : i32
        %dma_start3A_450 = tpu.memref_slice %arg3[%add3A_422, %dma_start3A_449] : memref<2560x128xi32, #tpu.memory_space<hbm>> -> memref<8x128xi32, #tpu.memory_space<hbm>>
        tpu.enqueue_dma source(%dma_start3A_450 : memref<8x128xi32, #tpu.memory_space<hbm>>) target(%dma_start3A_448 : memref<8x128xi32, #tpu.memory_space<vmem>>) target_semaphore(%arg18 : memref<!tpu.dma_semaphore, #tpu.memory_space<semaphore_mem>>)
        %mul3A_451 = arith.constant 8 : i32
        %mul3A_452 = arith.muli %add3A_415, %mul3A_451 : i32
        %add3A_453 = arith.addi %mul3A_2, %mul3A_452 : i32
        %jit3A_454 = arith.constant 2 : i32
        %eq3A_455 = arith.constant 0 : i32
        %eq3A_456 = arith.cmpi eq, %jit3A_454, %eq3A_455 : i32
        %jit3A_457 = arith.constant 1 : i32
        %select_n3A_458 = arith.select %eq3A_456, %jit3A_457, %jit3A_454 : i32
        %rem3A_459 = arith.remsi %add3A_415, %select_n3A_458 : i32
        %ne3A_460 = arith.constant 0 : i32
        %ne3A_461 = arith.cmpi ne, %rem3A_459, %ne3A_460 : i32
        %lt3A_462 = arith.constant 0 : i32
        %lt3A_463 = arith.cmpi slt, %rem3A_459, %lt3A_462 : i32
        %lt3A_464 = arith.constant 0 : i32
        %lt3A_465 = arith.cmpi slt, %select_n3A_458, %lt3A_464 : i32
        %ne3A_466 = arith.xori %lt3A_463, %lt3A_465 : i1
        %and3A_467 = arith.andi %ne3A_466, %ne3A_461 : i1
        %add3A_468 = arith.addi %rem3A_459, %select_n3A_458 : i32
        %select_n3A_469 = arith.select %and3A_467, %add3A_468, %rem3A_459 : i32
        %dma_start3A_470 = arith.constant 0 : i32
        %dma_start3A_471 = arith.constant 0 : i32
        %dma_start3A_472 = tpu.memref_slice %arg13[%select_n3A_469, %dma_start3A_470, %dma_start3A_471] : memref<2x8x128xi32, #tpu.memory_space<vmem>> -> memref<1x8x128xi32, #tpu.memory_space<vmem>>
        %dma_start3A_473 = tpu.memref_squeeze %dma_start3A_472 : memref<1x8x128xi32, #tpu.memory_space<vmem>> -> memref<8x128xi32, #tpu.memory_space<vmem>>
        %dma_start3A_474 = arith.constant 0 : i32
        %dma_start3A_475 = tpu.memref_slice %arg4[%add3A_453, %dma_start3A_474] : memref<2560x128xi32, #tpu.memory_space<hbm>> -> memref<8x128xi32, #tpu.memory_space<hbm>>
        %dma_start3A_476 = arith.constant 0 : i32
        %dma_start3A_477 = arith.constant 0 : i32
        %dma_start3A_478 = tpu.memref_slice %arg13[%select_n3A_469, %dma_start3A_476, %dma_start3A_477] : memref<2x8x128xi32, #tpu.memory_space<vmem>> -> memref<1x8x128xi32, #tpu.memory_space<vmem>>
        %dma_start3A_479 = tpu.memref_squeeze %dma_start3A_478 : memref<1x8x128xi32, #tpu.memory_space<vmem>> -> memref<8x128xi32, #tpu.memory_space<vmem>>
        %dma_start3A_480 = arith.constant 0 : i32
        %dma_start3A_481 = tpu.memref_slice %arg4[%add3A_453, %dma_start3A_480] : memref<2560x128xi32, #tpu.memory_space<hbm>> -> memref<8x128xi32, #tpu.memory_space<hbm>>
        tpu.enqueue_dma source(%dma_start3A_481 : memref<8x128xi32, #tpu.memory_space<hbm>>) target(%dma_start3A_479 : memref<8x128xi32, #tpu.memory_space<vmem>>) target_semaphore(%arg18 : memref<!tpu.dma_semaphore, #tpu.memory_space<semaphore_mem>>)
      } else {
      }
      %dma_start3A_165 = arith.constant 1 : i32
      %dma_start3A_166 = arith.constant 1 : i32
      %dma_start3A_167 = arith.constant 0 : i32
      %dma_start3A_168 = arith.constant 0 : i32
      %dma_start3A_169 = tpu.memref_slice %arg14[%dma_start3A_166, %dma_start3A_167, %dma_start3A_168] : memref<2x128x128xf32, #tpu.memory_space<vmem>> -> memref<1x128x128xf32, #tpu.memory_space<vmem>>
      %dma_start3A_170 = tpu.memref_squeeze %dma_start3A_169 : memref<1x128x128xf32, #tpu.memory_space<vmem>> -> memref<128x128xf32, #tpu.memory_space<vmem>>
      %dma_start3A_171 = arith.constant 0 : i32
      %dma_start3A_172 = tpu.memref_slice %arg12[%select_n3A_161, %dma_start3A_165, %dma_start3A_171] : memref<2x8x128xi32, #tpu.memory_space<vmem>> -> memref<1x1x128xi32, #tpu.memory_space<vmem>>
      %dma_start3A_173 = tpu.memref_squeeze %dma_start3A_172 : memref<1x1x128xi32, #tpu.memory_space<vmem>> -> memref<128xi32, #tpu.memory_space<vmem>>
      %dma_start3A_174 = arith.constant 0 : i32
      %dma_start3A_175 = arith.constant 0 : i32
      %dma_start3A_176 = tpu.memref_slice %arg2[%dma_start3A_174, %dma_start3A_175] : memref<10000x128xf32, #tpu.memory_space<hbm>> -> memref<10000x128xf32, #tpu.memory_space<hbm>>
      tpu.enqueue_indirect_dma source(%dma_start3A_176 : memref<10000x128xf32, #tpu.memory_space<hbm>>) target(%dma_start3A_170 : memref<128x128xf32, #tpu.memory_space<vmem>>) offsets(%dma_start3A_173 : memref<128xi32, #tpu.memory_space<vmem>>) semaphore(%arg17 : memref<!tpu.dma_semaphore, #tpu.memory_space<semaphore_mem>>)
      %dma_start3A_177 = arith.constant 0 : i32
      %dma_start3A_178 = arith.constant 0 : i32
      %dma_start3A_179 = tpu.memref_slice %arg13[%select_n3A_161, %dma_start3A_177, %dma_start3A_178] : memref<2x8x128xi32, #tpu.memory_space<vmem>> -> memref<1x1x128xi32, #tpu.memory_space<vmem>>
      %dma_start3A_180 = tpu.memref_squeeze %dma_start3A_179 : memref<1x1x128xi32, #tpu.memory_space<vmem>> -> memref<128xi32, #tpu.memory_space<vmem>>
      %dma_start3A_181 = arith.constant 0 : i32
      %dma_start3A_182 = tpu.memref_slice %arg11[%dma_start3A_181] : memref<10112xf32, #tpu.memory_space<vmem_shared>> -> memref<10112xf32, #tpu.memory_space<vmem_shared>>
      tpu.enqueue_indirect_dma source(%arg15 : memref<128xf32, #tpu.memory_space<vmem>>) target(%dma_start3A_182 : memref<10112xf32, #tpu.memory_space<vmem_shared>>) offsets(%dma_start3A_180 : memref<128xi32, #tpu.memory_space<vmem>>) semaphore(%arg19 : memref<!tpu.dma_semaphore, #tpu.memory_space<semaphore_mem>>) {add = true}
      %dma_wait3A_183 = arith.constant 0 : i32
      %dma_wait3A_184 = arith.constant 0 : i32
      %dma_wait3A_185 = arith.constant 0 : i32
      %dma_wait3A_186 = arith.constant 0 : i32
      %dma_wait3A_187 = tpu.memref_slice %arg14[%dma_wait3A_184, %dma_wait3A_185, %dma_wait3A_186] : memref<2x128x128xf32, #tpu.memory_space<vmem>> -> memref<1x128x128xf32, #tpu.memory_space<vmem>>
      %dma_wait3A_188 = tpu.memref_squeeze %dma_wait3A_187 : memref<1x128x128xf32, #tpu.memory_space<vmem>> -> memref<128x128xf32, #tpu.memory_space<vmem>>
      %dma_wait3A_189 = arith.constant 0 : i32
      %dma_wait3A_190 = tpu.memref_slice %arg12[%select_n3A_161, %dma_wait3A_183, %dma_wait3A_189] : memref<2x8x128xi32, #tpu.memory_space<vmem>> -> memref<1x1x128xi32, #tpu.memory_space<vmem>>
      %dma_wait3A_191 = tpu.memref_squeeze %dma_wait3A_190 : memref<1x1x128xi32, #tpu.memory_space<vmem>> -> memref<128xi32, #tpu.memory_space<vmem>>
      %dma_wait3A_192 = arith.constant 0 : i32
      %dma_wait3A_193 = arith.constant 0 : i32
      %dma_wait3A_194 = tpu.memref_slice %arg2[%dma_wait3A_192, %dma_wait3A_193] : memref<10000x128xf32, #tpu.memory_space<hbm>> -> memref<10000x128xf32, #tpu.memory_space<hbm>>
      tpu.wait_indirect_dma semaphore(%arg17 : memref<!tpu.dma_semaphore, #tpu.memory_space<semaphore_mem>>) src(%dma_wait3A_194 : memref<10000x128xf32, #tpu.memory_space<hbm>>) dst(%dma_wait3A_188 : memref<128x128xf32, #tpu.memory_space<vmem>>)
      %run_scoped3A_195 = arith.constant 0 : i32
      %run_scoped3A_196 = arith.constant 0 : i32
      "tpu.region"() ({
        %run_scoped3A_414 = tpu.sem_alloc : memref<!tpu.dma_semaphore, #tpu.memory_space<semaphore_mem>>
        %dma_start3A_415 = arith.constant 0 : i32
        %dma_start3A_416 = arith.constant 0 : i32
        %dma_start3A_417 = tpu.memref_slice %arg14[%run_scoped3A_195, %dma_start3A_415, %dma_start3A_416] : memref<2x128x128xf32, #tpu.memory_space<vmem>> -> memref<1x128x128xf32, #tpu.memory_space<vmem>>
        %dma_start3A_418 = tpu.memref_squeeze %dma_start3A_417 : memref<1x128x128xf32, #tpu.memory_space<vmem>> -> memref<128x128xf32, #tpu.memory_space<vmem>>
        %dma_start3A_419 = arith.constant 0 : i32
        %dma_start3A_420 = tpu.memref_slice %arg13[%select_n3A_161, %run_scoped3A_196, %dma_start3A_419] : memref<2x8x128xi32, #tpu.memory_space<vmem>> -> memref<1x1x128xi32, #tpu.memory_space<vmem>>
        %dma_start3A_421 = tpu.memref_squeeze %dma_start3A_420 : memref<1x1x128xi32, #tpu.memory_space<vmem>> -> memref<128xi32, #tpu.memory_space<vmem>>
        %dma_start3A_422 = arith.constant 0 : i32
        %dma_start3A_423 = arith.constant 0 : i32
        %dma_start3A_424 = tpu.memref_slice %arg10[%dma_start3A_422, %dma_start3A_423] : memref<10112x128xf32, #tpu.memory_space<vmem_shared>> -> memref<10112x128xf32, #tpu.memory_space<vmem_shared>>
        tpu.enqueue_indirect_dma source(%dma_start3A_418 : memref<128x128xf32, #tpu.memory_space<vmem>>) target(%dma_start3A_424 : memref<10112x128xf32, #tpu.memory_space<vmem_shared>>) offsets(%dma_start3A_421 : memref<128xi32, #tpu.memory_space<vmem>>) semaphore(%run_scoped3A_414 : memref<!tpu.dma_semaphore, #tpu.memory_space<semaphore_mem>>) {add = true}
        %dma_wait3A_425 = arith.constant 0 : i32
        %dma_wait3A_426 = arith.constant 0 : i32
        %dma_wait3A_427 = tpu.memref_slice %arg14[%run_scoped3A_195, %dma_wait3A_425, %dma_wait3A_426] : memref<2x128x128xf32, #tpu.memory_space<vmem>> -> memref<1x128x128xf32, #tpu.memory_space<vmem>>
        %dma_wait3A_428 = tpu.memref_squeeze %dma_wait3A_427 : memref<1x128x128xf32, #tpu.memory_space<vmem>> -> memref<128x128xf32, #tpu.memory_space<vmem>>
        %dma_wait3A_429 = arith.constant 0 : i32
        %dma_wait3A_430 = tpu.memref_slice %arg13[%select_n3A_161, %run_scoped3A_196, %dma_wait3A_429] : memref<2x8x128xi32, #tpu.memory_space<vmem>> -> memref<1x1x128xi32, #tpu.memory_space<vmem>>
        %dma_wait3A_431 = tpu.memref_squeeze %dma_wait3A_430 : memref<1x1x128xi32, #tpu.memory_space<vmem>> -> memref<128xi32, #tpu.memory_space<vmem>>
        %dma_wait3A_432 = arith.constant 0 : i32
        %dma_wait3A_433 = arith.constant 0 : i32
        %dma_wait3A_434 = tpu.memref_slice %arg10[%dma_wait3A_432, %dma_wait3A_433] : memref<10112x128xf32, #tpu.memory_space<vmem_shared>> -> memref<10112x128xf32, #tpu.memory_space<vmem_shared>>
        tpu.wait_indirect_dma semaphore(%run_scoped3A_414 : memref<!tpu.dma_semaphore, #tpu.memory_space<semaphore_mem>>) src(%dma_wait3A_428 : memref<128x128xf32, #tpu.memory_space<vmem>>) dst(%dma_wait3A_434 : memref<10112x128xf32, #tpu.memory_space<vmem_shared>>)
        tpu.yield
      }) : () -> ()
      %dma_start3A_197 = arith.constant 2 : i32
      %dma_start3A_198 = arith.constant 0 : i32
      %dma_start3A_199 = arith.constant 0 : i32
      %dma_start3A_200 = arith.constant 0 : i32
      %dma_start3A_201 = tpu.memref_slice %arg14[%dma_start3A_198, %dma_start3A_199, %dma_start3A_200] : memref<2x128x128xf32, #tpu.memory_space<vmem>> -> memref<1x128x128xf32, #tpu.memory_space<vmem>>
      %dma_start3A_202 = tpu.memref_squeeze %dma_start3A_201 : memref<1x128x128xf32, #tpu.memory_space<vmem>> -> memref<128x128xf32, #tpu.memory_space<vmem>>
      %dma_start3A_203 = arith.constant 0 : i32
      %dma_start3A_204 = tpu.memref_slice %arg12[%select_n3A_161, %dma_start3A_197, %dma_start3A_203] : memref<2x8x128xi32, #tpu.memory_space<vmem>> -> memref<1x1x128xi32, #tpu.memory_space<vmem>>
      %dma_start3A_205 = tpu.memref_squeeze %dma_start3A_204 : memref<1x1x128xi32, #tpu.memory_space<vmem>> -> memref<128xi32, #tpu.memory_space<vmem>>
      %dma_start3A_206 = arith.constant 0 : i32
      %dma_start3A_207 = arith.constant 0 : i32
      %dma_start3A_208 = tpu.memref_slice %arg2[%dma_start3A_206, %dma_start3A_207] : memref<10000x128xf32, #tpu.memory_space<hbm>> -> memref<10000x128xf32, #tpu.memory_space<hbm>>
      tpu.enqueue_indirect_dma source(%dma_start3A_208 : memref<10000x128xf32, #tpu.memory_space<hbm>>) target(%dma_start3A_202 : memref<128x128xf32, #tpu.memory_space<vmem>>) offsets(%dma_start3A_205 : memref<128xi32, #tpu.memory_space<vmem>>) semaphore(%arg17 : memref<!tpu.dma_semaphore, #tpu.memory_space<semaphore_mem>>)
      %dma_start3A_209 = arith.constant 1 : i32
      %dma_start3A_210 = arith.constant 0 : i32
      %dma_start3A_211 = tpu.memref_slice %arg13[%select_n3A_161, %dma_start3A_209, %dma_start3A_210] : memref<2x8x128xi32, #tpu.memory_space<vmem>> -> memref<1x1x128xi32, #tpu.memory_space<vmem>>
      %dma_start3A_212 = tpu.memref_squeeze %dma_start3A_211 : memref<1x1x128xi32, #tpu.memory_space<vmem>> -> memref<128xi32, #tpu.memory_space<vmem>>
      %dma_start3A_213 = arith.constant 0 : i32
      %dma_start3A_214 = tpu.memref_slice %arg11[%dma_start3A_213] : memref<10112xf32, #tpu.memory_space<vmem_shared>> -> memref<10112xf32, #tpu.memory_space<vmem_shared>>
      tpu.enqueue_indirect_dma source(%arg15 : memref<128xf32, #tpu.memory_space<vmem>>) target(%dma_start3A_214 : memref<10112xf32, #tpu.memory_space<vmem_shared>>) offsets(%dma_start3A_212 : memref<128xi32, #tpu.memory_space<vmem>>) semaphore(%arg19 : memref<!tpu.dma_semaphore, #tpu.memory_space<semaphore_mem>>) {add = true}
      %dma_wait3A_215 = arith.constant 1 : i32
      %dma_wait3A_216 = arith.constant 1 : i32
      %dma_wait3A_217 = arith.constant 0 : i32
      %dma_wait3A_218 = arith.constant 0 : i32
      %dma_wait3A_219 = tpu.memref_slice %arg14[%dma_wait3A_216, %dma_wait3A_217, %dma_wait3A_218] : memref<2x128x128xf32, #tpu.memory_space<vmem>> -> memref<1x128x128xf32, #tpu.memory_space<vmem>>
      %dma_wait3A_220 = tpu.memref_squeeze %dma_wait3A_219 : memref<1x128x128xf32, #tpu.memory_space<vmem>> -> memref<128x128xf32, #tpu.memory_space<vmem>>
      %dma_wait3A_221 = arith.constant 0 : i32
      %dma_wait3A_222 = tpu.memref_slice %arg12[%select_n3A_161, %dma_wait3A_215, %dma_wait3A_221] : memref<2x8x128xi32, #tpu.memory_space<vmem>> -> memref<1x1x128xi32, #tpu.memory_space<vmem>>
      %dma_wait3A_223 = tpu.memref_squeeze %dma_wait3A_222 : memref<1x1x128xi32, #tpu.memory_space<vmem>> -> memref<128xi32, #tpu.memory_space<vmem>>
      %dma_wait3A_224 = arith.constant 0 : i32
      %dma_wait3A_225 = arith.constant 0 : i32
      %dma_wait3A_226 = tpu.memref_slice %arg2[%dma_wait3A_224, %dma_wait3A_225] : memref<10000x128xf32, #tpu.memory_space<hbm>> -> memref<10000x128xf32, #tpu.memory_space<hbm>>
      tpu.wait_indirect_dma semaphore(%arg17 : memref<!tpu.dma_semaphore, #tpu.memory_space<semaphore_mem>>) src(%dma_wait3A_226 : memref<10000x128xf32, #tpu.memory_space<hbm>>) dst(%dma_wait3A_220 : memref<128x128xf32, #tpu.memory_space<vmem>>)
      %run_scoped3A_227 = arith.constant 1 : i32
      %run_scoped3A_228 = arith.constant 1 : i32
      "tpu.region"() ({
        %run_scoped3A_414 = tpu.sem_alloc : memref<!tpu.dma_semaphore, #tpu.memory_space<semaphore_mem>>
        %dma_start3A_415 = arith.constant 0 : i32
        %dma_start3A_416 = arith.constant 0 : i32
        %dma_start3A_417 = tpu.memref_slice %arg14[%run_scoped3A_227, %dma_start3A_415, %dma_start3A_416] : memref<2x128x128xf32, #tpu.memory_space<vmem>> -> memref<1x128x128xf32, #tpu.memory_space<vmem>>
        %dma_start3A_418 = tpu.memref_squeeze %dma_start3A_417 : memref<1x128x128xf32, #tpu.memory_space<vmem>> -> memref<128x128xf32, #tpu.memory_space<vmem>>
        %dma_start3A_419 = arith.constant 0 : i32
        %dma_start3A_420 = tpu.memref_slice %arg13[%select_n3A_161, %run_scoped3A_228, %dma_start3A_419] : memref<2x8x128xi32, #tpu.memory_space<vmem>> -> memref<1x1x128xi32, #tpu.memory_space<vmem>>
        %dma_start3A_421 = tpu.memref_squeeze %dma_start3A_420 : memref<1x1x128xi32, #tpu.memory_space<vmem>> -> memref<128xi32, #tpu.memory_space<vmem>>
        %dma_start3A_422 = arith.constant 0 : i32
        %dma_start3A_423 = arith.constant 0 : i32
        %dma_start3A_424 = tpu.memref_slice %arg10[%dma_start3A_422, %dma_start3A_423] : memref<10112x128xf32, #tpu.memory_space<vmem_shared>> -> memref<10112x128xf32, #tpu.memory_space<vmem_shared>>
        tpu.enqueue_indirect_dma source(%dma_start3A_418 : memref<128x128xf32, #tpu.memory_space<vmem>>) target(%dma_start3A_424 : memref<10112x128xf32, #tpu.memory_space<vmem_shared>>) offsets(%dma_start3A_421 : memref<128xi32, #tpu.memory_space<vmem>>) semaphore(%run_scoped3A_414 : memref<!tpu.dma_semaphore, #tpu.memory_space<semaphore_mem>>) {add = true}
        %dma_wait3A_425 = arith.constant 0 : i32
        %dma_wait3A_426 = arith.constant 0 : i32
        %dma_wait3A_427 = tpu.memref_slice %arg14[%run_scoped3A_227, %dma_wait3A_425, %dma_wait3A_426] : memref<2x128x128xf32, #tpu.memory_space<vmem>> -> memref<1x128x128xf32, #tpu.memory_space<vmem>>
        %dma_wait3A_428 = tpu.memref_squeeze %dma_wait3A_427 : memref<1x128x128xf32, #tpu.memory_space<vmem>> -> memref<128x128xf32, #tpu.memory_space<vmem>>
        %dma_wait3A_429 = arith.constant 0 : i32
        %dma_wait3A_430 = tpu.memref_slice %arg13[%select_n3A_161, %run_scoped3A_228, %dma_wait3A_429] : memref<2x8x128xi32, #tpu.memory_space<vmem>> -> memref<1x1x128xi32, #tpu.memory_space<vmem>>
        %dma_wait3A_431 = tpu.memref_squeeze %dma_wait3A_430 : memref<1x1x128xi32, #tpu.memory_space<vmem>> -> memref<128xi32, #tpu.memory_space<vmem>>
        %dma_wait3A_432 = arith.constant 0 : i32
        %dma_wait3A_433 = arith.constant 0 : i32
        %dma_wait3A_434 = tpu.memref_slice %arg10[%dma_wait3A_432, %dma_wait3A_433] : memref<10112x128xf32, #tpu.memory_space<vmem_shared>> -> memref<10112x128xf32, #tpu.memory_space<vmem_shared>>
        tpu.wait_indirect_dma semaphore(%run_scoped3A_414 : memref<!tpu.dma_semaphore, #tpu.memory_space<semaphore_mem>>) src(%dma_wait3A_428 : memref<128x128xf32, #tpu.memory_space<vmem>>) dst(%dma_wait3A_434 : memref<10112x128xf32, #tpu.memory_space<vmem_shared>>)
        tpu.yield
      }) : () -> ()
      %dma_start3A_229 = arith.constant 3 : i32
      %dma_start3A_230 = arith.constant 1 : i32
      %dma_start3A_231 = arith.constant 0 : i32
      %dma_start3A_232 = arith.constant 0 : i32
      %dma_start3A_233 = tpu.memref_slice %arg14[%dma_start3A_230, %dma_start3A_231, %dma_start3A_232] : memref<2x128x128xf32, #tpu.memory_space<vmem>> -> memref<1x128x128xf32, #tpu.memory_space<vmem>>
      %dma_start3A_234 = tpu.memref_squeeze %dma_start3A_233 : memref<1x128x128xf32, #tpu.memory_space<vmem>> -> memref<128x128xf32, #tpu.memory_space<vmem>>
      %dma_start3A_235 = arith.constant 0 : i32
      %dma_start3A_236 = tpu.memref_slice %arg12[%select_n3A_161, %dma_start3A_229, %dma_start3A_235] : memref<2x8x128xi32, #tpu.memory_space<vmem>> -> memref<1x1x128xi32, #tpu.memory_space<vmem>>
      %dma_start3A_237 = tpu.memref_squeeze %dma_start3A_236 : memref<1x1x128xi32, #tpu.memory_space<vmem>> -> memref<128xi32, #tpu.memory_space<vmem>>
      %dma_start3A_238 = arith.constant 0 : i32
      %dma_start3A_239 = arith.constant 0 : i32
      %dma_start3A_240 = tpu.memref_slice %arg2[%dma_start3A_238, %dma_start3A_239] : memref<10000x128xf32, #tpu.memory_space<hbm>> -> memref<10000x128xf32, #tpu.memory_space<hbm>>
      tpu.enqueue_indirect_dma source(%dma_start3A_240 : memref<10000x128xf32, #tpu.memory_space<hbm>>) target(%dma_start3A_234 : memref<128x128xf32, #tpu.memory_space<vmem>>) offsets(%dma_start3A_237 : memref<128xi32, #tpu.memory_space<vmem>>) semaphore(%arg17 : memref<!tpu.dma_semaphore, #tpu.memory_space<semaphore_mem>>)
      %dma_start3A_241 = arith.constant 2 : i32
      %dma_start3A_242 = arith.constant 0 : i32
      %dma_start3A_243 = tpu.memref_slice %arg13[%select_n3A_161, %dma_start3A_241, %dma_start3A_242] : memref<2x8x128xi32, #tpu.memory_space<vmem>> -> memref<1x1x128xi32, #tpu.memory_space<vmem>>
      %dma_start3A_244 = tpu.memref_squeeze %dma_start3A_243 : memref<1x1x128xi32, #tpu.memory_space<vmem>> -> memref<128xi32, #tpu.memory_space<vmem>>
      %dma_start3A_245 = arith.constant 0 : i32
      %dma_start3A_246 = tpu.memref_slice %arg11[%dma_start3A_245] : memref<10112xf32, #tpu.memory_space<vmem_shared>> -> memref<10112xf32, #tpu.memory_space<vmem_shared>>
      tpu.enqueue_indirect_dma source(%arg15 : memref<128xf32, #tpu.memory_space<vmem>>) target(%dma_start3A_246 : memref<10112xf32, #tpu.memory_space<vmem_shared>>) offsets(%dma_start3A_244 : memref<128xi32, #tpu.memory_space<vmem>>) semaphore(%arg19 : memref<!tpu.dma_semaphore, #tpu.memory_space<semaphore_mem>>) {add = true}
      %dma_wait3A_247 = arith.constant 2 : i32
      %dma_wait3A_248 = arith.constant 0 : i32
      %dma_wait3A_249 = arith.constant 0 : i32
      %dma_wait3A_250 = arith.constant 0 : i32
      %dma_wait3A_251 = tpu.memref_slice %arg14[%dma_wait3A_248, %dma_wait3A_249, %dma_wait3A_250] : memref<2x128x128xf32, #tpu.memory_space<vmem>> -> memref<1x128x128xf32, #tpu.memory_space<vmem>>
      %dma_wait3A_252 = tpu.memref_squeeze %dma_wait3A_251 : memref<1x128x128xf32, #tpu.memory_space<vmem>> -> memref<128x128xf32, #tpu.memory_space<vmem>>
      %dma_wait3A_253 = arith.constant 0 : i32
      %dma_wait3A_254 = tpu.memref_slice %arg12[%select_n3A_161, %dma_wait3A_247, %dma_wait3A_253] : memref<2x8x128xi32, #tpu.memory_space<vmem>> -> memref<1x1x128xi32, #tpu.memory_space<vmem>>
      %dma_wait3A_255 = tpu.memref_squeeze %dma_wait3A_254 : memref<1x1x128xi32, #tpu.memory_space<vmem>> -> memref<128xi32, #tpu.memory_space<vmem>>
      %dma_wait3A_256 = arith.constant 0 : i32
      %dma_wait3A_257 = arith.constant 0 : i32
      %dma_wait3A_258 = tpu.memref_slice %arg2[%dma_wait3A_256, %dma_wait3A_257] : memref<10000x128xf32, #tpu.memory_space<hbm>> -> memref<10000x128xf32, #tpu.memory_space<hbm>>
      tpu.wait_indirect_dma semaphore(%arg17 : memref<!tpu.dma_semaphore, #tpu.memory_space<semaphore_mem>>) src(%dma_wait3A_258 : memref<10000x128xf32, #tpu.memory_space<hbm>>) dst(%dma_wait3A_252 : memref<128x128xf32, #tpu.memory_space<vmem>>)
      %run_scoped3A_259 = arith.constant 0 : i32
      %run_scoped3A_260 = arith.constant 2 : i32
      "tpu.region"() ({
        %run_scoped3A_414 = tpu.sem_alloc : memref<!tpu.dma_semaphore, #tpu.memory_space<semaphore_mem>>
        %dma_start3A_415 = arith.constant 0 : i32
        %dma_start3A_416 = arith.constant 0 : i32
        %dma_start3A_417 = tpu.memref_slice %arg14[%run_scoped3A_259, %dma_start3A_415, %dma_start3A_416] : memref<2x128x128xf32, #tpu.memory_space<vmem>> -> memref<1x128x128xf32, #tpu.memory_space<vmem>>
        %dma_start3A_418 = tpu.memref_squeeze %dma_start3A_417 : memref<1x128x128xf32, #tpu.memory_space<vmem>> -> memref<128x128xf32, #tpu.memory_space<vmem>>
        %dma_start3A_419 = arith.constant 0 : i32
        %dma_start3A_420 = tpu.memref_slice %arg13[%select_n3A_161, %run_scoped3A_260, %dma_start3A_419] : memref<2x8x128xi32, #tpu.memory_space<vmem>> -> memref<1x1x128xi32, #tpu.memory_space<vmem>>
        %dma_start3A_421 = tpu.memref_squeeze %dma_start3A_420 : memref<1x1x128xi32, #tpu.memory_space<vmem>> -> memref<128xi32, #tpu.memory_space<vmem>>
        %dma_start3A_422 = arith.constant 0 : i32
        %dma_start3A_423 = arith.constant 0 : i32
        %dma_start3A_424 = tpu.memref_slice %arg10[%dma_start3A_422, %dma_start3A_423] : memref<10112x128xf32, #tpu.memory_space<vmem_shared>> -> memref<10112x128xf32, #tpu.memory_space<vmem_shared>>
        tpu.enqueue_indirect_dma source(%dma_start3A_418 : memref<128x128xf32, #tpu.memory_space<vmem>>) target(%dma_start3A_424 : memref<10112x128xf32, #tpu.memory_space<vmem_shared>>) offsets(%dma_start3A_421 : memref<128xi32, #tpu.memory_space<vmem>>) semaphore(%run_scoped3A_414 : memref<!tpu.dma_semaphore, #tpu.memory_space<semaphore_mem>>) {add = true}
        %dma_wait3A_425 = arith.constant 0 : i32
        %dma_wait3A_426 = arith.constant 0 : i32
        %dma_wait3A_427 = tpu.memref_slice %arg14[%run_scoped3A_259, %dma_wait3A_425, %dma_wait3A_426] : memref<2x128x128xf32, #tpu.memory_space<vmem>> -> memref<1x128x128xf32, #tpu.memory_space<vmem>>
        %dma_wait3A_428 = tpu.memref_squeeze %dma_wait3A_427 : memref<1x128x128xf32, #tpu.memory_space<vmem>> -> memref<128x128xf32, #tpu.memory_space<vmem>>
        %dma_wait3A_429 = arith.constant 0 : i32
        %dma_wait3A_430 = tpu.memref_slice %arg13[%select_n3A_161, %run_scoped3A_260, %dma_wait3A_429] : memref<2x8x128xi32, #tpu.memory_space<vmem>> -> memref<1x1x128xi32, #tpu.memory_space<vmem>>
        %dma_wait3A_431 = tpu.memref_squeeze %dma_wait3A_430 : memref<1x1x128xi32, #tpu.memory_space<vmem>> -> memref<128xi32, #tpu.memory_space<vmem>>
        %dma_wait3A_432 = arith.constant 0 : i32
        %dma_wait3A_433 = arith.constant 0 : i32
        %dma_wait3A_434 = tpu.memref_slice %arg10[%dma_wait3A_432, %dma_wait3A_433] : memref<10112x128xf32, #tpu.memory_space<vmem_shared>> -> memref<10112x128xf32, #tpu.memory_space<vmem_shared>>
        tpu.wait_indirect_dma semaphore(%run_scoped3A_414 : memref<!tpu.dma_semaphore, #tpu.memory_space<semaphore_mem>>) src(%dma_wait3A_428 : memref<128x128xf32, #tpu.memory_space<vmem>>) dst(%dma_wait3A_434 : memref<10112x128xf32, #tpu.memory_space<vmem_shared>>)
        tpu.yield
      }) : () -> ()
      %dma_start3A_261 = arith.constant 4 : i32
      %dma_start3A_262 = arith.constant 0 : i32
      %dma_start3A_263 = arith.constant 0 : i32
      %dma_start3A_264 = arith.constant 0 : i32
      %dma_start3A_265 = tpu.memref_slice %arg14[%dma_start3A_262, %dma_start3A_263, %dma_start3A_264] : memref<2x128x128xf32, #tpu.memory_space<vmem>> -> memref<1x128x128xf32, #tpu.memory_space<vmem>>
      %dma_start3A_266 = tpu.memref_squeeze %dma_start3A_265 : memref<1x128x128xf32, #tpu.memory_space<vmem>> -> memref<128x128xf32, #tpu.memory_space<vmem>>
      %dma_start3A_267 = arith.constant 0 : i32
      %dma_start3A_268 = tpu.memref_slice %arg12[%select_n3A_161, %dma_start3A_261, %dma_start3A_267] : memref<2x8x128xi32, #tpu.memory_space<vmem>> -> memref<1x1x128xi32, #tpu.memory_space<vmem>>
      %dma_start3A_269 = tpu.memref_squeeze %dma_start3A_268 : memref<1x1x128xi32, #tpu.memory_space<vmem>> -> memref<128xi32, #tpu.memory_space<vmem>>
      %dma_start3A_270 = arith.constant 0 : i32
      %dma_start3A_271 = arith.constant 0 : i32
      %dma_start3A_272 = tpu.memref_slice %arg2[%dma_start3A_270, %dma_start3A_271] : memref<10000x128xf32, #tpu.memory_space<hbm>> -> memref<10000x128xf32, #tpu.memory_space<hbm>>
      tpu.enqueue_indirect_dma source(%dma_start3A_272 : memref<10000x128xf32, #tpu.memory_space<hbm>>) target(%dma_start3A_266 : memref<128x128xf32, #tpu.memory_space<vmem>>) offsets(%dma_start3A_269 : memref<128xi32, #tpu.memory_space<vmem>>) semaphore(%arg17 : memref<!tpu.dma_semaphore, #tpu.memory_space<semaphore_mem>>)
      %dma_start3A_273 = arith.constant 3 : i32
      %dma_start3A_274 = arith.constant 0 : i32
      %dma_start3A_275 = tpu.memref_slice %arg13[%select_n3A_161, %dma_start3A_273, %dma_start3A_274] : memref<2x8x128xi32, #tpu.memory_space<vmem>> -> memref<1x1x128xi32, #tpu.memory_space<vmem>>
      %dma_start3A_276 = tpu.memref_squeeze %dma_start3A_275 : memref<1x1x128xi32, #tpu.memory_space<vmem>> -> memref<128xi32, #tpu.memory_space<vmem>>
      %dma_start3A_277 = arith.constant 0 : i32
      %dma_start3A_278 = tpu.memref_slice %arg11[%dma_start3A_277] : memref<10112xf32, #tpu.memory_space<vmem_shared>> -> memref<10112xf32, #tpu.memory_space<vmem_shared>>
      tpu.enqueue_indirect_dma source(%arg15 : memref<128xf32, #tpu.memory_space<vmem>>) target(%dma_start3A_278 : memref<10112xf32, #tpu.memory_space<vmem_shared>>) offsets(%dma_start3A_276 : memref<128xi32, #tpu.memory_space<vmem>>) semaphore(%arg19 : memref<!tpu.dma_semaphore, #tpu.memory_space<semaphore_mem>>) {add = true}
      %dma_wait3A_279 = arith.constant 3 : i32
      %dma_wait3A_280 = arith.constant 1 : i32
      %dma_wait3A_281 = arith.constant 0 : i32
      %dma_wait3A_282 = arith.constant 0 : i32
      %dma_wait3A_283 = tpu.memref_slice %arg14[%dma_wait3A_280, %dma_wait3A_281, %dma_wait3A_282] : memref<2x128x128xf32, #tpu.memory_space<vmem>> -> memref<1x128x128xf32, #tpu.memory_space<vmem>>
      %dma_wait3A_284 = tpu.memref_squeeze %dma_wait3A_283 : memref<1x128x128xf32, #tpu.memory_space<vmem>> -> memref<128x128xf32, #tpu.memory_space<vmem>>
      %dma_wait3A_285 = arith.constant 0 : i32
      %dma_wait3A_286 = tpu.memref_slice %arg12[%select_n3A_161, %dma_wait3A_279, %dma_wait3A_285] : memref<2x8x128xi32, #tpu.memory_space<vmem>> -> memref<1x1x128xi32, #tpu.memory_space<vmem>>
      %dma_wait3A_287 = tpu.memref_squeeze %dma_wait3A_286 : memref<1x1x128xi32, #tpu.memory_space<vmem>> -> memref<128xi32, #tpu.memory_space<vmem>>
      %dma_wait3A_288 = arith.constant 0 : i32
      %dma_wait3A_289 = arith.constant 0 : i32
      %dma_wait3A_290 = tpu.memref_slice %arg2[%dma_wait3A_288, %dma_wait3A_289] : memref<10000x128xf32, #tpu.memory_space<hbm>> -> memref<10000x128xf32, #tpu.memory_space<hbm>>
      tpu.wait_indirect_dma semaphore(%arg17 : memref<!tpu.dma_semaphore, #tpu.memory_space<semaphore_mem>>) src(%dma_wait3A_290 : memref<10000x128xf32, #tpu.memory_space<hbm>>) dst(%dma_wait3A_284 : memref<128x128xf32, #tpu.memory_space<vmem>>)
      %run_scoped3A_291 = arith.constant 1 : i32
      %run_scoped3A_292 = arith.constant 3 : i32
      "tpu.region"() ({
        %run_scoped3A_414 = tpu.sem_alloc : memref<!tpu.dma_semaphore, #tpu.memory_space<semaphore_mem>>
        %dma_start3A_415 = arith.constant 0 : i32
        %dma_start3A_416 = arith.constant 0 : i32
        %dma_start3A_417 = tpu.memref_slice %arg14[%run_scoped3A_291, %dma_start3A_415, %dma_start3A_416] : memref<2x128x128xf32, #tpu.memory_space<vmem>> -> memref<1x128x128xf32, #tpu.memory_space<vmem>>
        %dma_start3A_418 = tpu.memref_squeeze %dma_start3A_417 : memref<1x128x128xf32, #tpu.memory_space<vmem>> -> memref<128x128xf32, #tpu.memory_space<vmem>>
        %dma_start3A_419 = arith.constant 0 : i32
        %dma_start3A_420 = tpu.memref_slice %arg13[%select_n3A_161, %run_scoped3A_292, %dma_start3A_419] : memref<2x8x128xi32, #tpu.memory_space<vmem>> -> memref<1x1x128xi32, #tpu.memory_space<vmem>>
        %dma_start3A_421 = tpu.memref_squeeze %dma_start3A_420 : memref<1x1x128xi32, #tpu.memory_space<vmem>> -> memref<128xi32, #tpu.memory_space<vmem>>
        %dma_start3A_422 = arith.constant 0 : i32
        %dma_start3A_423 = arith.constant 0 : i32
        %dma_start3A_424 = tpu.memref_slice %arg10[%dma_start3A_422, %dma_start3A_423] : memref<10112x128xf32, #tpu.memory_space<vmem_shared>> -> memref<10112x128xf32, #tpu.memory_space<vmem_shared>>
        tpu.enqueue_indirect_dma source(%dma_start3A_418 : memref<128x128xf32, #tpu.memory_space<vmem>>) target(%dma_start3A_424 : memref<10112x128xf32, #tpu.memory_space<vmem_shared>>) offsets(%dma_start3A_421 : memref<128xi32, #tpu.memory_space<vmem>>) semaphore(%run_scoped3A_414 : memref<!tpu.dma_semaphore, #tpu.memory_space<semaphore_mem>>) {add = true}
        %dma_wait3A_425 = arith.constant 0 : i32
        %dma_wait3A_426 = arith.constant 0 : i32
        %dma_wait3A_427 = tpu.memref_slice %arg14[%run_scoped3A_291, %dma_wait3A_425, %dma_wait3A_426] : memref<2x128x128xf32, #tpu.memory_space<vmem>> -> memref<1x128x128xf32, #tpu.memory_space<vmem>>
        %dma_wait3A_428 = tpu.memref_squeeze %dma_wait3A_427 : memref<1x128x128xf32, #tpu.memory_space<vmem>> -> memref<128x128xf32, #tpu.memory_space<vmem>>
        %dma_wait3A_429 = arith.constant 0 : i32
        %dma_wait3A_430 = tpu.memref_slice %arg13[%select_n3A_161, %run_scoped3A_292, %dma_wait3A_429] : memref<2x8x128xi32, #tpu.memory_space<vmem>> -> memref<1x1x128xi32, #tpu.memory_space<vmem>>
        %dma_wait3A_431 = tpu.memref_squeeze %dma_wait3A_430 : memref<1x1x128xi32, #tpu.memory_space<vmem>> -> memref<128xi32, #tpu.memory_space<vmem>>
        %dma_wait3A_432 = arith.constant 0 : i32
        %dma_wait3A_433 = arith.constant 0 : i32
        %dma_wait3A_434 = tpu.memref_slice %arg10[%dma_wait3A_432, %dma_wait3A_433] : memref<10112x128xf32, #tpu.memory_space<vmem_shared>> -> memref<10112x128xf32, #tpu.memory_space<vmem_shared>>
        tpu.wait_indirect_dma semaphore(%run_scoped3A_414 : memref<!tpu.dma_semaphore, #tpu.memory_space<semaphore_mem>>) src(%dma_wait3A_428 : memref<128x128xf32, #tpu.memory_space<vmem>>) dst(%dma_wait3A_434 : memref<10112x128xf32, #tpu.memory_space<vmem_shared>>)
        tpu.yield
      }) : () -> ()
      %dma_start3A_293 = arith.constant 5 : i32
      %dma_start3A_294 = arith.constant 1 : i32
      %dma_start3A_295 = arith.constant 0 : i32
      %dma_start3A_296 = arith.constant 0 : i32
      %dma_start3A_297 = tpu.memref_slice %arg14[%dma_start3A_294, %dma_start3A_295, %dma_start3A_296] : memref<2x128x128xf32, #tpu.memory_space<vmem>> -> memref<1x128x128xf32, #tpu.memory_space<vmem>>
      %dma_start3A_298 = tpu.memref_squeeze %dma_start3A_297 : memref<1x128x128xf32, #tpu.memory_space<vmem>> -> memref<128x128xf32, #tpu.memory_space<vmem>>
      %dma_start3A_299 = arith.constant 0 : i32
      %dma_start3A_300 = tpu.memref_slice %arg12[%select_n3A_161, %dma_start3A_293, %dma_start3A_299] : memref<2x8x128xi32, #tpu.memory_space<vmem>> -> memref<1x1x128xi32, #tpu.memory_space<vmem>>
      %dma_start3A_301 = tpu.memref_squeeze %dma_start3A_300 : memref<1x1x128xi32, #tpu.memory_space<vmem>> -> memref<128xi32, #tpu.memory_space<vmem>>
      %dma_start3A_302 = arith.constant 0 : i32
      %dma_start3A_303 = arith.constant 0 : i32
      %dma_start3A_304 = tpu.memref_slice %arg2[%dma_start3A_302, %dma_start3A_303] : memref<10000x128xf32, #tpu.memory_space<hbm>> -> memref<10000x128xf32, #tpu.memory_space<hbm>>
      tpu.enqueue_indirect_dma source(%dma_start3A_304 : memref<10000x128xf32, #tpu.memory_space<hbm>>) target(%dma_start3A_298 : memref<128x128xf32, #tpu.memory_space<vmem>>) offsets(%dma_start3A_301 : memref<128xi32, #tpu.memory_space<vmem>>) semaphore(%arg17 : memref<!tpu.dma_semaphore, #tpu.memory_space<semaphore_mem>>)
      %dma_start3A_305 = arith.constant 4 : i32
      %dma_start3A_306 = arith.constant 0 : i32
      %dma_start3A_307 = tpu.memref_slice %arg13[%select_n3A_161, %dma_start3A_305, %dma_start3A_306] : memref<2x8x128xi32, #tpu.memory_space<vmem>> -> memref<1x1x128xi32, #tpu.memory_space<vmem>>
      %dma_start3A_308 = tpu.memref_squeeze %dma_start3A_307 : memref<1x1x128xi32, #tpu.memory_space<vmem>> -> memref<128xi32, #tpu.memory_space<vmem>>
      %dma_start3A_309 = arith.constant 0 : i32
      %dma_start3A_310 = tpu.memref_slice %arg11[%dma_start3A_309] : memref<10112xf32, #tpu.memory_space<vmem_shared>> -> memref<10112xf32, #tpu.memory_space<vmem_shared>>
      tpu.enqueue_indirect_dma source(%arg15 : memref<128xf32, #tpu.memory_space<vmem>>) target(%dma_start3A_310 : memref<10112xf32, #tpu.memory_space<vmem_shared>>) offsets(%dma_start3A_308 : memref<128xi32, #tpu.memory_space<vmem>>) semaphore(%arg19 : memref<!tpu.dma_semaphore, #tpu.memory_space<semaphore_mem>>) {add = true}
      %dma_wait3A_311 = arith.constant 4 : i32
      %dma_wait3A_312 = arith.constant 0 : i32
      %dma_wait3A_313 = arith.constant 0 : i32
      %dma_wait3A_314 = arith.constant 0 : i32
      %dma_wait3A_315 = tpu.memref_slice %arg14[%dma_wait3A_312, %dma_wait3A_313, %dma_wait3A_314] : memref<2x128x128xf32, #tpu.memory_space<vmem>> -> memref<1x128x128xf32, #tpu.memory_space<vmem>>
      %dma_wait3A_316 = tpu.memref_squeeze %dma_wait3A_315 : memref<1x128x128xf32, #tpu.memory_space<vmem>> -> memref<128x128xf32, #tpu.memory_space<vmem>>
      %dma_wait3A_317 = arith.constant 0 : i32
      %dma_wait3A_318 = tpu.memref_slice %arg12[%select_n3A_161, %dma_wait3A_311, %dma_wait3A_317] : memref<2x8x128xi32, #tpu.memory_space<vmem>> -> memref<1x1x128xi32, #tpu.memory_space<vmem>>
      %dma_wait3A_319 = tpu.memref_squeeze %dma_wait3A_318 : memref<1x1x128xi32, #tpu.memory_space<vmem>> -> memref<128xi32, #tpu.memory_space<vmem>>
      %dma_wait3A_320 = arith.constant 0 : i32
      %dma_wait3A_321 = arith.constant 0 : i32
      %dma_wait3A_322 = tpu.memref_slice %arg2[%dma_wait3A_320, %dma_wait3A_321] : memref<10000x128xf32, #tpu.memory_space<hbm>> -> memref<10000x128xf32, #tpu.memory_space<hbm>>
      tpu.wait_indirect_dma semaphore(%arg17 : memref<!tpu.dma_semaphore, #tpu.memory_space<semaphore_mem>>) src(%dma_wait3A_322 : memref<10000x128xf32, #tpu.memory_space<hbm>>) dst(%dma_wait3A_316 : memref<128x128xf32, #tpu.memory_space<vmem>>)
      %run_scoped3A_323 = arith.constant 0 : i32
      %run_scoped3A_324 = arith.constant 4 : i32
      "tpu.region"() ({
        %run_scoped3A_414 = tpu.sem_alloc : memref<!tpu.dma_semaphore, #tpu.memory_space<semaphore_mem>>
        %dma_start3A_415 = arith.constant 0 : i32
        %dma_start3A_416 = arith.constant 0 : i32
        %dma_start3A_417 = tpu.memref_slice %arg14[%run_scoped3A_323, %dma_start3A_415, %dma_start3A_416] : memref<2x128x128xf32, #tpu.memory_space<vmem>> -> memref<1x128x128xf32, #tpu.memory_space<vmem>>
        %dma_start3A_418 = tpu.memref_squeeze %dma_start3A_417 : memref<1x128x128xf32, #tpu.memory_space<vmem>> -> memref<128x128xf32, #tpu.memory_space<vmem>>
        %dma_start3A_419 = arith.constant 0 : i32
        %dma_start3A_420 = tpu.memref_slice %arg13[%select_n3A_161, %run_scoped3A_324, %dma_start3A_419] : memref<2x8x128xi32, #tpu.memory_space<vmem>> -> memref<1x1x128xi32, #tpu.memory_space<vmem>>
        %dma_start3A_421 = tpu.memref_squeeze %dma_start3A_420 : memref<1x1x128xi32, #tpu.memory_space<vmem>> -> memref<128xi32, #tpu.memory_space<vmem>>
        %dma_start3A_422 = arith.constant 0 : i32
        %dma_start3A_423 = arith.constant 0 : i32
        %dma_start3A_424 = tpu.memref_slice %arg10[%dma_start3A_422, %dma_start3A_423] : memref<10112x128xf32, #tpu.memory_space<vmem_shared>> -> memref<10112x128xf32, #tpu.memory_space<vmem_shared>>
        tpu.enqueue_indirect_dma source(%dma_start3A_418 : memref<128x128xf32, #tpu.memory_space<vmem>>) target(%dma_start3A_424 : memref<10112x128xf32, #tpu.memory_space<vmem_shared>>) offsets(%dma_start3A_421 : memref<128xi32, #tpu.memory_space<vmem>>) semaphore(%run_scoped3A_414 : memref<!tpu.dma_semaphore, #tpu.memory_space<semaphore_mem>>) {add = true}
        %dma_wait3A_425 = arith.constant 0 : i32
        %dma_wait3A_426 = arith.constant 0 : i32
        %dma_wait3A_427 = tpu.memref_slice %arg14[%run_scoped3A_323, %dma_wait3A_425, %dma_wait3A_426] : memref<2x128x128xf32, #tpu.memory_space<vmem>> -> memref<1x128x128xf32, #tpu.memory_space<vmem>>
        %dma_wait3A_428 = tpu.memref_squeeze %dma_wait3A_427 : memref<1x128x128xf32, #tpu.memory_space<vmem>> -> memref<128x128xf32, #tpu.memory_space<vmem>>
        %dma_wait3A_429 = arith.constant 0 : i32
        %dma_wait3A_430 = tpu.memref_slice %arg13[%select_n3A_161, %run_scoped3A_324, %dma_wait3A_429] : memref<2x8x128xi32, #tpu.memory_space<vmem>> -> memref<1x1x128xi32, #tpu.memory_space<vmem>>
        %dma_wait3A_431 = tpu.memref_squeeze %dma_wait3A_430 : memref<1x1x128xi32, #tpu.memory_space<vmem>> -> memref<128xi32, #tpu.memory_space<vmem>>
        %dma_wait3A_432 = arith.constant 0 : i32
        %dma_wait3A_433 = arith.constant 0 : i32
        %dma_wait3A_434 = tpu.memref_slice %arg10[%dma_wait3A_432, %dma_wait3A_433] : memref<10112x128xf32, #tpu.memory_space<vmem_shared>> -> memref<10112x128xf32, #tpu.memory_space<vmem_shared>>
        tpu.wait_indirect_dma semaphore(%run_scoped3A_414 : memref<!tpu.dma_semaphore, #tpu.memory_space<semaphore_mem>>) src(%dma_wait3A_428 : memref<128x128xf32, #tpu.memory_space<vmem>>) dst(%dma_wait3A_434 : memref<10112x128xf32, #tpu.memory_space<vmem_shared>>)
        tpu.yield
      }) : () -> ()
      %dma_start3A_325 = arith.constant 6 : i32
      %dma_start3A_326 = arith.constant 0 : i32
      %dma_start3A_327 = arith.constant 0 : i32
      %dma_start3A_328 = arith.constant 0 : i32
      %dma_start3A_329 = tpu.memref_slice %arg14[%dma_start3A_326, %dma_start3A_327, %dma_start3A_328] : memref<2x128x128xf32, #tpu.memory_space<vmem>> -> memref<1x128x128xf32, #tpu.memory_space<vmem>>
      %dma_start3A_330 = tpu.memref_squeeze %dma_start3A_329 : memref<1x128x128xf32, #tpu.memory_space<vmem>> -> memref<128x128xf32, #tpu.memory_space<vmem>>
      %dma_start3A_331 = arith.constant 0 : i32
      %dma_start3A_332 = tpu.memref_slice %arg12[%select_n3A_161, %dma_start3A_325, %dma_start3A_331] : memref<2x8x128xi32, #tpu.memory_space<vmem>> -> memref<1x1x128xi32, #tpu.memory_space<vmem>>
      %dma_start3A_333 = tpu.memref_squeeze %dma_start3A_332 : memref<1x1x128xi32, #tpu.memory_space<vmem>> -> memref<128xi32, #tpu.memory_space<vmem>>
      %dma_start3A_334 = arith.constant 0 : i32
      %dma_start3A_335 = arith.constant 0 : i32
      %dma_start3A_336 = tpu.memref_slice %arg2[%dma_start3A_334, %dma_start3A_335] : memref<10000x128xf32, #tpu.memory_space<hbm>> -> memref<10000x128xf32, #tpu.memory_space<hbm>>
      tpu.enqueue_indirect_dma source(%dma_start3A_336 : memref<10000x128xf32, #tpu.memory_space<hbm>>) target(%dma_start3A_330 : memref<128x128xf32, #tpu.memory_space<vmem>>) offsets(%dma_start3A_333 : memref<128xi32, #tpu.memory_space<vmem>>) semaphore(%arg17 : memref<!tpu.dma_semaphore, #tpu.memory_space<semaphore_mem>>)
      %dma_start3A_337 = arith.constant 5 : i32
      %dma_start3A_338 = arith.constant 0 : i32
      %dma_start3A_339 = tpu.memref_slice %arg13[%select_n3A_161, %dma_start3A_337, %dma_start3A_338] : memref<2x8x128xi32, #tpu.memory_space<vmem>> -> memref<1x1x128xi32, #tpu.memory_space<vmem>>
      %dma_start3A_340 = tpu.memref_squeeze %dma_start3A_339 : memref<1x1x128xi32, #tpu.memory_space<vmem>> -> memref<128xi32, #tpu.memory_space<vmem>>
      %dma_start3A_341 = arith.constant 0 : i32
      %dma_start3A_342 = tpu.memref_slice %arg11[%dma_start3A_341] : memref<10112xf32, #tpu.memory_space<vmem_shared>> -> memref<10112xf32, #tpu.memory_space<vmem_shared>>
      tpu.enqueue_indirect_dma source(%arg15 : memref<128xf32, #tpu.memory_space<vmem>>) target(%dma_start3A_342 : memref<10112xf32, #tpu.memory_space<vmem_shared>>) offsets(%dma_start3A_340 : memref<128xi32, #tpu.memory_space<vmem>>) semaphore(%arg19 : memref<!tpu.dma_semaphore, #tpu.memory_space<semaphore_mem>>) {add = true}
      %dma_wait3A_343 = arith.constant 5 : i32
      %dma_wait3A_344 = arith.constant 1 : i32
      %dma_wait3A_345 = arith.constant 0 : i32
      %dma_wait3A_346 = arith.constant 0 : i32
      %dma_wait3A_347 = tpu.memref_slice %arg14[%dma_wait3A_344, %dma_wait3A_345, %dma_wait3A_346] : memref<2x128x128xf32, #tpu.memory_space<vmem>> -> memref<1x128x128xf32, #tpu.memory_space<vmem>>
      %dma_wait3A_348 = tpu.memref_squeeze %dma_wait3A_347 : memref<1x128x128xf32, #tpu.memory_space<vmem>> -> memref<128x128xf32, #tpu.memory_space<vmem>>
      %dma_wait3A_349 = arith.constant 0 : i32
      %dma_wait3A_350 = tpu.memref_slice %arg12[%select_n3A_161, %dma_wait3A_343, %dma_wait3A_349] : memref<2x8x128xi32, #tpu.memory_space<vmem>> -> memref<1x1x128xi32, #tpu.memory_space<vmem>>
      %dma_wait3A_351 = tpu.memref_squeeze %dma_wait3A_350 : memref<1x1x128xi32, #tpu.memory_space<vmem>> -> memref<128xi32, #tpu.memory_space<vmem>>
      %dma_wait3A_352 = arith.constant 0 : i32
      %dma_wait3A_353 = arith.constant 0 : i32
      %dma_wait3A_354 = tpu.memref_slice %arg2[%dma_wait3A_352, %dma_wait3A_353] : memref<10000x128xf32, #tpu.memory_space<hbm>> -> memref<10000x128xf32, #tpu.memory_space<hbm>>
      tpu.wait_indirect_dma semaphore(%arg17 : memref<!tpu.dma_semaphore, #tpu.memory_space<semaphore_mem>>) src(%dma_wait3A_354 : memref<10000x128xf32, #tpu.memory_space<hbm>>) dst(%dma_wait3A_348 : memref<128x128xf32, #tpu.memory_space<vmem>>)
      %run_scoped3A_355 = arith.constant 1 : i32
      %run_scoped3A_356 = arith.constant 5 : i32
      "tpu.region"() ({
        %run_scoped3A_414 = tpu.sem_alloc : memref<!tpu.dma_semaphore, #tpu.memory_space<semaphore_mem>>
        %dma_start3A_415 = arith.constant 0 : i32
        %dma_start3A_416 = arith.constant 0 : i32
        %dma_start3A_417 = tpu.memref_slice %arg14[%run_scoped3A_355, %dma_start3A_415, %dma_start3A_416] : memref<2x128x128xf32, #tpu.memory_space<vmem>> -> memref<1x128x128xf32, #tpu.memory_space<vmem>>
        %dma_start3A_418 = tpu.memref_squeeze %dma_start3A_417 : memref<1x128x128xf32, #tpu.memory_space<vmem>> -> memref<128x128xf32, #tpu.memory_space<vmem>>
        %dma_start3A_419 = arith.constant 0 : i32
        %dma_start3A_420 = tpu.memref_slice %arg13[%select_n3A_161, %run_scoped3A_356, %dma_start3A_419] : memref<2x8x128xi32, #tpu.memory_space<vmem>> -> memref<1x1x128xi32, #tpu.memory_space<vmem>>
        %dma_start3A_421 = tpu.memref_squeeze %dma_start3A_420 : memref<1x1x128xi32, #tpu.memory_space<vmem>> -> memref<128xi32, #tpu.memory_space<vmem>>
        %dma_start3A_422 = arith.constant 0 : i32
        %dma_start3A_423 = arith.constant 0 : i32
        %dma_start3A_424 = tpu.memref_slice %arg10[%dma_start3A_422, %dma_start3A_423] : memref<10112x128xf32, #tpu.memory_space<vmem_shared>> -> memref<10112x128xf32, #tpu.memory_space<vmem_shared>>
        tpu.enqueue_indirect_dma source(%dma_start3A_418 : memref<128x128xf32, #tpu.memory_space<vmem>>) target(%dma_start3A_424 : memref<10112x128xf32, #tpu.memory_space<vmem_shared>>) offsets(%dma_start3A_421 : memref<128xi32, #tpu.memory_space<vmem>>) semaphore(%run_scoped3A_414 : memref<!tpu.dma_semaphore, #tpu.memory_space<semaphore_mem>>) {add = true}
        %dma_wait3A_425 = arith.constant 0 : i32
        %dma_wait3A_426 = arith.constant 0 : i32
        %dma_wait3A_427 = tpu.memref_slice %arg14[%run_scoped3A_355, %dma_wait3A_425, %dma_wait3A_426] : memref<2x128x128xf32, #tpu.memory_space<vmem>> -> memref<1x128x128xf32, #tpu.memory_space<vmem>>
        %dma_wait3A_428 = tpu.memref_squeeze %dma_wait3A_427 : memref<1x128x128xf32, #tpu.memory_space<vmem>> -> memref<128x128xf32, #tpu.memory_space<vmem>>
        %dma_wait3A_429 = arith.constant 0 : i32
        %dma_wait3A_430 = tpu.memref_slice %arg13[%select_n3A_161, %run_scoped3A_356, %dma_wait3A_429] : memref<2x8x128xi32, #tpu.memory_space<vmem>> -> memref<1x1x128xi32, #tpu.memory_space<vmem>>
        %dma_wait3A_431 = tpu.memref_squeeze %dma_wait3A_430 : memref<1x1x128xi32, #tpu.memory_space<vmem>> -> memref<128xi32, #tpu.memory_space<vmem>>
        %dma_wait3A_432 = arith.constant 0 : i32
        %dma_wait3A_433 = arith.constant 0 : i32
        %dma_wait3A_434 = tpu.memref_slice %arg10[%dma_wait3A_432, %dma_wait3A_433] : memref<10112x128xf32, #tpu.memory_space<vmem_shared>> -> memref<10112x128xf32, #tpu.memory_space<vmem_shared>>
        tpu.wait_indirect_dma semaphore(%run_scoped3A_414 : memref<!tpu.dma_semaphore, #tpu.memory_space<semaphore_mem>>) src(%dma_wait3A_428 : memref<128x128xf32, #tpu.memory_space<vmem>>) dst(%dma_wait3A_434 : memref<10112x128xf32, #tpu.memory_space<vmem_shared>>)
        tpu.yield
      }) : () -> ()
      %dma_start3A_357 = arith.constant 7 : i32
      %dma_start3A_358 = arith.constant 1 : i32
      %dma_start3A_359 = arith.constant 0 : i32
      %dma_start3A_360 = arith.constant 0 : i32
      %dma_start3A_361 = tpu.memref_slice %arg14[%dma_start3A_358, %dma_start3A_359, %dma_start3A_360] : memref<2x128x128xf32, #tpu.memory_space<vmem>> -> memref<1x128x128xf32, #tpu.memory_space<vmem>>
      %dma_start3A_362 = tpu.memref_squeeze %dma_start3A_361 : memref<1x128x128xf32, #tpu.memory_space<vmem>> -> memref<128x128xf32, #tpu.memory_space<vmem>>
      %dma_start3A_363 = arith.constant 0 : i32
      %dma_start3A_364 = tpu.memref_slice %arg12[%select_n3A_161, %dma_start3A_357, %dma_start3A_363] : memref<2x8x128xi32, #tpu.memory_space<vmem>> -> memref<1x1x128xi32, #tpu.memory_space<vmem>>
      %dma_start3A_365 = tpu.memref_squeeze %dma_start3A_364 : memref<1x1x128xi32, #tpu.memory_space<vmem>> -> memref<128xi32, #tpu.memory_space<vmem>>
      %dma_start3A_366 = arith.constant 0 : i32
      %dma_start3A_367 = arith.constant 0 : i32
      %dma_start3A_368 = tpu.memref_slice %arg2[%dma_start3A_366, %dma_start3A_367] : memref<10000x128xf32, #tpu.memory_space<hbm>> -> memref<10000x128xf32, #tpu.memory_space<hbm>>
      tpu.enqueue_indirect_dma source(%dma_start3A_368 : memref<10000x128xf32, #tpu.memory_space<hbm>>) target(%dma_start3A_362 : memref<128x128xf32, #tpu.memory_space<vmem>>) offsets(%dma_start3A_365 : memref<128xi32, #tpu.memory_space<vmem>>) semaphore(%arg17 : memref<!tpu.dma_semaphore, #tpu.memory_space<semaphore_mem>>)
      %dma_start3A_369 = arith.constant 6 : i32
      %dma_start3A_370 = arith.constant 0 : i32
      %dma_start3A_371 = tpu.memref_slice %arg13[%select_n3A_161, %dma_start3A_369, %dma_start3A_370] : memref<2x8x128xi32, #tpu.memory_space<vmem>> -> memref<1x1x128xi32, #tpu.memory_space<vmem>>
      %dma_start3A_372 = tpu.memref_squeeze %dma_start3A_371 : memref<1x1x128xi32, #tpu.memory_space<vmem>> -> memref<128xi32, #tpu.memory_space<vmem>>
      %dma_start3A_373 = arith.constant 0 : i32
      %dma_start3A_374 = tpu.memref_slice %arg11[%dma_start3A_373] : memref<10112xf32, #tpu.memory_space<vmem_shared>> -> memref<10112xf32, #tpu.memory_space<vmem_shared>>
      tpu.enqueue_indirect_dma source(%arg15 : memref<128xf32, #tpu.memory_space<vmem>>) target(%dma_start3A_374 : memref<10112xf32, #tpu.memory_space<vmem_shared>>) offsets(%dma_start3A_372 : memref<128xi32, #tpu.memory_space<vmem>>) semaphore(%arg19 : memref<!tpu.dma_semaphore, #tpu.memory_space<semaphore_mem>>) {add = true}
      %dma_wait3A_375 = arith.constant 6 : i32
      %dma_wait3A_376 = arith.constant 0 : i32
      %dma_wait3A_377 = arith.constant 0 : i32
      %dma_wait3A_378 = arith.constant 0 : i32
      %dma_wait3A_379 = tpu.memref_slice %arg14[%dma_wait3A_376, %dma_wait3A_377, %dma_wait3A_378] : memref<2x128x128xf32, #tpu.memory_space<vmem>> -> memref<1x128x128xf32, #tpu.memory_space<vmem>>
      %dma_wait3A_380 = tpu.memref_squeeze %dma_wait3A_379 : memref<1x128x128xf32, #tpu.memory_space<vmem>> -> memref<128x128xf32, #tpu.memory_space<vmem>>
      %dma_wait3A_381 = arith.constant 0 : i32
      %dma_wait3A_382 = tpu.memref_slice %arg12[%select_n3A_161, %dma_wait3A_375, %dma_wait3A_381] : memref<2x8x128xi32, #tpu.memory_space<vmem>> -> memref<1x1x128xi32, #tpu.memory_space<vmem>>
      %dma_wait3A_383 = tpu.memref_squeeze %dma_wait3A_382 : memref<1x1x128xi32, #tpu.memory_space<vmem>> -> memref<128xi32, #tpu.memory_space<vmem>>
      %dma_wait3A_384 = arith.constant 0 : i32
      %dma_wait3A_385 = arith.constant 0 : i32
      %dma_wait3A_386 = tpu.memref_slice %arg2[%dma_wait3A_384, %dma_wait3A_385] : memref<10000x128xf32, #tpu.memory_space<hbm>> -> memref<10000x128xf32, #tpu.memory_space<hbm>>
      tpu.wait_indirect_dma semaphore(%arg17 : memref<!tpu.dma_semaphore, #tpu.memory_space<semaphore_mem>>) src(%dma_wait3A_386 : memref<10000x128xf32, #tpu.memory_space<hbm>>) dst(%dma_wait3A_380 : memref<128x128xf32, #tpu.memory_space<vmem>>)
      %run_scoped3A_387 = arith.constant 0 : i32
      %run_scoped3A_388 = arith.constant 6 : i32
      "tpu.region"() ({
        %run_scoped3A_414 = tpu.sem_alloc : memref<!tpu.dma_semaphore, #tpu.memory_space<semaphore_mem>>
        %dma_start3A_415 = arith.constant 0 : i32
        %dma_start3A_416 = arith.constant 0 : i32
        %dma_start3A_417 = tpu.memref_slice %arg14[%run_scoped3A_387, %dma_start3A_415, %dma_start3A_416] : memref<2x128x128xf32, #tpu.memory_space<vmem>> -> memref<1x128x128xf32, #tpu.memory_space<vmem>>
        %dma_start3A_418 = tpu.memref_squeeze %dma_start3A_417 : memref<1x128x128xf32, #tpu.memory_space<vmem>> -> memref<128x128xf32, #tpu.memory_space<vmem>>
        %dma_start3A_419 = arith.constant 0 : i32
        %dma_start3A_420 = tpu.memref_slice %arg13[%select_n3A_161, %run_scoped3A_388, %dma_start3A_419] : memref<2x8x128xi32, #tpu.memory_space<vmem>> -> memref<1x1x128xi32, #tpu.memory_space<vmem>>
        %dma_start3A_421 = tpu.memref_squeeze %dma_start3A_420 : memref<1x1x128xi32, #tpu.memory_space<vmem>> -> memref<128xi32, #tpu.memory_space<vmem>>
        %dma_start3A_422 = arith.constant 0 : i32
        %dma_start3A_423 = arith.constant 0 : i32
        %dma_start3A_424 = tpu.memref_slice %arg10[%dma_start3A_422, %dma_start3A_423] : memref<10112x128xf32, #tpu.memory_space<vmem_shared>> -> memref<10112x128xf32, #tpu.memory_space<vmem_shared>>
        tpu.enqueue_indirect_dma source(%dma_start3A_418 : memref<128x128xf32, #tpu.memory_space<vmem>>) target(%dma_start3A_424 : memref<10112x128xf32, #tpu.memory_space<vmem_shared>>) offsets(%dma_start3A_421 : memref<128xi32, #tpu.memory_space<vmem>>) semaphore(%run_scoped3A_414 : memref<!tpu.dma_semaphore, #tpu.memory_space<semaphore_mem>>) {add = true}
        %dma_wait3A_425 = arith.constant 0 : i32
        %dma_wait3A_426 = arith.constant 0 : i32
        %dma_wait3A_427 = tpu.memref_slice %arg14[%run_scoped3A_387, %dma_wait3A_425, %dma_wait3A_426] : memref<2x128x128xf32, #tpu.memory_space<vmem>> -> memref<1x128x128xf32, #tpu.memory_space<vmem>>
        %dma_wait3A_428 = tpu.memref_squeeze %dma_wait3A_427 : memref<1x128x128xf32, #tpu.memory_space<vmem>> -> memref<128x128xf32, #tpu.memory_space<vmem>>
        %dma_wait3A_429 = arith.constant 0 : i32
        %dma_wait3A_430 = tpu.memref_slice %arg13[%select_n3A_161, %run_scoped3A_388, %dma_wait3A_429] : memref<2x8x128xi32, #tpu.memory_space<vmem>> -> memref<1x1x128xi32, #tpu.memory_space<vmem>>
        %dma_wait3A_431 = tpu.memref_squeeze %dma_wait3A_430 : memref<1x1x128xi32, #tpu.memory_space<vmem>> -> memref<128xi32, #tpu.memory_space<vmem>>
        %dma_wait3A_432 = arith.constant 0 : i32
        %dma_wait3A_433 = arith.constant 0 : i32
        %dma_wait3A_434 = tpu.memref_slice %arg10[%dma_wait3A_432, %dma_wait3A_433] : memref<10112x128xf32, #tpu.memory_space<vmem_shared>> -> memref<10112x128xf32, #tpu.memory_space<vmem_shared>>
        tpu.wait_indirect_dma semaphore(%run_scoped3A_414 : memref<!tpu.dma_semaphore, #tpu.memory_space<semaphore_mem>>) src(%dma_wait3A_428 : memref<128x128xf32, #tpu.memory_space<vmem>>) dst(%dma_wait3A_434 : memref<10112x128xf32, #tpu.memory_space<vmem_shared>>)
        tpu.yield
      }) : () -> ()
      %lt3A_389 = arith.constant 9 : i32
      %lt3A_390 = arith.cmpi slt, %scan3A_152, %lt3A_389 : i32
      %convert_element_type3A_391 = arith.extui %lt3A_390 : i1 to i32
      %cond3A_392 = arith.constant 0 : i32
      %cond3A_393 = arith.cmpi ne, %convert_element_type3A_391, %cond3A_392 : i32
      scf.if %cond3A_393 {
        %dma_wait3A_414 = arith.constant 0 : i32
        %dma_wait3A_415 = arith.constant 0 : i32
        %dma_wait3A_416 = arith.constant 0 : i32
        %dma_wait3A_417 = tpu.memref_slice %arg12[%dma_wait3A_414, %dma_wait3A_415, %dma_wait3A_416] : memref<2x8x128xi32, #tpu.memory_space<vmem>> -> memref<1x8x128xi32, #tpu.memory_space<vmem>>
        %dma_wait3A_418 = tpu.memref_squeeze %dma_wait3A_417 : memref<1x8x128xi32, #tpu.memory_space<vmem>> -> memref<8x128xi32, #tpu.memory_space<vmem>>
        %dma_wait3A_419 = arith.constant 0 : i32
        %dma_wait3A_420 = tpu.memref_slice %arg3[%mul3A_2, %dma_wait3A_419] : memref<2560x128xi32, #tpu.memory_space<hbm>> -> memref<8x128xi32, #tpu.memory_space<hbm>>
        %dma_wait3A_421 = arith.constant 0 : i32
        %dma_wait3A_422 = arith.constant 0 : i32
        %dma_wait3A_423 = tpu.memref_slice %arg12[%dma_wait3A_414, %dma_wait3A_421, %dma_wait3A_422] : memref<2x8x128xi32, #tpu.memory_space<vmem>> -> memref<1x8x128xi32, #tpu.memory_space<vmem>>
        %dma_wait3A_424 = tpu.memref_squeeze %dma_wait3A_423 : memref<1x8x128xi32, #tpu.memory_space<vmem>> -> memref<8x128xi32, #tpu.memory_space<vmem>>
        %dma_wait3A_425 = arith.constant 0 : i32
        %dma_wait3A_426 = tpu.memref_slice %arg3[%mul3A_2, %dma_wait3A_425] : memref<2560x128xi32, #tpu.memory_space<hbm>> -> memref<8x128xi32, #tpu.memory_space<hbm>>
        tpu.wait_dma2 semaphore(%arg18 : memref<!tpu.dma_semaphore, #tpu.memory_space<semaphore_mem>>) src(%dma_wait3A_426 : memref<8x128xi32, #tpu.memory_space<hbm>>) dst(%dma_wait3A_424 : memref<8x128xi32, #tpu.memory_space<vmem>>)
        %dma_wait3A_427 = arith.constant 0 : i32
        %dma_wait3A_428 = arith.constant 0 : i32
        %dma_wait3A_429 = arith.constant 0 : i32
        %dma_wait3A_430 = tpu.memref_slice %arg13[%dma_wait3A_427, %dma_wait3A_428, %dma_wait3A_429] : memref<2x8x128xi32, #tpu.memory_space<vmem>> -> memref<1x8x128xi32, #tpu.memory_space<vmem>>
        %dma_wait3A_431 = tpu.memref_squeeze %dma_wait3A_430 : memref<1x8x128xi32, #tpu.memory_space<vmem>> -> memref<8x128xi32, #tpu.memory_space<vmem>>
        %dma_wait3A_432 = arith.constant 0 : i32
        %dma_wait3A_433 = tpu.memref_slice %arg4[%mul3A_2, %dma_wait3A_432] : memref<2560x128xi32, #tpu.memory_space<hbm>> -> memref<8x128xi32, #tpu.memory_space<hbm>>
        %dma_wait3A_434 = arith.constant 0 : i32
        %dma_wait3A_435 = arith.constant 0 : i32
        %dma_wait3A_436 = tpu.memref_slice %arg13[%dma_wait3A_427, %dma_wait3A_434, %dma_wait3A_435] : memref<2x8x128xi32, #tpu.memory_space<vmem>> -> memref<1x8x128xi32, #tpu.memory_space<vmem>>
        %dma_wait3A_437 = tpu.memref_squeeze %dma_wait3A_436 : memref<1x8x128xi32, #tpu.memory_space<vmem>> -> memref<8x128xi32, #tpu.memory_space<vmem>>
        %dma_wait3A_438 = arith.constant 0 : i32
        %dma_wait3A_439 = tpu.memref_slice %arg4[%mul3A_2, %dma_wait3A_438] : memref<2560x128xi32, #tpu.memory_space<hbm>> -> memref<8x128xi32, #tpu.memory_space<hbm>>
        tpu.wait_dma2 semaphore(%arg18 : memref<!tpu.dma_semaphore, #tpu.memory_space<semaphore_mem>>) src(%dma_wait3A_439 : memref<8x128xi32, #tpu.memory_space<hbm>>) dst(%dma_wait3A_437 : memref<8x128xi32, #tpu.memory_space<vmem>>)
        %add3A_440 = arith.constant 1 : i32
        %add3A_441 = arith.addi %scan3A_152, %add3A_440 : i32
        %jit3A_442 = arith.constant 2 : i32
        %eq3A_443 = arith.constant 0 : i32
        %eq3A_444 = arith.cmpi eq, %jit3A_442, %eq3A_443 : i32
        %jit3A_445 = arith.constant 1 : i32
        %select_n3A_446 = arith.select %eq3A_444, %jit3A_445, %jit3A_442 : i32
        %rem3A_447 = arith.remsi %add3A_441, %select_n3A_446 : i32
        %ne3A_448 = arith.constant 0 : i32
        %ne3A_449 = arith.cmpi ne, %rem3A_447, %ne3A_448 : i32
        %lt3A_450 = arith.constant 0 : i32
        %lt3A_451 = arith.cmpi slt, %rem3A_447, %lt3A_450 : i32
        %lt3A_452 = arith.constant 0 : i32
        %lt3A_453 = arith.cmpi slt, %select_n3A_446, %lt3A_452 : i32
        %ne3A_454 = arith.xori %lt3A_451, %lt3A_453 : i1
        %and3A_455 = arith.andi %ne3A_454, %ne3A_449 : i1
        %add3A_456 = arith.addi %rem3A_447, %select_n3A_446 : i32
        %select_n3A_457 = arith.select %and3A_455, %add3A_456, %rem3A_447 : i32
        %dma_start3A_458 = arith.constant 0 : i32
        %dma_start3A_459 = arith.constant 0 : i32
        %dma_start3A_460 = arith.constant 0 : i32
        %dma_start3A_461 = arith.constant 0 : i32
        %dma_start3A_462 = tpu.memref_slice %arg14[%dma_start3A_459, %dma_start3A_460, %dma_start3A_461] : memref<2x128x128xf32, #tpu.memory_space<vmem>> -> memref<1x128x128xf32, #tpu.memory_space<vmem>>
        %dma_start3A_463 = tpu.memref_squeeze %dma_start3A_462 : memref<1x128x128xf32, #tpu.memory_space<vmem>> -> memref<128x128xf32, #tpu.memory_space<vmem>>
        %dma_start3A_464 = arith.constant 0 : i32
        %dma_start3A_465 = tpu.memref_slice %arg12[%select_n3A_457, %dma_start3A_458, %dma_start3A_464] : memref<2x8x128xi32, #tpu.memory_space<vmem>> -> memref<1x1x128xi32, #tpu.memory_space<vmem>>
        %dma_start3A_466 = tpu.memref_squeeze %dma_start3A_465 : memref<1x1x128xi32, #tpu.memory_space<vmem>> -> memref<128xi32, #tpu.memory_space<vmem>>
        %dma_start3A_467 = arith.constant 0 : i32
        %dma_start3A_468 = arith.constant 0 : i32
        %dma_start3A_469 = tpu.memref_slice %arg2[%dma_start3A_467, %dma_start3A_468] : memref<10000x128xf32, #tpu.memory_space<hbm>> -> memref<10000x128xf32, #tpu.memory_space<hbm>>
        tpu.enqueue_indirect_dma source(%dma_start3A_469 : memref<10000x128xf32, #tpu.memory_space<hbm>>) target(%dma_start3A_463 : memref<128x128xf32, #tpu.memory_space<vmem>>) offsets(%dma_start3A_466 : memref<128xi32, #tpu.memory_space<vmem>>) semaphore(%arg17 : memref<!tpu.dma_semaphore, #tpu.memory_space<semaphore_mem>>)
      } else {
      }
      %dma_start3A_394 = arith.constant 7 : i32
      %dma_start3A_395 = arith.constant 0 : i32
      %dma_start3A_396 = tpu.memref_slice %arg13[%select_n3A_161, %dma_start3A_394, %dma_start3A_395] : memref<2x8x128xi32, #tpu.memory_space<vmem>> -> memref<1x1x128xi32, #tpu.memory_space<vmem>>
      %dma_start3A_397 = tpu.memref_squeeze %dma_start3A_396 : memref<1x1x128xi32, #tpu.memory_space<vmem>> -> memref<128xi32, #tpu.memory_space<vmem>>
      %dma_start3A_398 = arith.constant 0 : i32
      %dma_start3A_399 = tpu.memref_slice %arg11[%dma_start3A_398] : memref<10112xf32, #tpu.memory_space<vmem_shared>> -> memref<10112xf32, #tpu.memory_space<vmem_shared>>
      tpu.enqueue_indirect_dma source(%arg15 : memref<128xf32, #tpu.memory_space<vmem>>) target(%dma_start3A_399 : memref<10112xf32, #tpu.memory_space<vmem_shared>>) offsets(%dma_start3A_397 : memref<128xi32, #tpu.memory_space<vmem>>) semaphore(%arg19 : memref<!tpu.dma_semaphore, #tpu.memory_space<semaphore_mem>>) {add = true}
      %dma_wait3A_400 = arith.constant 7 : i32
      %dma_wait3A_401 = arith.constant 1 : i32
      %dma_wait3A_402 = arith.constant 0 : i32
      %dma_wait3A_403 = arith.constant 0 : i32
      %dma_wait3A_404 = tpu.memref_slice %arg14[%dma_wait3A_401, %dma_wait3A_402, %dma_wait3A_403] : memref<2x128x128xf32, #tpu.memory_space<vmem>> -> memref<1x128x128xf32, #tpu.memory_space<vmem>>
      %dma_wait3A_405 = tpu.memref_squeeze %dma_wait3A_404 : memref<1x128x128xf32, #tpu.memory_space<vmem>> -> memref<128x128xf32, #tpu.memory_space<vmem>>
      %dma_wait3A_406 = arith.constant 0 : i32
      %dma_wait3A_407 = tpu.memref_slice %arg12[%select_n3A_161, %dma_wait3A_400, %dma_wait3A_406] : memref<2x8x128xi32, #tpu.memory_space<vmem>> -> memref<1x1x128xi32, #tpu.memory_space<vmem>>
      %dma_wait3A_408 = tpu.memref_squeeze %dma_wait3A_407 : memref<1x1x128xi32, #tpu.memory_space<vmem>> -> memref<128xi32, #tpu.memory_space<vmem>>
      %dma_wait3A_409 = arith.constant 0 : i32
      %dma_wait3A_410 = arith.constant 0 : i32
      %dma_wait3A_411 = tpu.memref_slice %arg2[%dma_wait3A_409, %dma_wait3A_410] : memref<10000x128xf32, #tpu.memory_space<hbm>> -> memref<10000x128xf32, #tpu.memory_space<hbm>>
      tpu.wait_indirect_dma semaphore(%arg17 : memref<!tpu.dma_semaphore, #tpu.memory_space<semaphore_mem>>) src(%dma_wait3A_411 : memref<10000x128xf32, #tpu.memory_space<hbm>>) dst(%dma_wait3A_405 : memref<128x128xf32, #tpu.memory_space<vmem>>)
      %run_scoped3A_412 = arith.constant 1 : i32
      %run_scoped3A_413 = arith.constant 7 : i32
      "tpu.region"() ({
        %run_scoped3A_414 = tpu.sem_alloc : memref<!tpu.dma_semaphore, #tpu.memory_space<semaphore_mem>>
        %dma_start3A_415 = arith.constant 0 : i32
        %dma_start3A_416 = arith.constant 0 : i32
        %dma_start3A_417 = tpu.memref_slice %arg14[%run_scoped3A_412, %dma_start3A_415, %dma_start3A_416] : memref<2x128x128xf32, #tpu.memory_space<vmem>> -> memref<1x128x128xf32, #tpu.memory_space<vmem>>
        %dma_start3A_418 = tpu.memref_squeeze %dma_start3A_417 : memref<1x128x128xf32, #tpu.memory_space<vmem>> -> memref<128x128xf32, #tpu.memory_space<vmem>>
        %dma_start3A_419 = arith.constant 0 : i32
        %dma_start3A_420 = tpu.memref_slice %arg13[%select_n3A_161, %run_scoped3A_413, %dma_start3A_419] : memref<2x8x128xi32, #tpu.memory_space<vmem>> -> memref<1x1x128xi32, #tpu.memory_space<vmem>>
        %dma_start3A_421 = tpu.memref_squeeze %dma_start3A_420 : memref<1x1x128xi32, #tpu.memory_space<vmem>> -> memref<128xi32, #tpu.memory_space<vmem>>
        %dma_start3A_422 = arith.constant 0 : i32
        %dma_start3A_423 = arith.constant 0 : i32
        %dma_start3A_424 = tpu.memref_slice %arg10[%dma_start3A_422, %dma_start3A_423] : memref<10112x128xf32, #tpu.memory_space<vmem_shared>> -> memref<10112x128xf32, #tpu.memory_space<vmem_shared>>
        tpu.enqueue_indirect_dma source(%dma_start3A_418 : memref<128x128xf32, #tpu.memory_space<vmem>>) target(%dma_start3A_424 : memref<10112x128xf32, #tpu.memory_space<vmem_shared>>) offsets(%dma_start3A_421 : memref<128xi32, #tpu.memory_space<vmem>>) semaphore(%run_scoped3A_414 : memref<!tpu.dma_semaphore, #tpu.memory_space<semaphore_mem>>) {add = true}
        %dma_wait3A_425 = arith.constant 0 : i32
        %dma_wait3A_426 = arith.constant 0 : i32
        %dma_wait3A_427 = tpu.memref_slice %arg14[%run_scoped3A_412, %dma_wait3A_425, %dma_wait3A_426] : memref<2x128x128xf32, #tpu.memory_space<vmem>> -> memref<1x128x128xf32, #tpu.memory_space<vmem>>
        %dma_wait3A_428 = tpu.memref_squeeze %dma_wait3A_427 : memref<1x128x128xf32, #tpu.memory_space<vmem>> -> memref<128x128xf32, #tpu.memory_space<vmem>>
        %dma_wait3A_429 = arith.constant 0 : i32
        %dma_wait3A_430 = tpu.memref_slice %arg13[%select_n3A_161, %run_scoped3A_413, %dma_wait3A_429] : memref<2x8x128xi32, #tpu.memory_space<vmem>> -> memref<1x1x128xi32, #tpu.memory_space<vmem>>
        %dma_wait3A_431 = tpu.memref_squeeze %dma_wait3A_430 : memref<1x1x128xi32, #tpu.memory_space<vmem>> -> memref<128xi32, #tpu.memory_space<vmem>>
        %dma_wait3A_432 = arith.constant 0 : i32
        %dma_wait3A_433 = arith.constant 0 : i32
        %dma_wait3A_434 = tpu.memref_slice %arg10[%dma_wait3A_432, %dma_wait3A_433] : memref<10112x128xf32, #tpu.memory_space<vmem_shared>> -> memref<10112x128xf32, #tpu.memory_space<vmem_shared>>
        tpu.wait_indirect_dma semaphore(%run_scoped3A_414 : memref<!tpu.dma_semaphore, #tpu.memory_space<semaphore_mem>>) src(%dma_wait3A_428 : memref<128x128xf32, #tpu.memory_space<vmem>>) dst(%dma_wait3A_434 : memref<10112x128xf32, #tpu.memory_space<vmem_shared>>)
        tpu.yield
      }) : () -> ()
    }
    %scan3A_28 = arith.constant 10 : i32
    %dma_wait3A = arith.constant 0 : i32
    %dma_wait3A_29 = arith.constant 0 : i32
    %dma_wait3A_30 = arith.constant 0 : i32
    %dma_wait3A_31 = tpu.memref_slice %arg13[%dma_wait3A, %dma_wait3A_29, %dma_wait3A_30] : memref<2x8x128xi32, #tpu.memory_space<vmem>> -> memref<1x1x128xi32, #tpu.memory_space<vmem>>
    %dma_wait3A_32 = tpu.memref_squeeze %dma_wait3A_31 : memref<1x1x128xi32, #tpu.memory_space<vmem>> -> memref<128xi32, #tpu.memory_space<vmem>>
    %dma_wait3A_33 = arith.constant 0 : i32
    %dma_wait3A_34 = tpu.memref_slice %arg11[%dma_wait3A_33] : memref<10112xf32, #tpu.memory_space<vmem_shared>> -> memref<10112xf32, #tpu.memory_space<vmem_shared>>
    tpu.wait_indirect_dma semaphore(%arg19 : memref<!tpu.dma_semaphore, #tpu.memory_space<semaphore_mem>>) src(%arg15 : memref<128xf32, #tpu.memory_space<vmem>>) dst(%dma_wait3A_34 : memref<10112xf32, #tpu.memory_space<vmem_shared>>)
    %dma_wait3A_35 = arith.constant 0 : i32
    %dma_wait3A_36 = arith.constant 0 : i32
    %dma_wait3A_37 = arith.constant 0 : i32
    %dma_wait3A_38 = tpu.memref_slice %arg13[%dma_wait3A_35, %dma_wait3A_36, %dma_wait3A_37] : memref<2x8x128xi32, #tpu.memory_space<vmem>> -> memref<1x1x128xi32, #tpu.memory_space<vmem>>
    %dma_wait3A_39 = tpu.memref_squeeze %dma_wait3A_38 : memref<1x1x128xi32, #tpu.memory_space<vmem>> -> memref<128xi32, #tpu.memory_space<vmem>>
    %dma_wait3A_40 = arith.constant 0 : i32
    %dma_wait3A_41 = tpu.memref_slice %arg11[%dma_wait3A_40] : memref<10112xf32, #tpu.memory_space<vmem_shared>> -> memref<10112xf32, #tpu.memory_space<vmem_shared>>
    tpu.wait_indirect_dma semaphore(%arg19 : memref<!tpu.dma_semaphore, #tpu.memory_space<semaphore_mem>>) src(%arg15 : memref<128xf32, #tpu.memory_space<vmem>>) dst(%dma_wait3A_41 : memref<10112xf32, #tpu.memory_space<vmem_shared>>)
    %dma_wait3A_42 = arith.constant 0 : i32
    %dma_wait3A_43 = arith.constant 0 : i32
    %dma_wait3A_44 = arith.constant 0 : i32
    %dma_wait3A_45 = tpu.memref_slice %arg13[%dma_wait3A_42, %dma_wait3A_43, %dma_wait3A_44] : memref<2x8x128xi32, #tpu.memory_space<vmem>> -> memref<1x1x128xi32, #tpu.memory_space<vmem>>
    %dma_wait3A_46 = tpu.memref_squeeze %dma_wait3A_45 : memref<1x1x128xi32, #tpu.memory_space<vmem>> -> memref<128xi32, #tpu.memory_space<vmem>>
    %dma_wait3A_47 = arith.constant 0 : i32
    %dma_wait3A_48 = tpu.memref_slice %arg11[%dma_wait3A_47] : memref<10112xf32, #tpu.memory_space<vmem_shared>> -> memref<10112xf32, #tpu.memory_space<vmem_shared>>
    tpu.wait_indirect_dma semaphore(%arg19 : memref<!tpu.dma_semaphore, #tpu.memory_space<semaphore_mem>>) src(%arg15 : memref<128xf32, #tpu.memory_space<vmem>>) dst(%dma_wait3A_48 : memref<10112xf32, #tpu.memory_space<vmem_shared>>)
    %dma_wait3A_49 = arith.constant 0 : i32
    %dma_wait3A_50 = arith.constant 0 : i32
    %dma_wait3A_51 = arith.constant 0 : i32
    %dma_wait3A_52 = tpu.memref_slice %arg13[%dma_wait3A_49, %dma_wait3A_50, %dma_wait3A_51] : memref<2x8x128xi32, #tpu.memory_space<vmem>> -> memref<1x1x128xi32, #tpu.memory_space<vmem>>
    %dma_wait3A_53 = tpu.memref_squeeze %dma_wait3A_52 : memref<1x1x128xi32, #tpu.memory_space<vmem>> -> memref<128xi32, #tpu.memory_space<vmem>>
    %dma_wait3A_54 = arith.constant 0 : i32
    %dma_wait3A_55 = tpu.memref_slice %arg11[%dma_wait3A_54] : memref<10112xf32, #tpu.memory_space<vmem_shared>> -> memref<10112xf32, #tpu.memory_space<vmem_shared>>
    tpu.wait_indirect_dma semaphore(%arg19 : memref<!tpu.dma_semaphore, #tpu.memory_space<semaphore_mem>>) src(%arg15 : memref<128xf32, #tpu.memory_space<vmem>>) dst(%dma_wait3A_55 : memref<10112xf32, #tpu.memory_space<vmem_shared>>)
    %dma_wait3A_56 = arith.constant 0 : i32
    %dma_wait3A_57 = arith.constant 0 : i32
    %dma_wait3A_58 = arith.constant 0 : i32
    %dma_wait3A_59 = tpu.memref_slice %arg13[%dma_wait3A_56, %dma_wait3A_57, %dma_wait3A_58] : memref<2x8x128xi32, #tpu.memory_space<vmem>> -> memref<1x1x128xi32, #tpu.memory_space<vmem>>
    %dma_wait3A_60 = tpu.memref_squeeze %dma_wait3A_59 : memref<1x1x128xi32, #tpu.memory_space<vmem>> -> memref<128xi32, #tpu.memory_space<vmem>>
    %dma_wait3A_61 = arith.constant 0 : i32
    %dma_wait3A_62 = tpu.memref_slice %arg11[%dma_wait3A_61] : memref<10112xf32, #tpu.memory_space<vmem_shared>> -> memref<10112xf32, #tpu.memory_space<vmem_shared>>
    tpu.wait_indirect_dma semaphore(%arg19 : memref<!tpu.dma_semaphore, #tpu.memory_space<semaphore_mem>>) src(%arg15 : memref<128xf32, #tpu.memory_space<vmem>>) dst(%dma_wait3A_62 : memref<10112xf32, #tpu.memory_space<vmem_shared>>)
    %dma_wait3A_63 = arith.constant 0 : i32
    %dma_wait3A_64 = arith.constant 0 : i32
    %dma_wait3A_65 = arith.constant 0 : i32
    %dma_wait3A_66 = tpu.memref_slice %arg13[%dma_wait3A_63, %dma_wait3A_64, %dma_wait3A_65] : memref<2x8x128xi32, #tpu.memory_space<vmem>> -> memref<1x1x128xi32, #tpu.memory_space<vmem>>
    %dma_wait3A_67 = tpu.memref_squeeze %dma_wait3A_66 : memref<1x1x128xi32, #tpu.memory_space<vmem>> -> memref<128xi32, #tpu.memory_space<vmem>>
    %dma_wait3A_68 = arith.constant 0 : i32
    %dma_wait3A_69 = tpu.memref_slice %arg11[%dma_wait3A_68] : memref<10112xf32, #tpu.memory_space<vmem_shared>> -> memref<10112xf32, #tpu.memory_space<vmem_shared>>
    tpu.wait_indirect_dma semaphore(%arg19 : memref<!tpu.dma_semaphore, #tpu.memory_space<semaphore_mem>>) src(%arg15 : memref<128xf32, #tpu.memory_space<vmem>>) dst(%dma_wait3A_69 : memref<10112xf32, #tpu.memory_space<vmem_shared>>)
    %dma_wait3A_70 = arith.constant 0 : i32
    %dma_wait3A_71 = arith.constant 0 : i32
    %dma_wait3A_72 = arith.constant 0 : i32
    %dma_wait3A_73 = tpu.memref_slice %arg13[%dma_wait3A_70, %dma_wait3A_71, %dma_wait3A_72] : memref<2x8x128xi32, #tpu.memory_space<vmem>> -> memref<1x1x128xi32, #tpu.memory_space<vmem>>
    %dma_wait3A_74 = tpu.memref_squeeze %dma_wait3A_73 : memref<1x1x128xi32, #tpu.memory_space<vmem>> -> memref<128xi32, #tpu.memory_space<vmem>>
    %dma_wait3A_75 = arith.constant 0 : i32
    %dma_wait3A_76 = tpu.memref_slice %arg11[%dma_wait3A_75] : memref<10112xf32, #tpu.memory_space<vmem_shared>> -> memref<10112xf32, #tpu.memory_space<vmem_shared>>
    tpu.wait_indirect_dma semaphore(%arg19 : memref<!tpu.dma_semaphore, #tpu.memory_space<semaphore_mem>>) src(%arg15 : memref<128xf32, #tpu.memory_space<vmem>>) dst(%dma_wait3A_76 : memref<10112xf32, #tpu.memory_space<vmem_shared>>)
    %dma_wait3A_77 = arith.constant 0 : i32
    %dma_wait3A_78 = arith.constant 0 : i32
    %dma_wait3A_79 = arith.constant 0 : i32
    %dma_wait3A_80 = tpu.memref_slice %arg13[%dma_wait3A_77, %dma_wait3A_78, %dma_wait3A_79] : memref<2x8x128xi32, #tpu.memory_space<vmem>> -> memref<1x1x128xi32, #tpu.memory_space<vmem>>
    %dma_wait3A_81 = tpu.memref_squeeze %dma_wait3A_80 : memref<1x1x128xi32, #tpu.memory_space<vmem>> -> memref<128xi32, #tpu.memory_space<vmem>>
    %dma_wait3A_82 = arith.constant 0 : i32
    %dma_wait3A_83 = tpu.memref_slice %arg11[%dma_wait3A_82] : memref<10112xf32, #tpu.memory_space<vmem_shared>> -> memref<10112xf32, #tpu.memory_space<vmem_shared>>
    tpu.wait_indirect_dma semaphore(%arg19 : memref<!tpu.dma_semaphore, #tpu.memory_space<semaphore_mem>>) src(%arg15 : memref<128xf32, #tpu.memory_space<vmem>>) dst(%dma_wait3A_83 : memref<10112xf32, #tpu.memory_space<vmem_shared>>)
    %dma_wait3A_84 = arith.constant 0 : i32
    %dma_wait3A_85 = arith.constant 0 : i32
    %dma_wait3A_86 = arith.constant 0 : i32
    %dma_wait3A_87 = tpu.memref_slice %arg13[%dma_wait3A_84, %dma_wait3A_85, %dma_wait3A_86] : memref<2x8x128xi32, #tpu.memory_space<vmem>> -> memref<1x1x128xi32, #tpu.memory_space<vmem>>
    %dma_wait3A_88 = tpu.memref_squeeze %dma_wait3A_87 : memref<1x1x128xi32, #tpu.memory_space<vmem>> -> memref<128xi32, #tpu.memory_space<vmem>>
    %dma_wait3A_89 = arith.constant 0 : i32
    %dma_wait3A_90 = tpu.memref_slice %arg11[%dma_wait3A_89] : memref<10112xf32, #tpu.memory_space<vmem_shared>> -> memref<10112xf32, #tpu.memory_space<vmem_shared>>
    tpu.wait_indirect_dma semaphore(%arg19 : memref<!tpu.dma_semaphore, #tpu.memory_space<semaphore_mem>>) src(%arg15 : memref<128xf32, #tpu.memory_space<vmem>>) dst(%dma_wait3A_90 : memref<10112xf32, #tpu.memory_space<vmem_shared>>)
    %dma_wait3A_91 = arith.constant 0 : i32
    %dma_wait3A_92 = arith.constant 0 : i32
    %dma_wait3A_93 = arith.constant 0 : i32
    %dma_wait3A_94 = tpu.memref_slice %arg13[%dma_wait3A_91, %dma_wait3A_92, %dma_wait3A_93] : memref<2x8x128xi32, #tpu.memory_space<vmem>> -> memref<1x1x128xi32, #tpu.memory_space<vmem>>
    %dma_wait3A_95 = tpu.memref_squeeze %dma_wait3A_94 : memref<1x1x128xi32, #tpu.memory_space<vmem>> -> memref<128xi32, #tpu.memory_space<vmem>>
    %dma_wait3A_96 = arith.constant 0 : i32
    %dma_wait3A_97 = tpu.memref_slice %arg11[%dma_wait3A_96] : memref<10112xf32, #tpu.memory_space<vmem_shared>> -> memref<10112xf32, #tpu.memory_space<vmem_shared>>
    tpu.wait_indirect_dma semaphore(%arg19 : memref<!tpu.dma_semaphore, #tpu.memory_space<semaphore_mem>>) src(%arg15 : memref<128xf32, #tpu.memory_space<vmem>>) dst(%dma_wait3A_97 : memref<10112xf32, #tpu.memory_space<vmem_shared>>)
    %dma_wait3A_98 = arith.constant 0 : i32
    %dma_wait3A_99 = arith.constant 0 : i32
    %dma_wait3A_100 = arith.constant 0 : i32
    %dma_wait3A_101 = tpu.memref_slice %arg13[%dma_wait3A_98, %dma_wait3A_99, %dma_wait3A_100] : memref<2x8x128xi32, #tpu.memory_space<vmem>> -> memref<1x1x128xi32, #tpu.memory_space<vmem>>
    %dma_wait3A_102 = tpu.memref_squeeze %dma_wait3A_101 : memref<1x1x128xi32, #tpu.memory_space<vmem>> -> memref<128xi32, #tpu.memory_space<vmem>>
    %dma_wait3A_103 = arith.constant 0 : i32
    %dma_wait3A_104 = tpu.memref_slice %arg11[%dma_wait3A_103] : memref<10112xf32, #tpu.memory_space<vmem_shared>> -> memref<10112xf32, #tpu.memory_space<vmem_shared>>
    tpu.wait_indirect_dma semaphore(%arg19 : memref<!tpu.dma_semaphore, #tpu.memory_space<semaphore_mem>>) src(%arg15 : memref<128xf32, #tpu.memory_space<vmem>>) dst(%dma_wait3A_104 : memref<10112xf32, #tpu.memory_space<vmem_shared>>)
    %dma_wait3A_105 = arith.constant 0 : i32
    %dma_wait3A_106 = arith.constant 0 : i32
    %dma_wait3A_107 = arith.constant 0 : i32
    %dma_wait3A_108 = tpu.memref_slice %arg13[%dma_wait3A_105, %dma_wait3A_106, %dma_wait3A_107] : memref<2x8x128xi32, #tpu.memory_space<vmem>> -> memref<1x1x128xi32, #tpu.memory_space<vmem>>
    %dma_wait3A_109 = tpu.memref_squeeze %dma_wait3A_108 : memref<1x1x128xi32, #tpu.memory_space<vmem>> -> memref<128xi32, #tpu.memory_space<vmem>>
    %dma_wait3A_110 = arith.constant 0 : i32
    %dma_wait3A_111 = tpu.memref_slice %arg11[%dma_wait3A_110] : memref<10112xf32, #tpu.memory_space<vmem_shared>> -> memref<10112xf32, #tpu.memory_space<vmem_shared>>
    tpu.wait_indirect_dma semaphore(%arg19 : memref<!tpu.dma_semaphore, #tpu.memory_space<semaphore_mem>>) src(%arg15 : memref<128xf32, #tpu.memory_space<vmem>>) dst(%dma_wait3A_111 : memref<10112xf32, #tpu.memory_space<vmem_shared>>)
    %dma_wait3A_112 = arith.constant 0 : i32
    %dma_wait3A_113 = arith.constant 0 : i32
    %dma_wait3A_114 = arith.constant 0 : i32
    %dma_wait3A_115 = tpu.memref_slice %arg13[%dma_wait3A_112, %dma_wait3A_113, %dma_wait3A_114] : memref<2x8x128xi32, #tpu.memory_space<vmem>> -> memref<1x1x128xi32, #tpu.memory_space<vmem>>
    %dma_wait3A_116 = tpu.memref_squeeze %dma_wait3A_115 : memref<1x1x128xi32, #tpu.memory_space<vmem>> -> memref<128xi32, #tpu.memory_space<vmem>>
    %dma_wait3A_117 = arith.constant 0 : i32
    %dma_wait3A_118 = tpu.memref_slice %arg11[%dma_wait3A_117] : memref<10112xf32, #tpu.memory_space<vmem_shared>> -> memref<10112xf32, #tpu.memory_space<vmem_shared>>
    tpu.wait_indirect_dma semaphore(%arg19 : memref<!tpu.dma_semaphore, #tpu.memory_space<semaphore_mem>>) src(%arg15 : memref<128xf32, #tpu.memory_space<vmem>>) dst(%dma_wait3A_118 : memref<10112xf32, #tpu.memory_space<vmem_shared>>)
    %dma_wait3A_119 = arith.constant 0 : i32
    %dma_wait3A_120 = arith.constant 0 : i32
    %dma_wait3A_121 = arith.constant 0 : i32
    %dma_wait3A_122 = tpu.memref_slice %arg13[%dma_wait3A_119, %dma_wait3A_120, %dma_wait3A_121] : memref<2x8x128xi32, #tpu.memory_space<vmem>> -> memref<1x1x128xi32, #tpu.memory_space<vmem>>
    %dma_wait3A_123 = tpu.memref_squeeze %dma_wait3A_122 : memref<1x1x128xi32, #tpu.memory_space<vmem>> -> memref<128xi32, #tpu.memory_space<vmem>>
    %dma_wait3A_124 = arith.constant 0 : i32
    %dma_wait3A_125 = tpu.memref_slice %arg11[%dma_wait3A_124] : memref<10112xf32, #tpu.memory_space<vmem_shared>> -> memref<10112xf32, #tpu.memory_space<vmem_shared>>
    tpu.wait_indirect_dma semaphore(%arg19 : memref<!tpu.dma_semaphore, #tpu.memory_space<semaphore_mem>>) src(%arg15 : memref<128xf32, #tpu.memory_space<vmem>>) dst(%dma_wait3A_125 : memref<10112xf32, #tpu.memory_space<vmem_shared>>)
    %dma_wait3A_126 = arith.constant 0 : i32
    %dma_wait3A_127 = arith.constant 0 : i32
    %dma_wait3A_128 = arith.constant 0 : i32
    %dma_wait3A_129 = tpu.memref_slice %arg13[%dma_wait3A_126, %dma_wait3A_127, %dma_wait3A_128] : memref<2x8x128xi32, #tpu.memory_space<vmem>> -> memref<1x1x128xi32, #tpu.memory_space<vmem>>
    %dma_wait3A_130 = tpu.memref_squeeze %dma_wait3A_129 : memref<1x1x128xi32, #tpu.memory_space<vmem>> -> memref<128xi32, #tpu.memory_space<vmem>>
    %dma_wait3A_131 = arith.constant 0 : i32
    %dma_wait3A_132 = tpu.memref_slice %arg11[%dma_wait3A_131] : memref<10112xf32, #tpu.memory_space<vmem_shared>> -> memref<10112xf32, #tpu.memory_space<vmem_shared>>
    tpu.wait_indirect_dma semaphore(%arg19 : memref<!tpu.dma_semaphore, #tpu.memory_space<semaphore_mem>>) src(%arg15 : memref<128xf32, #tpu.memory_space<vmem>>) dst(%dma_wait3A_132 : memref<10112xf32, #tpu.memory_space<vmem_shared>>)
    %dma_wait3A_133 = arith.constant 0 : i32
    %dma_wait3A_134 = arith.constant 0 : i32
    %dma_wait3A_135 = arith.constant 0 : i32
    %dma_wait3A_136 = tpu.memref_slice %arg13[%dma_wait3A_133, %dma_wait3A_134, %dma_wait3A_135] : memref<2x8x128xi32, #tpu.memory_space<vmem>> -> memref<1x1x128xi32, #tpu.memory_space<vmem>>
    %dma_wait3A_137 = tpu.memref_squeeze %dma_wait3A_136 : memref<1x1x128xi32, #tpu.memory_space<vmem>> -> memref<128xi32, #tpu.memory_space<vmem>>
    %dma_wait3A_138 = arith.constant 0 : i32
    %dma_wait3A_139 = tpu.memref_slice %arg11[%dma_wait3A_138] : memref<10112xf32, #tpu.memory_space<vmem_shared>> -> memref<10112xf32, #tpu.memory_space<vmem_shared>>
    tpu.wait_indirect_dma semaphore(%arg19 : memref<!tpu.dma_semaphore, #tpu.memory_space<semaphore_mem>>) src(%arg15 : memref<128xf32, #tpu.memory_space<vmem>>) dst(%dma_wait3A_139 : memref<10112xf32, #tpu.memory_space<vmem_shared>>)
    %barrier3A_140 = arith.constant 0 : index
    tpu.barrier barrier_id(%barrier3A_140)
    %mul3A_141 = arith.constant 632 : i32
    %mul3A_142 = arith.muli %arg1, %mul3A_141 : i32
    %mul3A_143 = arith.constant 632 : i32
    %mul3A_144 = arith.muli %arg1, %mul3A_143 : i32
    "tpu.region"() ({
      %run_scoped3A_152 = tpu.sem_alloc : memref<!tpu.dma_semaphore, #tpu.memory_space<semaphore_mem>>
      %dma_start3A_153 = arith.constant 0 : i32
      %dma_start3A_154 = tpu.memref_slice %arg8[%arg0, %mul3A_144, %dma_start3A_153] : memref<2x10112x128xf32, #tpu.memory_space<hbm>> -> memref<1x632x128xf32, #tpu.memory_space<hbm>>
      %dma_start3A_155 = tpu.memref_squeeze %dma_start3A_154 : memref<1x632x128xf32, #tpu.memory_space<hbm>> -> memref<632x128xf32, #tpu.memory_space<hbm>>
      %dma_start3A_156 = arith.constant 0 : i32
      %dma_start3A_157 = tpu.memref_slice %arg10[%mul3A_142, %dma_start3A_156] : memref<10112x128xf32, #tpu.memory_space<vmem_shared>> -> memref<632x128xf32, #tpu.memory_space<vmem_shared>>
      tpu.enqueue_dma source(%dma_start3A_157 : memref<632x128xf32, #tpu.memory_space<vmem_shared>>) target(%dma_start3A_155 : memref<632x128xf32, #tpu.memory_space<hbm>>) target_semaphore(%run_scoped3A_152 : memref<!tpu.dma_semaphore, #tpu.memory_space<semaphore_mem>>)
      %dma_wait3A_158 = arith.constant 0 : i32
      %dma_wait3A_159 = tpu.memref_slice %arg8[%arg0, %mul3A_144, %dma_wait3A_158] : memref<2x10112x128xf32, #tpu.memory_space<hbm>> -> memref<1x632x128xf32, #tpu.memory_space<hbm>>
      %dma_wait3A_160 = tpu.memref_squeeze %dma_wait3A_159 : memref<1x632x128xf32, #tpu.memory_space<hbm>> -> memref<632x128xf32, #tpu.memory_space<hbm>>
      %dma_wait3A_161 = arith.constant 0 : i32
      %dma_wait3A_162 = tpu.memref_slice %arg10[%mul3A_142, %dma_wait3A_161] : memref<10112x128xf32, #tpu.memory_space<vmem_shared>> -> memref<632x128xf32, #tpu.memory_space<vmem_shared>>
      tpu.wait_dma2 semaphore(%run_scoped3A_152 : memref<!tpu.dma_semaphore, #tpu.memory_space<semaphore_mem>>) src(%dma_wait3A_162 : memref<632x128xf32, #tpu.memory_space<vmem_shared>>) dst(%dma_wait3A_160 : memref<632x128xf32, #tpu.memory_space<hbm>>)
      tpu.yield
    }) : () -> ()
    %mul3A_145 = arith.constant 632 : i32
    %mul3A_146 = arith.muli %arg1, %mul3A_145 : i32
    "tpu.region"() ({
      %run_scoped3A_152 = tpu.sem_alloc : memref<!tpu.dma_semaphore, #tpu.memory_space<semaphore_mem>>
      %dma_start3A_153 = tpu.memref_slice %arg11[%mul3A_146] : memref<10112xf32, #tpu.memory_space<vmem_shared>> -> memref<632xf32, #tpu.memory_space<vmem_shared>>
      %dma_start3A_154 = tpu.memref_slice %arg11[%mul3A_146] : memref<10112xf32, #tpu.memory_space<vmem_shared>> -> memref<632xf32, #tpu.memory_space<vmem_shared>>
      tpu.enqueue_dma source(%dma_start3A_154 : memref<632xf32, #tpu.memory_space<vmem_shared>>) target(%arg16 : memref<632xf32, #tpu.memory_space<vmem>>) target_semaphore(%run_scoped3A_152 : memref<!tpu.dma_semaphore, #tpu.memory_space<semaphore_mem>>)
      %dma_wait3A_155 = tpu.memref_slice %arg11[%mul3A_146] : memref<10112xf32, #tpu.memory_space<vmem_shared>> -> memref<632xf32, #tpu.memory_space<vmem_shared>>
      %dma_wait3A_156 = tpu.memref_slice %arg11[%mul3A_146] : memref<10112xf32, #tpu.memory_space<vmem_shared>> -> memref<632xf32, #tpu.memory_space<vmem_shared>>
      tpu.wait_dma2 semaphore(%run_scoped3A_152 : memref<!tpu.dma_semaphore, #tpu.memory_space<semaphore_mem>>) src(%dma_wait3A_156 : memref<632xf32, #tpu.memory_space<vmem_shared>>) dst(%arg16 : memref<632xf32, #tpu.memory_space<vmem>>)
      tpu.yield
    }) : () -> ()
    %mul3A_147 = arith.constant 10112 : i32
    %mul3A_148 = arith.muli %arg0, %mul3A_147 : i32
    %mul3A_149 = arith.constant 632 : i32
    %mul3A_150 = arith.muli %arg1, %mul3A_149 : i32
    %add3A_151 = arith.addi %mul3A_148, %mul3A_150 : i32
    "tpu.region"() ({
      %run_scoped3A_152 = tpu.sem_alloc : memref<!tpu.dma_semaphore, #tpu.memory_space<semaphore_mem>>
      %dma_start3A_153 = tpu.memref_slice %arg9[%add3A_151] : memref<20224xf32, #tpu.memory_space<hbm>> -> memref<632xf32, #tpu.memory_space<hbm>>
      %dma_start3A_154 = tpu.memref_slice %arg9[%add3A_151] : memref<20224xf32, #tpu.memory_space<hbm>> -> memref<632xf32, #tpu.memory_space<hbm>>
      tpu.enqueue_dma source(%arg16 : memref<632xf32, #tpu.memory_space<vmem>>) target(%dma_start3A_154 : memref<632xf32, #tpu.memory_space<hbm>>) target_semaphore(%run_scoped3A_152 : memref<!tpu.dma_semaphore, #tpu.memory_space<semaphore_mem>>)
      %dma_wait3A_155 = tpu.memref_slice %arg9[%add3A_151] : memref<20224xf32, #tpu.memory_space<hbm>> -> memref<632xf32, #tpu.memory_space<hbm>>
      %dma_wait3A_156 = tpu.memref_slice %arg9[%add3A_151] : memref<20224xf32, #tpu.memory_space<hbm>> -> memref<632xf32, #tpu.memory_space<hbm>>
      tpu.wait_dma2 semaphore(%run_scoped3A_152 : memref<!tpu.dma_semaphore, #tpu.memory_space<semaphore_mem>>) src(%arg16 : memref<632xf32, #tpu.memory_space<vmem>>) dst(%dma_wait3A_156 : memref<632xf32, #tpu.memory_space<hbm>>)
      tpu.yield
    }) : () -> ()
    return
  }
}

module attributes {stable_mosaic.version = 14 : i64} {
  func.func @_prep2_body(%arg0: i32, %arg1: memref<512x128xi32, #tpu.memory_space<vmem>>, %arg2: memref<2x512x128xi32, #tpu.memory_space<vmem>>) attributes {dimension_semantics = [#tpu.dimension_semantics<arbitrary>], iteration_bounds = array<i64: 5>, scalar_prefetch = 0 : i64, scratch_operands = 0 : i64, tpu.core_type = #tpu.core_type<tc>, window_params = [{transform_indices = @transform_0, window_bounds = array<i64: 512, 128>}, {transform_indices = @transform_1, window_bounds = array<i64: 2, 512, 128>}]} {
    %get3A = arith.constant 0 : index
    %get3A_0 = arith.constant 0 : index
    %get3A_1 = vector.load %arg1[%get3A, %get3A_0] : memref<512x128xi32, #tpu.memory_space<vmem>>, vector<512x128xi32>
    %swap3A = arith.constant 0 : index
    %swap3A_2 = arith.constant 0 : index
    %swap3A_3 = arith.constant 0 : index
    %swap3A_4 = vector.load %arg2[%swap3A, %swap3A_2, %swap3A_3] : memref<2x512x128xi32, #tpu.memory_space<vmem>>, vector<1x512x128xi32>
    %swap3A_5 = vector.shape_cast %swap3A_4 : vector<1x512x128xi32> to vector<512x128xi32>
    %swap3A_6 = vector.shape_cast %get3A_1 : vector<512x128xi32> to vector<1x512x128xi32>
    tpu.vector_store %arg2[%swap3A, %swap3A_2, %swap3A_3], %swap3A_6 {strides = array<i32>} : memref<2x512x128xi32, #tpu.memory_space<vmem>>, vector<1x512x128xi32>,
    %get3A_7 = arith.constant 0 : index
    %get3A_8 = arith.constant 0 : index
    %get3A_9 = vector.load %arg1[%get3A_7, %get3A_8] : memref<512x128xi32, #tpu.memory_space<vmem>>, vector<512x128xi32>
    %add3A = arith.constant 10000 : i32
    %add3A_10 = vector.broadcast %add3A : i32 to vector<512x128xi32>
    %add3A_11 = arith.addi %get3A_9, %add3A_10 : vector<512x128xi32>
    %swap3A_12 = arith.constant 1 : index
    %swap3A_13 = arith.constant 0 : index
    %swap3A_14 = arith.constant 0 : index
    %swap3A_15 = vector.load %arg2[%swap3A_12, %swap3A_13, %swap3A_14] : memref<2x512x128xi32, #tpu.memory_space<vmem>>, vector<1x512x128xi32>
    %swap3A_16 = vector.shape_cast %swap3A_15 : vector<1x512x128xi32> to vector<512x128xi32>
    %swap3A_17 = vector.shape_cast %add3A_11 : vector<512x128xi32> to vector<1x512x128xi32>
    tpu.vector_store %arg2[%swap3A_12, %swap3A_13, %swap3A_14], %swap3A_17 {strides = array<i32>} : memref<2x512x128xi32, #tpu.memory_space<vmem>>, vector<1x512x128xi32>,
    return
  }
  func.func @transform_0(%arg0: i32) -> (i32, i32) {
    %c0_i32 = arith.constant 0 : i32
    %c0_i32_0 = arith.constant 0 : i32
    return %arg0, %c0_i32 : i32, i32
  }
  func.func @transform_1(%arg0: i32) -> (i32, i32, i32) {
    %c0_i32 = arith.constant 0 : i32
    %c0_i32_0 = arith.constant 0 : i32
    %c0_i32_1 = arith.constant 0 : i32
    return %c0_i32, %arg0, %c0_i32_0 : i32, i32, i32
  }
}

module attributes {stable_mosaic.version = 14 : i64} {
  func.func @_dense_xr_body(%arg0: i32, %arg1: memref<2000x128xf32, #tpu.memory_space<vmem>>, %arg2: memref<256x128xf32, #tpu.memory_space<vmem>>, %arg3: memref<1x256xf32, #tpu.memory_space<vmem>>, %arg4: memref<2000x256xbf16, #tpu.memory_space<vmem>>) attributes {dimension_semantics = [#tpu.dimension_semantics<arbitrary>], iteration_bounds = array<i64: 5>, scalar_prefetch = 0 : i64, scratch_operands = 0 : i64, tpu.core_type = #tpu.core_type<tc>, window_params = [{transform_indices = @transform_0, window_bounds = array<i64: 2000, 128>}, {pipeline_mode = #tpu.pipeline_mode<synchronous>, transform_indices = @transform_1, window_bounds = array<i64: 256, 128>}, {pipeline_mode = #tpu.pipeline_mode<synchronous>, transform_indices = @transform_2, window_bounds = array<i64: 1, 256>}, {transform_indices = @transform_3, window_bounds = array<i64: 2000, 256>}]} {
    %get3A = arith.constant 0 : index
    %get3A_0 = arith.constant 0 : index
    %get3A_1 = vector.load %arg1[%get3A, %get3A_0] : memref<2000x128xf32, #tpu.memory_space<vmem>>, vector<2000x128xf32>
    %get3A_2 = arith.constant 0 : index
    %get3A_3 = arith.constant 0 : index
    %get3A_4 = vector.load %arg2[%get3A_2, %get3A_3] : memref<256x128xf32, #tpu.memory_space<vmem>>, vector<256x128xf32>
    %dot_general3A = arith.constant dense<0.000000e+00> : vector<2000x256xf32>
    %dot_general3A_5 = tpu.matmul %get3A_1, %get3A_4, %dot_general3A {dimension_numbers = #tpu.dot_dimension_numbers<[1], [1], [0], [0], [0, 0, 1, 0], [], []>, transpose_lhs_hint = false} : vector<2000x128xf32>, vector<256x128xf32>, vector<2000x256xf32> -> vector<2000x256xf32>
    %get3A_6 = arith.constant 0 : index
    %get3A_7 = arith.constant 0 : index
    %get3A_8 = vector.load %arg3[%get3A_6, %get3A_7] : memref<1x256xf32, #tpu.memory_space<vmem>>, vector<1x256xf32>
    %add3A = vector.broadcast %get3A_8 : vector<1x256xf32> to vector<2000x256xf32>
    %add3A_9 = arith.addf %dot_general3A_5, %add3A : vector<2000x256xf32>
    %convert_element_type3A = arith.truncf %add3A_9 : vector<2000x256xf32> to vector<2000x256xbf16>
    %swap3A = arith.constant 0 : index
    %swap3A_10 = arith.constant 0 : index
    %swap3A_11 = vector.load %arg4[%swap3A, %swap3A_10] : memref<2000x256xbf16, #tpu.memory_space<vmem>>, vector<2000x256xbf16>
    tpu.vector_store %arg4[%swap3A, %swap3A_10], %convert_element_type3A {strides = array<i32>} : memref<2000x256xbf16, #tpu.memory_space<vmem>>, vector<2000x256xbf16>,
    return
  }
  func.func @transform_0(%arg0: i32) -> (i32, i32) {
    %c0_i32 = arith.constant 0 : i32
    %c0_i32_0 = arith.constant 0 : i32
    return %arg0, %c0_i32 : i32, i32
  }
  func.func @transform_1(%arg0: i32) -> (i32, i32) {
    %c0_i32 = arith.constant 0 : i32
    %c0_i32_0 = arith.constant 0 : i32
    %c0_i32_1 = arith.constant 0 : i32
    return %c0_i32, %c0_i32_0 : i32, i32
  }
  func.func @transform_2(%arg0: i32) -> (i32, i32) {
    %c0_i32 = arith.constant 0 : i32
    %c0_i32_0 = arith.constant 0 : i32
    %c0_i32_1 = arith.constant 0 : i32
    return %c0_i32, %c0_i32_0 : i32, i32
  }
  func.func @transform_3(%arg0: i32) -> (i32, i32) {
    %c0_i32 = arith.constant 0 : i32
    %c0_i32_0 = arith.constant 0 : i32
    return %arg0, %c0_i32 : i32, i32
  }
}

module attributes {stable_mosaic.version = 14 : i64} {
  func.func @_prep_body(%arg0: i32, %arg1: memref<2x63488xi32, #tpu.memory_space<vmem>>, %arg2: memref<496x128xi32, #tpu.memory_space<vmem>>, %arg3: memref<496x128xi32, #tpu.memory_space<vmem>>) attributes {dimension_semantics = [#tpu.dimension_semantics<arbitrary>], iteration_bounds = array<i64: 6>, scalar_prefetch = 0 : i64, scratch_operands = 0 : i64, tpu.core_type = #tpu.core_type<tc>, window_params = [{transform_indices = @transform_0, window_bounds = array<i64: 2, 63488>}, {transform_indices = @transform_1, window_bounds = array<i64: 496, 128>}, {transform_indices = @transform_2, window_bounds = array<i64: 496, 128>}]} {
    %iota3A = tpu.iota {dimensions = array<i32: 0>} : vector<496x128xi32>
    %mul3A = arith.constant 496 : i32
    %mul3A_0 = arith.muli %arg0, %mul3A : i32
    %add3A = vector.broadcast %mul3A_0 : i32 to vector<496x128xi32>
    %add3A_1 = arith.addi %iota3A, %add3A : vector<496x128xi32>
    %iota3A_2 = tpu.iota {dimensions = array<i32: 1>} : vector<496x128xi32>
    %mul3A_3 = arith.constant 128 : i32
    %mul3A_4 = vector.broadcast %mul3A_3 : i32 to vector<496x128xi32>
    %mul3A_5 = arith.muli %add3A_1, %mul3A_4 : vector<496x128xi32>
    %add3A_6 = arith.addi %mul3A_5, %iota3A_2 : vector<496x128xi32>
    %lt3A = arith.constant 2500 : i32
    %lt3A_7 = vector.broadcast %lt3A : i32 to vector<496x128xi32>
    %lt3A_8 = arith.cmpi slt, %add3A_1, %lt3A_7 : vector<496x128xi32>
    %get3A = arith.constant 0 : index
    %get3A_9 = arith.constant 0 : index
    %get3A_10 = vector.load %arg1[%get3A, %get3A_9] : memref<2x63488xi32, #tpu.memory_space<vmem>>, vector<1x63488xi32>
    %get3A_11 = vector.shape_cast %get3A_10 : vector<1x63488xi32> to vector<63488xi32>
    %reshape3A = vector.shape_cast %get3A_11 : vector<63488xi32> to vector<496x128xi32>
    %jit3A = arith.constant 10000 : i32
    %eq3A = arith.constant 0 : i32
    %eq3A_12 = arith.cmpi eq, %jit3A, %eq3A : i32
    %jit3A_13 = arith.constant 1 : i32
    %select_n3A = arith.select %eq3A_12, %jit3A_13, %jit3A : i32
    %rem3A = vector.broadcast %select_n3A : i32 to vector<496x128xi32>
    %rem3A_14 = arith.remsi %add3A_6, %rem3A : vector<496x128xi32>
    %ne3A = arith.constant 0 : i32
    %ne3A_15 = vector.broadcast %ne3A : i32 to vector<496x128xi32>
    %ne3A_16 = arith.cmpi ne, %rem3A_14, %ne3A_15 : vector<496x128xi32>
    %lt3A_17 = arith.constant 0 : i32
    %lt3A_18 = vector.broadcast %lt3A_17 : i32 to vector<496x128xi32>
    %lt3A_19 = arith.cmpi slt, %rem3A_14, %lt3A_18 : vector<496x128xi32>
    %lt3A_20 = arith.constant 0 : i32
    %lt3A_21 = arith.cmpi slt, %select_n3A, %lt3A_20 : i32
    %ne3A_22 = vector.broadcast %lt3A_21 : i1 to vector<496x128xi1>
    %ne3A_23 = vector.broadcast %ne3A_22 : vector<496x128xi1> to vector<496x128xi1>
    %ne3A_24 = arith.xori %lt3A_19, %ne3A_23 : vector<496x128xi1>
    %and3A = arith.andi %ne3A_24, %ne3A_16 : vector<496x128xi1>
    %add3A_25 = vector.broadcast %select_n3A : i32 to vector<496x128xi32>
    %add3A_26 = arith.addi %rem3A_14, %add3A_25 : vector<496x128xi32>
    %select_n3A_27 = arith.select %and3A, %add3A_26, %rem3A_14 : vector<496x128xi1>, vector<496x128xi32>
    %select_n3A_28 = arith.select %lt3A_8, %reshape3A, %select_n3A_27 : vector<496x128xi1>, vector<496x128xi32>
    %swap3A = arith.constant 0 : index
    %swap3A_29 = arith.constant 0 : index
    %swap3A_30 = vector.load %arg2[%swap3A, %swap3A_29] : memref<496x128xi32, #tpu.memory_space<vmem>>, vector<496x128xi32>
    tpu.vector_store %arg2[%swap3A, %swap3A_29], %select_n3A_28 {strides = array<i32>} : memref<496x128xi32, #tpu.memory_space<vmem>>, vector<496x128xi32>,
    %get3A_31 = arith.constant 1 : index
    %get3A_32 = arith.constant 0 : index
    %get3A_33 = vector.load %arg1[%get3A_31, %get3A_32] : memref<2x63488xi32, #tpu.memory_space<vmem>>, vector<1x63488xi32>
    %get3A_34 = vector.shape_cast %get3A_33 : vector<1x63488xi32> to vector<63488xi32>
    %reshape3A_35 = vector.shape_cast %get3A_34 : vector<63488xi32> to vector<496x128xi32>
    %jit3A_36 = arith.constant 112 : i32
    %eq3A_37 = arith.constant 0 : i32
    %eq3A_38 = arith.cmpi eq, %jit3A_36, %eq3A_37 : i32
    %jit3A_39 = arith.constant 1 : i32
    %select_n3A_40 = arith.select %eq3A_38, %jit3A_39, %jit3A_36 : i32
    %rem3A_41 = vector.broadcast %select_n3A_40 : i32 to vector<496x128xi32>
    %rem3A_42 = arith.remsi %add3A_6, %rem3A_41 : vector<496x128xi32>
    %ne3A_43 = arith.constant 0 : i32
    %ne3A_44 = vector.broadcast %ne3A_43 : i32 to vector<496x128xi32>
    %ne3A_45 = arith.cmpi ne, %rem3A_42, %ne3A_44 : vector<496x128xi32>
    %lt3A_46 = arith.constant 0 : i32
    %lt3A_47 = vector.broadcast %lt3A_46 : i32 to vector<496x128xi32>
    %lt3A_48 = arith.cmpi slt, %rem3A_42, %lt3A_47 : vector<496x128xi32>
    %lt3A_49 = arith.constant 0 : i32
    %lt3A_50 = arith.cmpi slt, %select_n3A_40, %lt3A_49 : i32
    %ne3A_51 = vector.broadcast %lt3A_50 : i1 to vector<496x128xi1>
    %ne3A_52 = vector.broadcast %ne3A_51 : vector<496x128xi1> to vector<496x128xi1>
    %ne3A_53 = arith.xori %lt3A_48, %ne3A_52 : vector<496x128xi1>
    %and3A_54 = arith.andi %ne3A_53, %ne3A_45 : vector<496x128xi1>
    %add3A_55 = vector.broadcast %select_n3A_40 : i32 to vector<496x128xi32>
    %add3A_56 = arith.addi %rem3A_42, %add3A_55 : vector<496x128xi32>
    %select_n3A_57 = arith.select %and3A_54, %add3A_56, %rem3A_42 : vector<496x128xi1>, vector<496x128xi32>
    %add3A_58 = arith.constant 10000 : i32
    %add3A_59 = vector.broadcast %add3A_58 : i32 to vector<496x128xi32>
    %add3A_60 = arith.addi %add3A_59, %select_n3A_57 : vector<496x128xi32>
    %select_n3A_61 = arith.select %lt3A_8, %reshape3A_35, %add3A_60 : vector<496x128xi1>, vector<496x128xi32>
    %swap3A_62 = arith.constant 0 : index
    %swap3A_63 = arith.constant 0 : index
    %swap3A_64 = vector.load %arg3[%swap3A_62, %swap3A_63] : memref<496x128xi32, #tpu.memory_space<vmem>>, vector<496x128xi32>
    tpu.vector_store %arg3[%swap3A_62, %swap3A_63], %select_n3A_61 {strides = array<i32>} : memref<496x128xi32, #tpu.memory_space<vmem>>, vector<496x128xi32>,
    return
  }
  func.func @transform_0(%arg0: i32) -> (i32, i32) {
    %c0_i32 = arith.constant 0 : i32
    %c0_i32_0 = arith.constant 0 : i32
    return %c0_i32, %arg0 : i32, i32
  }
  func.func @transform_1(%arg0: i32) -> (i32, i32) {
    %c0_i32 = arith.constant 0 : i32
    %c0_i32_0 = arith.constant 0 : i32
    return %arg0, %c0_i32 : i32, i32
  }
  func.func @transform_2(%arg0: i32) -> (i32, i32) {
    %c0_i32 = arith.constant 0 : i32
    %c0_i32_0 = arith.constant 0 : i32
    return %arg0, %c0_i32 : i32, i32
  }
}

module attributes {stable_mosaic.version = 14 : i64} {
  func.func @_dense1_body(%arg0: i32, %arg1: memref<2x2000x128xf32, #tpu.memory_space<vmem>>, %arg2: memref<2x2000x8xf32, #tpu.memory_space<vmem>>, %arg3: memref<2000x256xbf16, #tpu.memory_space<vmem>>, %arg4: memref<256x128xf32, #tpu.memory_space<vmem>>, %arg5: memref<2x2000x128xf32, #tpu.memory_space<vmem>>) attributes {dimension_semantics = [#tpu.dimension_semantics<arbitrary>], iteration_bounds = array<i64: 5>, scalar_prefetch = 0 : i64, scratch_operands = 0 : i64, tpu.core_type = #tpu.core_type<tc>, window_params = [{transform_indices = @transform_0, window_bounds = array<i64: 2, 2000, 128>}, {transform_indices = @transform_1, window_bounds = array<i64: 2, 2000, 8>}, {transform_indices = @transform_2, window_bounds = array<i64: 2000, 256>}, {pipeline_mode = #tpu.pipeline_mode<synchronous>, transform_indices = @transform_3, window_bounds = array<i64: 256, 128>}, {transform_indices = @transform_4, window_bounds = array<i64: 2, 2000, 128>}]} {
    %get3A = arith.constant 0 : index
    %get3A_0 = arith.constant 0 : index
    %get3A_1 = arith.constant 0 : index
    %get3A_2 = vector.load %arg1[%get3A, %get3A_0, %get3A_1] : memref<2x2000x128xf32, #tpu.memory_space<vmem>>, vector<1x2000x128xf32>
    %get3A_3 = vector.shape_cast %get3A_2 : vector<1x2000x128xf32> to vector<2000x128xf32>
    %get3A_4 = arith.constant 1 : index
    %get3A_5 = arith.constant 0 : index
    %get3A_6 = arith.constant 0 : index
    %get3A_7 = vector.load %arg1[%get3A_4, %get3A_5, %get3A_6] : memref<2x2000x128xf32, #tpu.memory_space<vmem>>, vector<1x2000x128xf32>
    %get3A_8 = vector.shape_cast %get3A_7 : vector<1x2000x128xf32> to vector<2000x128xf32>
    %add3A = arith.addf %get3A_3, %get3A_8 : vector<2000x128xf32>
    %get3A_9 = arith.constant 0 : index
    %get3A_10 = arith.constant 0 : index
    %get3A_11 = arith.constant 0 : index
    %get3A_12 = vector.load %arg2[%get3A_9, %get3A_10, %get3A_11] : memref<2x2000x8xf32, #tpu.memory_space<vmem>>, vector<1x2000x1xf32>
    %get3A_13 = vector.shape_cast %get3A_12 : vector<1x2000x1xf32> to vector<2000x1xf32>
    %get3A_14 = arith.constant 1 : index
    %get3A_15 = arith.constant 0 : index
    %get3A_16 = arith.constant 0 : index
    %get3A_17 = vector.load %arg2[%get3A_14, %get3A_15, %get3A_16] : memref<2x2000x8xf32, #tpu.memory_space<vmem>>, vector<1x2000x1xf32>
    %get3A_18 = vector.shape_cast %get3A_17 : vector<1x2000x1xf32> to vector<2000x1xf32>
    %add3A_19 = arith.addf %get3A_13, %get3A_18 : vector<2000x1xf32>
    %max3A = arith.constant 1.000000e+00 : f32
    %max3A_20 = vector.broadcast %max3A : f32 to vector<2000x1xf32>
    %max3A_21 = arith.maximumf %add3A_19, %max3A_20 : vector<2000x1xf32>
    %div3A = arith.constant 1.000000e+00 : f32
    %div3A_22 = vector.broadcast %div3A : f32 to vector<2000x1xf32>
    %div3A_23 = arith.divf %div3A_22, %max3A_21 : vector<2000x1xf32>
    %mul3A = vector.broadcast %div3A_23 : vector<2000x1xf32> to vector<2000x128xf32>
    %mul3A_24 = arith.mulf %add3A, %mul3A : vector<2000x128xf32>
    %get3A_25 = arith.constant 0 : index
    %get3A_26 = arith.constant 0 : index
    %get3A_27 = vector.load %arg4[%get3A_25, %get3A_26] : memref<256x128xf32, #tpu.memory_space<vmem>>, vector<256x128xf32>
    %dot_general3A = arith.constant dense<0.000000e+00> : vector<2000x256xf32>
    %dot_general3A_28 = tpu.matmul %mul3A_24, %get3A_27, %dot_general3A {dimension_numbers = #tpu.dot_dimension_numbers<[1], [1], [0], [0], [0, 0, 1, 0], [], []>, transpose_lhs_hint = false} : vector<2000x128xf32>, vector<256x128xf32>, vector<2000x256xf32> -> vector<2000x256xf32>
    %get3A_29 = arith.constant 0 : index
    %get3A_30 = arith.constant 0 : index
    %get3A_31 = vector.load %arg3[%get3A_29, %get3A_30] : memref<2000x256xbf16, #tpu.memory_space<vmem>>, vector<2000x256xbf16>
    %convert_element_type3A = arith.extf %get3A_31 : vector<2000x256xbf16> to vector<2000x256xf32>
    %add3A_32 = arith.addf %dot_general3A_28, %convert_element_type3A : vector<2000x256xf32>
    %max3A_33 = arith.constant 0.000000e+00 : f32
    %max3A_34 = vector.broadcast %max3A_33 : f32 to vector<2000x256xf32>
    %max3A_35 = arith.maximumf %add3A_32, %max3A_34 : vector<2000x256xf32>
    %slice3A = vector.extract_strided_slice %max3A_35 {offsets = [0, 0], sizes = [2000, 128], strides = [1, 1]} : vector<2000x256xf32> to vector<2000x128xf32>
    %swap3A = arith.constant 0 : index
    %swap3A_36 = arith.constant 0 : index
    %swap3A_37 = arith.constant 0 : index
    %swap3A_38 = vector.load %arg5[%swap3A, %swap3A_36, %swap3A_37] : memref<2x2000x128xf32, #tpu.memory_space<vmem>>, vector<1x2000x128xf32>
    %swap3A_39 = vector.shape_cast %swap3A_38 : vector<1x2000x128xf32> to vector<2000x128xf32>
    %swap3A_40 = vector.shape_cast %slice3A : vector<2000x128xf32> to vector<1x2000x128xf32>
    tpu.vector_store %arg5[%swap3A, %swap3A_36, %swap3A_37], %swap3A_40 {strides = array<i32>} : memref<2x2000x128xf32, #tpu.memory_space<vmem>>, vector<1x2000x128xf32>,
    %slice3A_41 = vector.extract_strided_slice %max3A_35 {offsets = [0, 128], sizes = [2000, 128], strides = [1, 1]} : vector<2000x256xf32> to vector<2000x128xf32>
    %swap3A_42 = arith.constant 1 : index
    %swap3A_43 = arith.constant 0 : index
    %swap3A_44 = arith.constant 0 : index
    %swap3A_45 = vector.load %arg5[%swap3A_42, %swap3A_43, %swap3A_44] : memref<2x2000x128xf32, #tpu.memory_space<vmem>>, vector<1x2000x128xf32>
    %swap3A_46 = vector.shape_cast %swap3A_45 : vector<1x2000x128xf32> to vector<2000x128xf32>
    %swap3A_47 = vector.shape_cast %slice3A_41 : vector<2000x128xf32> to vector<1x2000x128xf32>
    tpu.vector_store %arg5[%swap3A_42, %swap3A_43, %swap3A_44], %swap3A_47 {strides = array<i32>} : memref<2x2000x128xf32, #tpu.memory_space<vmem>>, vector<1x2000x128xf32>,
    return
  }
  func.func @transform_0(%arg0: i32) -> (i32, i32, i32) {
    %c0_i32 = arith.constant 0 : i32
    %c0_i32_0 = arith.constant 0 : i32
    %c0_i32_1 = arith.constant 0 : i32
    return %c0_i32, %arg0, %c0_i32_0 : i32, i32, i32
  }
  func.func @transform_1(%arg0: i32) -> (i32, i32, i32) {
    %c0_i32 = arith.constant 0 : i32
    %c0_i32_0 = arith.constant 0 : i32
    %c0_i32_1 = arith.constant 0 : i32
    return %c0_i32, %arg0, %c0_i32_0 : i32, i32, i32
  }
  func.func @transform_2(%arg0: i32) -> (i32, i32) {
    %c0_i32 = arith.constant 0 : i32
    %c0_i32_0 = arith.constant 0 : i32
    return %arg0, %c0_i32 : i32, i32
  }
  func.func @transform_3(%arg0: i32) -> (i32, i32) {
    %c0_i32 = arith.constant 0 : i32
    %c0_i32_0 = arith.constant 0 : i32
    %c0_i32_1 = arith.constant 0 : i32
    return %c0_i32, %c0_i32_0 : i32, i32
  }
  func.func @transform_4(%arg0: i32) -> (i32, i32, i32) {
    %c0_i32 = arith.constant 0 : i32
    %c0_i32_0 = arith.constant 0 : i32
    %c0_i32_1 = arith.constant 0 : i32
    return %c0_i32, %arg0, %c0_i32_0 : i32, i32, i32
  }
}

module attributes {stable_mosaic.version = 14 : i64} {
  func.func @_dense_hr_body(%arg0: i32, %arg1: memref<1x2000x128xf32, #tpu.memory_space<vmem>>, %arg2: memref<1x2000x128xf32, #tpu.memory_space<vmem>>, %arg3: memref<256x256xf32, #tpu.memory_space<vmem>>, %arg4: memref<1x256xf32, #tpu.memory_space<vmem>>, %arg5: memref<2000x256xbf16, #tpu.memory_space<vmem>>) attributes {dimension_semantics = [#tpu.dimension_semantics<arbitrary>], iteration_bounds = array<i64: 5>, scalar_prefetch = 0 : i64, scratch_operands = 0 : i64, tpu.core_type = #tpu.core_type<tc>, window_params = [{transform_indices = @transform_0, window_bounds = array<i64: 1, 2000, 128>}, {transform_indices = @transform_1, window_bounds = array<i64: 1, 2000, 128>}, {pipeline_mode = #tpu.pipeline_mode<synchronous>, transform_indices = @transform_2, window_bounds = array<i64: 256, 256>}, {pipeline_mode = #tpu.pipeline_mode<synchronous>, transform_indices = @transform_3, window_bounds = array<i64: 1, 256>}, {transform_indices = @transform_4, window_bounds = array<i64: 2000, 256>}]} {
    %get3A = arith.constant 0 : index
    %get3A_0 = arith.constant 0 : index
    %get3A_1 = arith.constant 0 : index
    %get3A_2 = vector.load %arg1[%get3A, %get3A_0, %get3A_1] : memref<1x2000x128xf32, #tpu.memory_space<vmem>>, vector<1x2000x128xf32>
    %get3A_3 = vector.shape_cast %get3A_2 : vector<1x2000x128xf32> to vector<2000x128xf32>
    %get3A_4 = arith.constant 0 : index
    %get3A_5 = arith.constant 0 : index
    %get3A_6 = vector.load %arg3[%get3A_4, %get3A_5] : memref<256x256xf32, #tpu.memory_space<vmem>>, vector<256x128xf32>
    %dot_general3A = arith.constant dense<0.000000e+00> : vector<2000x256xf32>
    %dot_general3A_7 = tpu.matmul %get3A_3, %get3A_6, %dot_general3A {dimension_numbers = #tpu.dot_dimension_numbers<[1], [1], [0], [0], [0, 0, 1, 0], [], []>, transpose_lhs_hint = false} : vector<2000x128xf32>, vector<256x128xf32>, vector<2000x256xf32> -> vector<2000x256xf32>
    %get3A_8 = arith.constant 0 : index
    %get3A_9 = arith.constant 0 : index
    %get3A_10 = arith.constant 0 : index
    %get3A_11 = vector.load %arg2[%get3A_8, %get3A_9, %get3A_10] : memref<1x2000x128xf32, #tpu.memory_space<vmem>>, vector<1x2000x128xf32>
    %get3A_12 = vector.shape_cast %get3A_11 : vector<1x2000x128xf32> to vector<2000x128xf32>
    %get3A_13 = arith.constant 0 : index
    %get3A_14 = arith.constant 128 : index
    %get3A_15 = vector.load %arg3[%get3A_13, %get3A_14] : memref<256x256xf32, #tpu.memory_space<vmem>>, vector<256x128xf32>
    %dot_general3A_16 = arith.constant dense<0.000000e+00> : vector<2000x256xf32>
    %dot_general3A_17 = tpu.matmul %get3A_12, %get3A_15, %dot_general3A_16 {dimension_numbers = #tpu.dot_dimension_numbers<[1], [1], [0], [0], [0, 0, 1, 0], [], []>, transpose_lhs_hint = false} : vector<2000x128xf32>, vector<256x128xf32>, vector<2000x256xf32> -> vector<2000x256xf32>
    %add3A = arith.addf %dot_general3A_7, %dot_general3A_17 : vector<2000x256xf32>
    %get3A_18 = arith.constant 0 : index
    %get3A_19 = arith.constant 0 : index
    %get3A_20 = vector.load %arg4[%get3A_18, %get3A_19] : memref<1x256xf32, #tpu.memory_space<vmem>>, vector<1x256xf32>
    %add3A_21 = vector.broadcast %get3A_20 : vector<1x256xf32> to vector<2000x256xf32>
    %add3A_22 = arith.addf %add3A, %add3A_21 : vector<2000x256xf32>
    %convert_element_type3A = arith.truncf %add3A_22 : vector<2000x256xf32> to vector<2000x256xbf16>
    %swap3A = arith.constant 0 : index
    %swap3A_23 = arith.constant 0 : index
    %swap3A_24 = vector.load %arg5[%swap3A, %swap3A_23] : memref<2000x256xbf16, #tpu.memory_space<vmem>>, vector<2000x256xbf16>
    tpu.vector_store %arg5[%swap3A, %swap3A_23], %convert_element_type3A {strides = array<i32>} : memref<2000x256xbf16, #tpu.memory_space<vmem>>, vector<2000x256xbf16>,
    return
  }
  func.func @transform_0(%arg0: i32) -> (i32, i32, i32) {
    %c0_i32 = arith.constant 0 : i32
    %c0_i32_0 = arith.constant 0 : i32
    %c0_i32_1 = arith.constant 0 : i32
    return %c0_i32, %arg0, %c0_i32_0 : i32, i32, i32
  }
  func.func @transform_1(%arg0: i32) -> (i32, i32, i32) {
    %c1_i32 = arith.constant 1 : i32
    %c0_i32 = arith.constant 0 : i32
    %c0_i32_0 = arith.constant 0 : i32
    return %c1_i32, %arg0, %c0_i32 : i32, i32, i32
  }
  func.func @transform_2(%arg0: i32) -> (i32, i32) {
    %c0_i32 = arith.constant 0 : i32
    %c0_i32_0 = arith.constant 0 : i32
    %c0_i32_1 = arith.constant 0 : i32
    return %c0_i32, %c0_i32_0 : i32, i32
  }
  func.func @transform_3(%arg0: i32) -> (i32, i32) {
    %c0_i32 = arith.constant 0 : i32
    %c0_i32_0 = arith.constant 0 : i32
    %c0_i32_1 = arith.constant 0 : i32
    return %c0_i32, %c0_i32_0 : i32, i32
  }
  func.func @transform_4(%arg0: i32) -> (i32, i32) {
    %c0_i32 = arith.constant 0 : i32
    %c0_i32_0 = arith.constant 0 : i32
    return %arg0, %c0_i32 : i32, i32
  }
}

module attributes {stable_mosaic.version = 14 : i64} {
  func.func @_dense2_body(%arg0: i32, %arg1: memref<2x2000x128xf32, #tpu.memory_space<vmem>>, %arg2: memref<2x2000x8xf32, #tpu.memory_space<vmem>>, %arg3: memref<2000x256xbf16, #tpu.memory_space<vmem>>, %arg4: memref<256x256xf32, #tpu.memory_space<vmem>>, %arg5: memref<2000x256xf32, #tpu.memory_space<vmem>>) attributes {dimension_semantics = [#tpu.dimension_semantics<arbitrary>], iteration_bounds = array<i64: 5>, scalar_prefetch = 0 : i64, scratch_operands = 0 : i64, tpu.core_type = #tpu.core_type<tc>, window_params = [{transform_indices = @transform_0, window_bounds = array<i64: 2, 2000, 128>}, {transform_indices = @transform_1, window_bounds = array<i64: 2, 2000, 8>}, {transform_indices = @transform_2, window_bounds = array<i64: 2000, 256>}, {pipeline_mode = #tpu.pipeline_mode<synchronous>, transform_indices = @transform_3, window_bounds = array<i64: 256, 256>}, {transform_indices = @transform_4, window_bounds = array<i64: 2000, 256>}]} {
    %get3A = arith.constant 0 : index
    %get3A_0 = arith.constant 0 : index
    %get3A_1 = arith.constant 0 : index
    %get3A_2 = vector.load %arg2[%get3A, %get3A_0, %get3A_1] : memref<2x2000x8xf32, #tpu.memory_space<vmem>>, vector<1x2000x1xf32>
    %get3A_3 = vector.shape_cast %get3A_2 : vector<1x2000x1xf32> to vector<2000x1xf32>
    %get3A_4 = arith.constant 1 : index
    %get3A_5 = arith.constant 0 : index
    %get3A_6 = arith.constant 0 : index
    %get3A_7 = vector.load %arg2[%get3A_4, %get3A_5, %get3A_6] : memref<2x2000x8xf32, #tpu.memory_space<vmem>>, vector<1x2000x1xf32>
    %get3A_8 = vector.shape_cast %get3A_7 : vector<1x2000x1xf32> to vector<2000x1xf32>
    %add3A = arith.addf %get3A_3, %get3A_8 : vector<2000x1xf32>
    %max3A = arith.constant 1.000000e+00 : f32
    %max3A_9 = vector.broadcast %max3A : f32 to vector<2000x1xf32>
    %max3A_10 = arith.maximumf %add3A, %max3A_9 : vector<2000x1xf32>
    %div3A = arith.constant 1.000000e+00 : f32
    %div3A_11 = vector.broadcast %div3A : f32 to vector<2000x1xf32>
    %div3A_12 = arith.divf %div3A_11, %max3A_10 : vector<2000x1xf32>
    %get3A_13 = arith.constant 0 : index
    %get3A_14 = arith.constant 0 : index
    %get3A_15 = arith.constant 0 : index
    %get3A_16 = vector.load %arg1[%get3A_13, %get3A_14, %get3A_15] : memref<2x2000x128xf32, #tpu.memory_space<vmem>>, vector<1x2000x128xf32>
    %get3A_17 = vector.shape_cast %get3A_16 : vector<1x2000x128xf32> to vector<2000x128xf32>
    %mul3A = vector.broadcast %div3A_12 : vector<2000x1xf32> to vector<2000x128xf32>
    %mul3A_18 = arith.mulf %get3A_17, %mul3A : vector<2000x128xf32>
    %get3A_19 = arith.constant 0 : index
    %get3A_20 = arith.constant 0 : index
    %get3A_21 = vector.load %arg4[%get3A_19, %get3A_20] : memref<256x256xf32, #tpu.memory_space<vmem>>, vector<256x128xf32>
    %dot_general3A = arith.constant dense<0.000000e+00> : vector<2000x256xf32>
    %dot_general3A_22 = tpu.matmul %mul3A_18, %get3A_21, %dot_general3A {dimension_numbers = #tpu.dot_dimension_numbers<[1], [1], [0], [0], [0, 0, 1, 0], [], []>, transpose_lhs_hint = false} : vector<2000x128xf32>, vector<256x128xf32>, vector<2000x256xf32> -> vector<2000x256xf32>
    %get3A_23 = arith.constant 1 : index
    %get3A_24 = arith.constant 0 : index
    %get3A_25 = arith.constant 0 : index
    %get3A_26 = vector.load %arg1[%get3A_23, %get3A_24, %get3A_25] : memref<2x2000x128xf32, #tpu.memory_space<vmem>>, vector<1x2000x128xf32>
    %get3A_27 = vector.shape_cast %get3A_26 : vector<1x2000x128xf32> to vector<2000x128xf32>
    %mul3A_28 = vector.broadcast %div3A_12 : vector<2000x1xf32> to vector<2000x128xf32>
    %mul3A_29 = arith.mulf %get3A_27, %mul3A_28 : vector<2000x128xf32>
    %get3A_30 = arith.constant 0 : index
    %get3A_31 = arith.constant 128 : index
    %get3A_32 = vector.load %arg4[%get3A_30, %get3A_31] : memref<256x256xf32, #tpu.memory_space<vmem>>, vector<256x128xf32>
    %dot_general3A_33 = arith.constant dense<0.000000e+00> : vector<2000x256xf32>
    %dot_general3A_34 = tpu.matmul %mul3A_29, %get3A_32, %dot_general3A_33 {dimension_numbers = #tpu.dot_dimension_numbers<[1], [1], [0], [0], [0, 0, 1, 0], [], []>, transpose_lhs_hint = false} : vector<2000x128xf32>, vector<256x128xf32>, vector<2000x256xf32> -> vector<2000x256xf32>
    %add3A_35 = arith.addf %dot_general3A_22, %dot_general3A_34 : vector<2000x256xf32>
    %get3A_36 = arith.constant 0 : index
    %get3A_37 = arith.constant 0 : index
    %get3A_38 = vector.load %arg3[%get3A_36, %get3A_37] : memref<2000x256xbf16, #tpu.memory_space<vmem>>, vector<2000x256xbf16>
    %convert_element_type3A = arith.extf %get3A_38 : vector<2000x256xbf16> to vector<2000x256xf32>
    %add3A_39 = arith.addf %add3A_35, %convert_element_type3A : vector<2000x256xf32>
    %swap3A = arith.constant 0 : index
    %swap3A_40 = arith.constant 0 : index
    %swap3A_41 = vector.load %arg5[%swap3A, %swap3A_40] : memref<2000x256xf32, #tpu.memory_space<vmem>>, vector<2000x256xf32>
    tpu.vector_store %arg5[%swap3A, %swap3A_40], %add3A_39 {strides = array<i32>} : memref<2000x256xf32, #tpu.memory_space<vmem>>, vector<2000x256xf32>,
    return
  }
  func.func @transform_0(%arg0: i32) -> (i32, i32, i32) {
    %c0_i32 = arith.constant 0 : i32
    %c0_i32_0 = arith.constant 0 : i32
    %c0_i32_1 = arith.constant 0 : i32
    return %c0_i32, %arg0, %c0_i32_0 : i32, i32, i32
  }
  func.func @transform_1(%arg0: i32) -> (i32, i32, i32) {
    %c0_i32 = arith.constant 0 : i32
    %c0_i32_0 = arith.constant 0 : i32
    %c0_i32_1 = arith.constant 0 : i32
    return %c0_i32, %arg0, %c0_i32_0 : i32, i32, i32
  }
  func.func @transform_2(%arg0: i32) -> (i32, i32) {
    %c0_i32 = arith.constant 0 : i32
    %c0_i32_0 = arith.constant 0 : i32
    return %arg0, %c0_i32 : i32, i32
  }
  func.func @transform_3(%arg0: i32) -> (i32, i32) {
    %c0_i32 = arith.constant 0 : i32
    %c0_i32_0 = arith.constant 0 : i32
    %c0_i32_1 = arith.constant 0 : i32
    return %c0_i32, %c0_i32_0 : i32, i32
  }
  func.func @transform_4(%arg0: i32) -> (i32, i32) {
    %c0_i32 = arith.constant 0 : i32
    %c0_i32_0 = arith.constant 0 : i32
    return %arg0, %c0_i32 : i32, i32
  }
}

</mosaic_0001>

<sc_bundles>
// kernel: kernel.10.cloned.1.call-start
scs
__scs_entry_jumppad:
0x0: {  	(pc) =	sbr.rel $0x88, $3  }
0x1: {  	(tag) =	ssettag $0x0;
	lr =	simm.s32 $0x1  }
0x2: {  	[smem:$0x3F99] =	sst lr;
	_ =	strace $0xD0000000  }
0x3: {  	_ = 	snop  }
0x4: {  	_ = 	snop  }
0x5: {  	_ = 	snop  }
0x6: {  	_ = 	snop  }
0x7: {  	_ = 	snop  }
__scs_overlays_trampoline_lowered:
0x8: {  	[smem:$0x3FA8] =	sst s0  }
0x9: {  	[smem:$0x3FA9] =	sst s1  }
0xa: {  	[smem:$0x3FAA] =	sst s2  }
0xb: {  	[smem:$0x3FAB] =	sst s3  }
0xc: {  	[smem:$0x3FAC] =	sst s4  }
0xd: {  	[smem:$0x3FAD] =	sst s5  }
0xe: {  	[smem:$0x3FAE] =	sst s6  }
0xf: {  	[smem:$0x3FAF] =	sst s7  }
0x10: {  	[smem:$0x3FB0] =	sst s8  }
0x11: {  	[smem:$0x3FB1] =	sst s9;
	s0 =	simm.s32 @!p0 $0x0  }
0x12: {  	s1 =	sld [smem:$0x3F97];
	s0 =	simm.s32 @p0 $0x1  }
0x13: {  	[smem:$0x3FB2] =	sst s0;
	s0 =	simm.s32 @!p1 $0x0  }
0x14: {  	s2 =	sld [smem:$0x3F96];
	s0 =	simm.s32 @p1 $0x1  }
0x15: {  	[smem:$0x3FB3] =	sst s0;
	s0 =	simm.s32 @!p2 $0x0  }
0x16: {  	s3 =	sld [smem:$0x3FDB];
	s0 =	simm.s32 @p2 $0x1  }
0x17: {  	s4 =	simm.s32 $0x1BF5;
	[smem:$0x3FB5] =	sst s0  }
0x18: {  	s0 =	sld [smem:$0x3F98];
	_ =	swait.ge [sflag:s4], $0x0  }
0x19: {  	s7 =	sld [smem:$0x3F99]  }
0x1a: {  	s8 =	sadd.s32 $0xFFFFE003, lr  }
0x1b: {  	s9 =	sadd.s32 $0xFFFFFEF7, lr;
	s5 =	simm.s32 $0xFFFFFFFF;
	p2 =	slt.u32 s8, $0xFFFFF086  }
0x1c: {  	p1 =	slt.u32 s9, $0xF7A;
	s5 =	simm.s32 @!p2 $0x0  }
0x1d: {  	s5 =	simm.s32 @p1 $0x1;
	p0 =	seq.s32 s7, s2  }
0x1e: {  	s7 =	smul.u32 @!p0 $0xF7A, s2;
	p2 =	seq.s32 @!p0 s5, $0x0  }
0x1f: {  	s9 =	smul.u32 $0xF7A, s1;
	s8 =	simm.s32 @!p0 $0x1BF5;
	p2 =	por !p2, p0  }
0x20: {  	[sflag:s8] =	ssyncset.s32 @!p0 $0xFFFFF086;
	s6 =	sadd.s32 @!p0 s3, s7;
	s7 =	simm.s32 @!p0 $0x108  }
0x21: {  	s3 =	sadd.s32 s3, s9;
	s6 =	sadd.s32 @!p0 $0x88, s6;
	s7 =	simm.s32 @p2 $0x1082  }
0x22: {  	[simem:s7], [sflag:s8] =	dma.local @!p0 [hbm:s6], $0xF7A  }
0x23: {  	s9 =	sor.u32 $0xD0000000, s2;
	s6 =	simm.s32 $0x108;
	_ =	swait.ge @!p0 [sflag:s8], $0x0  }
0x24: {  	s3 =	sadd.s32 $0x88, s3;
	s6 =	simm.s32 @!p1 $0x1082;
	[sflag:s4] =	ssyncset.s32 $0xFFFFF086  }
0x25: {  	[simem:s6], [sflag:s4] =	dma.local [hbm:s3], $0xF7A  }
0x26: {  	[smem:$0x3F99] =	sst s1;
	(tag) =	ssettag s2;
	_ =	strace s9  }
0x27: {  	s1 =	sld [smem:$0x3FA9]  }
0x28: {  	s2 =	sld [smem:$0x3FAA]  }
0x29: {  	s4 =	sld [smem:$0x3FAC]  }
0x2a: {  	p0 =	seq.s32 s5, $0x0;
	s5 =	sld [smem:$0x3FAD]  }
0x2b: {  	s6 =	sld [smem:$0x3FAE]  }
0x2c: {  	s7 =	sld [smem:$0x3FAF]  }
0x2d: {  	s3 =	simm.s32 $0x108;
	s8 =	sld [smem:$0x3FB0]  }
0x2e: {  	s3 =	simm.s32 @!p0 $0x1082;
	s9 =	sld [smem:$0x3FB1]  }
0x2f: {  	lr =	sadd.s32 s0, s3;
	s0 =	sld [smem:$0x3FA8]  }
0x30: {  	s3 =	sld [smem:$0x3FAB]  }
0x31: {  	[smem:$0x3FB4] =	sst s10  }
0x32: {  	s10 =	sld [smem:$0x3FB2];
	_ =	sdelay $0x3  }
0x33: {  	p0 =	seq.s32 s10, $0x1;
	s10 =	sld [smem:$0x3FB4];
	_ =	sdelay $0x3  }
0x34: {  	[smem:$0x3FB4] =	sst s10  }
0x35: {  	s10 =	sld [smem:$0x3FB3];
	_ =	sdelay $0x3  }
0x36: {  	p1 =	seq.s32 s10, $0x1;
	s10 =	sld [smem:$0x3FB4];
	_ =	sdelay $0x3  }
0x37: {  	[smem:$0x3FB4] =	sst s10  }
0x38: {  	s10 =	sld [smem:$0x3FB5]  }
0x39: {  	_ = 	snop;
	(pc) =	sbr.ind lr, $3  }
0x3a: {  	_ = 	snop  }
0x3b: {  	_ = 	snop  }
0x3c: {  	p2 =	seq.s32 s10, $0x1;
	s10 =	sld [smem:$0x3FB4]  }
0x3d: {  	_ =	shalt  }
0x3e: {  	_ =	shalt  }
0x3f: {  	_ =	shalt  }
0x40: {  	_ =	shalt  }
0x41: {  	_ =	shalt  }
0x42: {  	_ =	shalt  }
0x43: {  	_ =	shalt  }
0x44: {  	_ =	shalt  }
0x45: {  	_ =	shalt  }
0x46: {  	_ =	shalt  }
0x47: {  	_ =	shalt  }
0x48: {  	_ =	shalt  }
0x49: {  	_ =	shalt  }
0x4a: {  	_ =	shalt  }
0x4b: {  	_ =	shalt  }
0x4c: {  	_ =	shalt  }
0x4d: {  	_ =	shalt  }
0x4e: {  	_ =	shalt  }
0x4f: {  	_ =	shalt  }
0x50: {  	_ =	shalt  }
0x51: {  	_ =	shalt  }
0x52: {  	_ =	shalt  }
0x53: {  	_ =	shalt  }
0x54: {  	_ =	shalt  }
0x55: {  	_ =	shalt  }
0x56: {  	_ =	shalt  }
0x57: {  	_ =	shalt  }
0x58: {  	_ =	shalt  }
0x59: {  	_ =	shalt  }
0x5a: {  	_ =	shalt  }
0x5b: {  	_ =	shalt  }
0x5c: {  	_ =	shalt  }
0x5d: {  	_ =	shalt  }
0x5e: {  	_ =	shalt  }
0x5f: {  	_ =	shalt  }
0x60: {  	_ =	shalt  }
0x61: {  	_ =	shalt  }
0x62: {  	_ =	shalt  }
0x63: {  	_ =	shalt  }
0x64: {  	_ =	shalt  }
0x65: {  	_ =	shalt  }
0x66: {  	_ =	shalt  }
0x67: {  	_ =	shalt  }
0x68: {  	_ =	shalt  }
0x69: {  	_ =	shalt  }
0x6a: {  	_ =	shalt  }
0x6b: {  	_ =	shalt  }
0x6c: {  	_ =	shalt  }
0x6d: {  	_ =	shalt  }
0x6e: {  	_ =	shalt  }
0x6f: {  	_ =	shalt  }
0x70: {  	_ =	shalt  }
0x71: {  	_ =	shalt  }
0x72: {  	_ =	shalt  }
0x73: {  	_ =	shalt  }
0x74: {  	_ =	shalt  }
0x75: {  	_ =	shalt  }
0x76: {  	_ =	shalt  }
0x77: {  	_ =	shalt  }
0x78: {  	_ =	shalt  }
0x79: {  	_ =	shalt  }
0x7a: {  	_ =	shalt  }
0x7b: {  	_ =	shalt  }
0x7c: {  	_ =	shalt  }
0x7d: {  	_ =	shalt  }
0x7e: {  	_ =	shalt  }
0x7f: {  	_ =	shalt  }
0x80: {  	_ =	shalt  }
0x81: {  	_ =	shalt  }
0x82: {  	_ =	shalt  }
0x83: {  	_ =	shalt  }
0x84: {  	_ =	shalt  }
0x85: {  	_ =	shalt  }
0x86: {  	_ =	shalt  }
0x87: {  	_ =	shalt  }
.Lfunc_end0:
.L_simem_size_0:
called_computation_lowered:
.L_overlay_start_0:
0x88: {  	s2 =	sld [smem:$0x3FD9]  }
0x89: {  	s3 =	sld [smem:$0x3FFE];
	_ =	sdelay $0x1  }
0x8a: {  	s1 =	srdreg.scid  }
0x8b: {  	s0 =	sand.u32 $0x1, s1  }
0x8c: {  	s17 =	sshll.u32 s0, $0xA;
	s2 =	sadd.s32 s3, s2  }
0x8d: {  	s2 =	sadd.s32 s2, s17  }
0x8e: {  	[smem:$0x3FC0] =	sst s2  }
0x8f: {  	_ = 	snop  }
0x90: {  	s2 =	sld [smem:$0x3FC9]  }
0x91: {  	s18 =	sld [smem:$0x3FD0];
	(tm) =	ssettm $0x1  }
0x92: {  	s4 =	sld [smem:$0x3FFB];
	_ =	sdelay $0x3  }
0x93: {  	_ =	strace s4  }
0x94: {  	s4 =	sld [smem:$0x3FFC];
	_ =	sdelay $0x3  }
0x95: {  	_ =	strace s4  }
0x96: {  	s4 =	sld [smem:$0x3FFD];
	_ =	sdelay $0x3  }
0x97: {  	_ =	strace s4  }
0x98: {  	_ =	strace $0x8FFFFFFF  }
0x99: {  	s19 =	sld [smem:$0x3FDB];
	_ =	sdelay $0x1  }
0x9a: {  	s5 =	simm.s32 $_scs_section_size  }
0x9b: {  	s6 =	simm.s32 $_size__tile_overlayer_lowered;
	s7 =	simm.s32 $_tile_overlayer_lowered  }
0x9c: {  	s22 =	simm.s32 $0x1BFF;
	s21 =	sshll.u32 s7, $0x1;
	s4 =	sadd.s32 s5, s19  }
0x9d: {  	s8 =	simm.s32 $0x0;
	s20 =	sshll.u32 s6, $0x1;
	s6 =	sadd.s32 s21, s4  }
0x9e: {  	[timem:s8], [sflag:s22] =	dma.local [hbm:s6], s20  }
0x9f: {  	_ =	swait.ge [sflag:s22], s20  }
0xa0: {  	s5 =	ssub.s32 $0x0, s20;
	[sflag:s22] =	ssyncset.done $0x0  }
0xa1: {  	[sflag:s22] =	ssyncadd.s32 s5;
	_ =	sdelay $0x1  }
0xa2: {  	s23 =	simm.s32 $0x1B8B  }
0xa3: {  	_ =	swait.ge [sflag:s23], $0x1  }
0xa4: {  	[sflag:s23] =	ssyncset.done $0x0  }
0xa5: {  	s25 =	simm.s32 $0x1B8E;
	s24 =	sld [smem:$0x3FFE];
	[sflag:s23] =	ssyncadd.s32 $0xFFFFFFFF  }
0xa6: {  	s26 =	simm.s32 $execute0_lowered;
	[smem:$0x3FD2] =	sst s25  }
0xa7: {  	s6 =	sshll.u32 s26, $0x1;
	_ =	strace $0x80000046;
	[dreg:$0x1] =	wrdreg $0xFFFFFFFF  }
0xa8: {  	s28 =	simm.s32 $_size_execute0_lowered;
	s4 =	sadd.s32 s4, s6;
	[dreg:$0x0] =	wrdreg $0x0  }
0xa9: {  	s6 =	sshll.u32 s28, $0x1;
	[dreg:$0x2] =	wrdreg s4  }
0xaa: {  	[dreg:$0x3] =	wrdreg s6  }
0xab: {  	[dreg:$0x4] =	wrdreg $0xC0  }
0xac: {  	_ =	task [dreg:s8], $0x5FFFF  }
0xad: {  	[dreg:$0x1] =	wrdreg $0xFFFFFFFF  }
0xae: {  	[dreg:$0x0] =	wrdreg $0x60  }
0xaf: {  	[dreg:$0x2] =	wrdreg s2  }
0xb0: {  	[dreg:$0x3] =	wrdreg s18  }
0xb1: {  	[dreg:$0x4] =	wrdreg s24  }
0xb2: {  	[dreg:$0x5] =	wrdreg $0x0  }
0xb3: {  	[dreg:$0x6] =	wrdreg $0x13C000  }
0xb4: {  	[dreg:$0x7] =	wrdreg $0x9  }
0xb5: {  	_ =	task.clear_ibuf [dreg:s8], $0x8FFFF;
	_ =	strace $0x90000046  }
0xb6: {  	s29 =	simm.s32 $0x9;
	_ =	strace $0x80000048  }
0xb7: {  	_ =	swait.ge [sflag:s29], $0x1  }
0xb8: {  	[sflag:s29] =	ssyncadd.s32 $0xFFFFFFFF  }
0xb9: {  	_ =	strace $0x90000048  }
0xba: {  	_ =	sfence  }
0xbb: {  	s30 =	sld [smem:$0x0];
	_ =	sdelay $0x2  }
0xbc: {  	s31 =	sshll.u32 s1, $0xD;
	s1 =	sshrl.u32 s1, $0x2  }
0xbd: {  	s3 =	sand.u32 $0x4000, s31;
	s1 =	sadd.s32 s1, s30  }
0xbe: {  	s0 =	sor.u32 s3, s0;
	s1 =	sshll.u32 s1, $0x11  }
0xbf: {  	s0 =	sor.u32 s1, s0  }
0xc0: {  	s0 =	sadd.s32 $0x8F2B, s0  }
0xc1: {  	[sflag:s0] =	ssyncadd.remote.s32 $0x1  }
0xc2: {  	_ =	sfence.sel $0xFFFF  }
0xc3: {  	[dreg:$0x0] =	wrdreg $0xFFFFFFFF;
	(pc) =	sbr.abs _section_cstart, $3  }
0xc4: {  	[dreg:$0x1] =	wrdreg $0xFFFFFFFF  }
0xc5: {  	_ =	task.clear_ibuf [dreg:s8], $0x2FFFF;
	_ =	strace $0x9FFFFFFF  }
0xc6: {  	(tm) =	ssettm $0x7FFFFFFF  }
0xc7: {  	_ =	shalt  }
tec
execute0_lowered:
.L_overlay_start_1:
0x0: {  	(tag) =	ssettag $0x1  }
0x1: {  	s1 =	rddreg [dreg:$0x0]  }
0x2: {  	s0 =	rddreg [dreg:$0x1]  }
0x3: {  	s2 =	rddreg [dreg:$0x2]  }
0x4: {  	s3 =	rddreg [dreg:$0x3];
	s18 =	stileid.u32  }
0x5: {  	s4 =	rddreg [dreg:$0x4];
	s6 =	smul.u32 $0x13C00, s18  }
0x6: {  	s5 =	simm.s32 $0x0;
	s7 =	srdreg.scid;
	s12 =	smul.u32 $0x278, s18  }
0x7: {  	s28 =	simm.s32 $0x3;
	s29 =	simm.s32 $0x0;
	s14 =	smul.u32 $0x4F000, s18  }
0x8: {  	[smem:$0x7FF] =	sst s5;
	s7 =	sand.u32 $0x1, s7;
	s23 =	smul.u32 $0xA, s18  }
0x9: {  	s16 =	sadd.s32 $0x3200, s2;
	s13 =	sadd.s32 $0x35000, s2;
	s9 =	smul.u32 $0x13C000, s7  }
0xa: {  	_ =	strace $0x80000047;
	s20 =	sshll.u32 s7, $0x4;
	s21 =	smul.u32 $0x2780, s7  }
0xb: {  	[dreg:$0x6] =	wrdreg s13;
	s22 =	ssub.s32 $0x2, s7;
	s17 =	smul.u32 $0xA0, s7  }
0xc: {  	s8 =	sshrl.u32 s6, $0x3;
	s19 =	sshrl.u32 s12, $0x3;
	s15 =	sshrl.u32 s22, $0x1  }
0xd: {  	s26 =	sshrl.u32 s14, $0x2;
	s10 =	sadd.s32 s8, s2;
	s11 =	sadd.s32 s19, s2  }
0xe: {  	s6 =	sadd.s32 s6, s9;
	s8 =	sor.u32 s18, s20;
	s9 =	sadd.s32 s12, s21  }
0xf: {  	s15 =	ssub.s32 s22, s15;
	s30 =	sadd.s32 s26, s3;
	s13 =	sadd.s32 s23, s17  }
0x10: {  	s12 =	sadd.s32 s12, s4;
	s18 =	simm.s32 $0x1CE78;
	s19 =	simm.s32 $0x4  }
0x11: {  	s20 =	simm.s32 $0x13E78;
	s22 =	simm.s32 $0x1CEF8;
	s23 =	simm.s32 $0x80  }
0x12: {  	s26 =	simm.s32 $0x1;
	s6 =	sshrl.u32 s6, $0x3;
	s8 =	smul.u32 $0x500, s8  }
0x13: {  	s9 =	sshrl.u32 s9, $0x3;
	[dreg:$0x9] =	wrdreg s30;
	s10 =	sadd.s32 $0xD200, s10  }
0x14: {  	s11 =	sadd.s32 $0x34A00, s11;
	s17 =	sshll.u32 s13, $0x7;
	s15 =	smax.u32 s15, $0x1  }
.Ltmp0:
0x15: {  	s6 =	sadd.s32 s6, s2;
	s2 =	sadd.s32 s9, s2;
	(pc) =	sbr.rel .LBB2_1-.Ltmp0, $4  }
0x16: {  	s31 =	sadd.s32 s17, s16;
	s24 =	sadd.s32 s0, s8;
	s25 =	sadd.s32 s16, s8  }
0x17: {  	s13 =	sadd.s32 $0x35C00, s6;
	s14 =	sadd.s32 $0x35200, s2;
	[dreg:$0x7] =	wrdreg s24  }
0x18: {  	s0 =	sadd.s32 s17, s0;
	s2 =	sadd.s32 $0x80, s31;
	[dreg:$0x8] =	wrdreg s25  }
0x19: {  	s21 =	sadd.s32 $0x80, s0;
	s24 =	simm.s32 $0x14E78;
	s25 =	simm.s32 $0x18E78  }
.LBB2_7:
0x1a: {  	_ =	swait.ge [sflag:s28], $0x80  }
0x1b: {  	[sflag:s28] =	ssyncset.done $0x0  }
0x1c: {  	[sflag:s28] =	ssyncadd.s32 $0xFFFFFF80  }
0x1d: {  	_ =	swait.ge [sflag:s28], $0x80  }
0x1e: {  	[sflag:s28] =	ssyncset.done $0x0  }
0x1f: {  	[sflag:s28] =	ssyncadd.s32 $0xFFFFFF80  }
0x20: {  	_ =	swait.ge [sflag:s28], $0x80  }
0x21: {  	[sflag:s28] =	ssyncset.done $0x0  }
0x22: {  	[sflag:s28] =	ssyncadd.s32 $0xFFFFFF80  }
0x23: {  	_ =	swait.ge [sflag:s28], $0x80  }
0x24: {  	[sflag:s28] =	ssyncset.done $0x0  }
0x25: {  	[sflag:s28] =	ssyncadd.s32 $0xFFFFFF80  }
0x26: {  	_ =	swait.ge [sflag:s28], $0x80  }
0x27: {  	[sflag:s28] =	ssyncset.done $0x0  }
0x28: {  	[sflag:s28] =	ssyncadd.s32 $0xFFFFFF80  }
0x29: {  	_ =	swait.ge [sflag:s28], $0x80  }
0x2a: {  	[sflag:s28] =	ssyncset.done $0x0  }
0x2b: {  	[sflag:s28] =	ssyncadd.s32 $0xFFFFFF80  }
0x2c: {  	_ =	swait.ge [sflag:s28], $0x80  }
0x2d: {  	[sflag:s28] =	ssyncset.done $0x0  }
0x2e: {  	[sflag:s28] =	ssyncadd.s32 $0xFFFFFF80  }
0x2f: {  	_ =	swait.ge [sflag:s28], $0x80  }
0x30: {  	[sflag:s28] =	ssyncset.done $0x0  }
0x31: {  	[sflag:s28] =	ssyncadd.s32 $0xFFFFFF80  }
0x32: {  	_ =	swait.ge [sflag:s28], $0x80  }
0x33: {  	[sflag:s28] =	ssyncset.done $0x0  }
0x34: {  	[sflag:s28] =	ssyncadd.s32 $0xFFFFFF80  }
0x35: {  	_ =	swait.ge [sflag:s28], $0x80  }
0x36: {  	[sflag:s28] =	ssyncset.done $0x0  }
0x37: {  	[sflag:s28] =	ssyncadd.s32 $0xFFFFFF80  }
0x38: {  	_ =	swait.ge [sflag:s28], $0x80  }
0x39: {  	[sflag:s28] =	ssyncset.done $0x0  }
0x3a: {  	[sflag:s28] =	ssyncadd.s32 $0xFFFFFF80  }
0x3b: {  	_ =	swait.ge [sflag:s28], $0x80  }
0x3c: {  	[sflag:s28] =	ssyncset.done $0x0  }
0x3d: {  	[sflag:s28] =	ssyncadd.s32 $0xFFFFFF80  }
0x3e: {  	_ =	swait.ge [sflag:s28], $0x80  }
0x3f: {  	[sflag:s28] =	ssyncset.done $0x0  }
0x40: {  	[sflag:s28] =	ssyncadd.s32 $0xFFFFFF80  }
0x41: {  	_ =	swait.ge [sflag:s28], $0x80  }
0x42: {  	[sflag:s28] =	ssyncset.done $0x0  }
0x43: {  	[sflag:s28] =	ssyncadd.s32 $0xFFFFFF80  }
0x44: {  	_ =	swait.ge [sflag:s28], $0x80  }
0x45: {  	[sflag:s28] =	ssyncset.done $0x0  }
0x46: {  	[sflag:s28] =	ssyncadd.s32 $0xFFFFFF80  }
0x47: {  	_ =	swait.ge [sflag:s28], $0x80  }
0x48: {  	[sflag:s28] =	ssyncset.done $0x0  }
0x49: {  	[sflag:s28] =	ssyncadd.s32 $0xFFFFFF80  }
0x4a: {  	[bflag:$0x0] =	sbarrier.arrive $0xFFFF  }
0x4b: {  	[hbm:s13], [sflag:s30] =	dma.local [spmem:s31], $0x2780  }
0x4c: {  	_ =	swait.ge [sflag:s19], $0x2780  }
0x4d: {  	[sflag:s19] =	ssyncset.done $0x0  }
0x4e: {  	[sflag:s19] =	ssyncadd.s32 $0xFFFFD880  }
0x4f: {  	[tilespmem:s22], [sflag:$0x4] =	stream.linear.gather [spmem:s12], $0x278, $0x38;
	[tilespmem:$0x1D178] =	vst v63  }
0x50: {  	s29 =	sadd.s32 $0x1, s29;
	_ =	swait.ge [sflag:s19], $0x278  }
0x51: {  	p0 =	sne.s32 s29, s15;
	[sflag:s19] =	ssyncset.done $0x0  }
.Ltmp1:
0x52: {  	[sflag:s19] =	ssyncadd.s32 $0xFFFFFD88;
	(pc) =	sbr.rel @!p0 .LBB2_8-.Ltmp1, $4  }
0x53: {  	[hbm4b:s14+s5] =	stream.linear.scatter [tilespmem:s22], [sflag:$0x4], $0x278, $0x38;
	[tilespmem:$0x1D178] =	vst v63  }
0x54: {  	_ =	swait.ge [sflag:s19], $0x278  }
0x55: {  	[sflag:s19] =	ssyncset.done $0x0  }
0x56: {  	[sflag:s19] =	ssyncadd.s32 $0xFFFFFD88  }
.LBB2_1:
0x57: {  	s0 =	rddreg [dreg:$0x6]  }
0x58: {  	[tilespmem:s18], [sflag:$0x4] =	stream.linear.gather [hbm4b:s0+s5], $0x80, $0x38;
	[tilespmem:$0x1D178] =	vst v63  }
0x59: {  	_ =	swait.ge [sflag:s19], $0x80  }
0x5a: {  	[sflag:s19] =	ssyncset.done $0x0  }
0x5b: {  	s8 =	rddreg [dreg:$0x7];
	[sflag:s19] =	ssyncadd.s32 $0xFFFFFF80  }
0x5c: {  	[tilespmem:s20], [sflag:$0x4] =	stream.linear.gather [hbm4b:s8+s5], $0x400, $0x38;
	[tilespmem:$0x1D178] =	vst v63  }
0x5d: {  	_ =	swait.ge [sflag:s19], $0x400  }
0x5e: {  	[sflag:s19] =	ssyncset.done $0x0  }
0x5f: {  	s6 =	simm.s32 $0x14678;
	s9 =	rddreg [dreg:$0x8];
	[sflag:s19] =	ssyncadd.s32 $0xFFFFFC00  }
0x60: {  	[tilespmem:s6], [sflag:$0x4] =	stream.linear.gather [hbm4b:s9+s5], $0x400, $0x38;
	[tilespmem:$0x1D178] =	vst v63  }
0x61: {  	s16 =	stileid.u32;
	_ =	swait.ge [sflag:s19], $0x400  }
0x62: {  	s0 =	sshll.u32 s16, $0x6;
	[sflag:s19] =	ssyncset.done $0x0;
	s17 =	rddreg [dreg:$0x9]  }
0x63: {  	s30 =	sor.u32 $0x1C04, s0;
	[sflag:s19] =	ssyncadd.s32 $0xFFFFFC00;
	s31 =	sshrl.u32 s17, $0x3  }
0x64: {  	[spmem:s31], [sflag:s30] =	dma.local [hbm:s10], $0x2780  }
0x65: {  	_ =	swait.ge [sflag:s19], $0x2780  }
0x66: {  	[sflag:s19] =	ssyncset.done $0x0  }
0x67: {  	[sflag:s19] =	ssyncadd.s32 $0xFFFFD880  }
0x68: {  	[tilespmem:s22], [sflag:$0x4] =	stream.linear.gather [hbm4b:s11+s5], $0x278, $0x38;
	[tilespmem:$0x1D178] =	vst v63  }
0x69: {  	_ =	swait.ge [sflag:s19], $0x278  }
0x6a: {  	[sflag:s19] =	ssyncset.done $0x0  }
0x6b: {  	[sflag:s19] =	ssyncadd.s32 $0xFFFFFD88  }
0x6c: {  	[spmem:s12] =	stream.linear.scatter [tilespmem:s22], [sflag:$0x4], $0x278, $0x38;
	[tilespmem:$0x1D178] =	vst v63  }
.Ltmp2:
0x6d: {  	_ =	swait.ge [sflag:s19], $0x278;
	(pc) =	sbr.rel .LBB2_2-.Ltmp2, $4  }
0x6e: {  	[sflag:s19] =	ssyncset.done $0x0  }
0x6f: {  	s16 =	smov.u32 s21;
	[sflag:s19] =	ssyncadd.s32 $0xFFFFFD88  }
0x70: {  	s0 =	simm.s32 $0x400;
	s17 =	smov.u32 s2;
	[bflag:$0x0] =	sbarrier.arrive $0xFFFF  }
0x71: {  	[tilespmem:s24], [sflag:$0x1] =	stream.indirect.gather [hbm4b:s1+s23], $0x80, s20, s23, $0xb8;
	[tilespmem:$0x1D178] =	vst v63  }
.LBB2_5:
0x72: {  	s6 =	sand.u32 $0x400, s0  }
0x73: {  	s7 =	sadd.s32 $0x13E78, s6  }
0x74: {  	[tilespmem:s7], [sflag:$0x2] =	stream.linear.gather [hbm4b:s16+s5], $0x400, $0x38;
	[tilespmem:$0x1D178] =	vst v63  }
0x75: {  	s6 =	sadd.s32 $0x14678, s6  }
0x76: {  	[tilespmem:s6], [sflag:$0x2] =	stream.linear.gather [hbm4b:s17+s5], $0x400, $0x38;
	[tilespmem:$0x1D178] =	vst v63  }
.LBB2_6:
0x77: {  	s6 =	sadd.s32 $0xFFFFFC00, s0  }
0x78: {  	s6 =	sand.u32 $0x400, s6  }
0x79: {  	s7 =	sadd.s32 $0x13EF8, s6  }
0x7a: {  	[tilespmem:s25], [sflag:$0x1] =	stream.indirect.gather [hbm4b:s1+s23], $0x80, s7, s23, $0xb8;
	[tilespmem:$0x1D178] =	vst v63  }
0x7b: {  	s8 =	sadd.s32 $0x14678, s6  }
0x7c: {  	[spmem:s4] =	stream.indirect.scatter.add.f32 [tilespmem:s18], [sflag:$0x3], $0x1, s8, s23, $0xb8;
	[tilespmem:$0x1D178] =	vst v63  }
0x7d: {  	_ =	swait.ge [sflag:s26], $0x4000  }
0x7e: {  	[sflag:s26] =	ssyncset.done $0x0  }
0x7f: {  	[sflag:s26] =	ssyncadd.s32 $0xFFFFC000  }
0x80: {  	[spmem:s3] =	stream.indirect.scatter.add.f32 [tilespmem:s24], [sflag:$0x4], $0x80, s8, s23, $0xb8;
	[tilespmem:$0x1D178] =	vst v63  }
0x81: {  	_ =	swait.ge [sflag:s19], $0x4000  }
0x82: {  	[sflag:s19] =	ssyncset.done $0x0  }
0x83: {  	s9 =	sadd.s32 $0x13F78, s6;
	[sflag:s19] =	ssyncadd.s32 $0xFFFFC000  }
0x84: {  	[tilespmem:s24], [sflag:$0x1] =	stream.indirect.gather [hbm4b:s1+s23], $0x80, s9, s23, $0xb8;
	[tilespmem:$0x1D178] =	vst v63  }
0x85: {  	s8 =	sadd.s32 $0x146F8, s6  }
0x86: {  	[spmem:s4] =	stream.indirect.scatter.add.f32 [tilespmem:s18], [sflag:$0x3], $0x1, s8, s23, $0xb8;
	[tilespmem:$0x1D178] =	vst v63  }
0x87: {  	_ =	swait.ge [sflag:s26], $0x4000  }
0x88: {  	[sflag:s26] =	ssyncset.done $0x0  }
0x89: {  	[sflag:s26] =	ssyncadd.s32 $0xFFFFC000  }
0x8a: {  	[spmem:s3] =	stream.indirect.scatter.add.f32 [tilespmem:s25], [sflag:$0x4], $0x80, s8, s23, $0xb8;
	[tilespmem:$0x1D178] =	vst v63  }
0x8b: {  	_ =	swait.ge [sflag:s19], $0x4000  }
0x8c: {  	[sflag:s19] =	ssyncset.done $0x0  }
0x8d: {  	s9 =	sadd.s32 $0x13FF8, s6;
	[sflag:s19] =	ssyncadd.s32 $0xFFFFC000  }
0x8e: {  	[tilespmem:s25], [sflag:$0x1] =	stream.indirect.gather [hbm4b:s1+s23], $0x80, s9, s23, $0xb8;
	[tilespmem:$0x1D178] =	vst v63  }
0x8f: {  	s8 =	sadd.s32 $0x14778, s6  }
0x90: {  	[spmem:s4] =	stream.indirect.scatter.add.f32 [tilespmem:s18], [sflag:$0x3], $0x1, s8, s23, $0xb8;
	[tilespmem:$0x1D178] =	vst v63  }
0x91: {  	_ =	swait.ge [sflag:s26], $0x4000  }
0x92: {  	[sflag:s26] =	ssyncset.done $0x0  }
0x93: {  	[sflag:s26] =	ssyncadd.s32 $0xFFFFC000  }
0x94: {  	[spmem:s3] =	stream.indirect.scatter.add.f32 [tilespmem:s24], [sflag:$0x4], $0x80, s8, s23, $0xb8;
	[tilespmem:$0x1D178] =	vst v63  }
0x95: {  	_ =	swait.ge [sflag:s19], $0x4000  }
0x96: {  	[sflag:s19] =	ssyncset.done $0x0  }
0x97: {  	s9 =	sor.u32 $0x14078, s6;
	[sflag:s19] =	ssyncadd.s32 $0xFFFFC000  }
0x98: {  	[tilespmem:s24], [sflag:$0x1] =	stream.indirect.gather [hbm4b:s1+s23], $0x80, s9, s23, $0xb8;
	[tilespmem:$0x1D178] =	vst v63  }
0x99: {  	s8 =	sadd.s32 $0x147F8, s6  }
0x9a: {  	[spmem:s4] =	stream.indirect.scatter.add.f32 [tilespmem:s18], [sflag:$0x3], $0x1, s8, s23, $0xb8;
	[tilespmem:$0x1D178] =	vst v63  }
0x9b: {  	_ =	swait.ge [sflag:s26], $0x4000  }
0x9c: {  	[sflag:s26] =	ssyncset.done $0x0  }
0x9d: {  	[sflag:s26] =	ssyncadd.s32 $0xFFFFC000  }
0x9e: {  	[spmem:s3] =	stream.indirect.scatter.add.f32 [tilespmem:s25], [sflag:$0x4], $0x80, s8, s23, $0xb8;
	[tilespmem:$0x1D178] =	vst v63  }
0x9f: {  	_ =	swait.ge [sflag:s19], $0x4000  }
0xa0: {  	[sflag:s19] =	ssyncset.done $0x0  }
0xa1: {  	s9 =	sor.u32 $0x140F8, s6;
	[sflag:s19] =	ssyncadd.s32 $0xFFFFC000  }
0xa2: {  	[tilespmem:s25], [sflag:$0x1] =	stream.indirect.gather [hbm4b:s1+s23], $0x80, s9, s23, $0xb8;
	[tilespmem:$0x1D178] =	vst v63  }
0xa3: {  	s8 =	sor.u32 $0x14878, s6  }
0xa4: {  	[spmem:s4] =	stream.indirect.scatter.add.f32 [tilespmem:s18], [sflag:$0x3], $0x1, s8, s23, $0xb8;
	[tilespmem:$0x1D178] =	vst v63  }
0xa5: {  	_ =	swait.ge [sflag:s26], $0x4000  }
0xa6: {  	[sflag:s26] =	ssyncset.done $0x0  }
0xa7: {  	[sflag:s26] =	ssyncadd.s32 $0xFFFFC000  }
0xa8: {  	[spmem:s3] =	stream.indirect.scatter.add.f32 [tilespmem:s24], [sflag:$0x4], $0x80, s8, s23, $0xb8;
	[tilespmem:$0x1D178] =	vst v63  }
0xa9: {  	_ =	swait.ge [sflag:s19], $0x4000  }
0xaa: {  	[sflag:s19] =	ssyncset.done $0x0  }
0xab: {  	s9 =	sor.u32 $0x14178, s6;
	[sflag:s19] =	ssyncadd.s32 $0xFFFFC000  }
0xac: {  	[tilespmem:s24], [sflag:$0x1] =	stream.indirect.gather [hbm4b:s1+s23], $0x80, s9, s23, $0xb8;
	[tilespmem:$0x1D178] =	vst v63  }
0xad: {  	s8 =	sor.u32 $0x148F8, s6  }
0xae: {  	[spmem:s4] =	stream.indirect.scatter.add.f32 [tilespmem:s18], [sflag:$0x3], $0x1, s8, s23, $0xb8;
	[tilespmem:$0x1D178] =	vst v63  }
0xaf: {  	_ =	swait.ge [sflag:s26], $0x4000  }
0xb0: {  	[sflag:s26] =	ssyncset.done $0x0  }
0xb1: {  	[sflag:s26] =	ssyncadd.s32 $0xFFFFC000  }
0xb2: {  	[spmem:s3] =	stream.indirect.scatter.add.f32 [tilespmem:s25], [sflag:$0x4], $0x80, s8, s23, $0xb8;
	[tilespmem:$0x1D178] =	vst v63  }
0xb3: {  	_ =	swait.ge [sflag:s19], $0x4000  }
0xb4: {  	[sflag:s19] =	ssyncset.done $0x0  }
0xb5: {  	s9 =	sor.u32 $0x141F8, s6;
	[sflag:s19] =	ssyncadd.s32 $0xFFFFC000  }
0xb6: {  	[tilespmem:s25], [sflag:$0x1] =	stream.indirect.gather [hbm4b:s1+s23], $0x80, s9, s23, $0xb8;
	[tilespmem:$0x1D178] =	vst v63  }
0xb7: {  	s8 =	sor.u32 $0x14978, s6  }
0xb8: {  	[spmem:s4] =	stream.indirect.scatter.add.f32 [tilespmem:s18], [sflag:$0x3], $0x1, s8, s23, $0xb8;
	[tilespmem:$0x1D178] =	vst v63  }
0xb9: {  	_ =	swait.ge [sflag:s26], $0x4000  }
0xba: {  	[sflag:s26] =	ssyncset.done $0x0  }
0xbb: {  	[sflag:s26] =	ssyncadd.s32 $0xFFFFC000  }
0xbc: {  	[spmem:s3] =	stream.indirect.scatter.add.f32 [tilespmem:s24], [sflag:$0x4], $0x80, s8, s23, $0xb8;
	[tilespmem:$0x1D178] =	vst v63  }
0xbd: {  	_ =	swait.ge [sflag:s19], $0x4000  }
0xbe: {  	p0 =	seq.s32 s0, $0x2800;
	[sflag:s19] =	ssyncset.done $0x0  }
0xbf: {  	s7 =	simm.s32 @!p0 $0x2;
	[sflag:s19] =	ssyncadd.s32 $0xFFFFC000  }
0xc0: {  	_ =	swait.ge @!p0 [sflag:s7], $0x400  }
0xc1: {  	[sflag:s7] =	ssyncset.done @!p0 $0x0  }
0xc2: {  	[sflag:s7] =	ssyncadd.s32 @!p0 $0xFFFFFC00  }
0xc3: {  	s9 =	simm.s32 @!p0 $0x14E78;
	_ =	swait.ge @!p0 [sflag:s7], $0x400  }
0xc4: {  	s8 =	sor.u32 $0x380, s6;
	s6 =	sxor.u32 @!p0 $0x400, s6;
	[sflag:s7] =	ssyncset.done @!p0 $0x0  }
0xc5: {  	s6 =	sadd.s32 @!p0 $0x13E78, s6;
	[sflag:s7] =	ssyncadd.s32 @!p0 $0xFFFFFC00;
	s7 =	simm.s32 @!p0 $0x80  }
0xc6: {  	[tilespmem:s9], [sflag:$0x1] =	stream.indirect.gather @!p0 [hbm4b:s1+s7], $0x80, s6, s7, $0xb8;
	[tilespmem:$0x1D178] =	vst v63  }
0xc7: {  	s9 =	sadd.s32 $0x14678, s8  }
0xc8: {  	[spmem:s4] =	stream.indirect.scatter.add.f32 [tilespmem:s18], [sflag:$0x3], $0x1, s9, s23, $0xb8;
	[tilespmem:$0x1D178] =	vst v63  }
0xc9: {  	s0 =	sadd.s32 $0x400, s0;
	_ =	swait.ge [sflag:s26], $0x4000  }
0xca: {  	p0 =	sne.s32 s0, $0x2C00;
	[sflag:s26] =	ssyncset.done $0x0  }
.Ltmp3:
0xcb: {  	[sflag:s26] =	ssyncadd.s32 $0xFFFFC000;
	(pc) =	sbr.rel @!p0 .LBB2_7-.Ltmp3, $4  }
0xcc: {  	[spmem:s3] =	stream.indirect.scatter.add.f32 [tilespmem:s25], [sflag:$0x4], $0x80, s9, s23, $0xb8;
	[tilespmem:$0x1D178] =	vst v63  }
0xcd: {  	_ =	swait.ge [sflag:s19], $0x4000  }
0xce: {  	[sflag:s19] =	ssyncset.done $0x0  }
0xcf: {  	s16 =	sadd.s32 $0x80, s16;
	s17 =	sadd.s32 $0x80, s17;
	[sflag:s19] =	ssyncadd.s32 $0xFFFFC000  }
.LBB2_2:
0xd0: {  	p0 =	seq.s32 s0, $0x400  }
.Ltmp4:
0xd1: {  	_ = 	snop;
	(pc) =	sbr.rel @p0 .LBB2_5-.Ltmp4, $1  }
0xd2: {  	_ =	sdelay $0x3  }
0xd3: {  	p0 =	seq.s32 s0, $0x2800  }
.Ltmp5:
0xd4: {  	_ = 	snop;
	(pc) =	sbr.rel @p0 .LBB2_6-.Ltmp5, $1  }
0xd5: {  	_ =	sdelay $0x3  }
0xd6: {  	_ =	swait.ge [sflag:s28], $0x80  }
0xd7: {  	[sflag:s28] =	ssyncset.done $0x0  }
0xd8: {  	[sflag:s28] =	ssyncadd.s32 $0xFFFFFF80  }
0xd9: {  	_ =	swait.ge [sflag:s28], $0x80  }
0xda: {  	[sflag:s28] =	ssyncset.done $0x0  }
0xdb: {  	[sflag:s28] =	ssyncadd.s32 $0xFFFFFF80  }
0xdc: {  	_ =	swait.ge [sflag:s28], $0x80  }
0xdd: {  	[sflag:s28] =	ssyncset.done $0x0  }
0xde: {  	[sflag:s28] =	ssyncadd.s32 $0xFFFFFF80  }
0xdf: {  	_ =	swait.ge [sflag:s28], $0x80  }
0xe0: {  	[sflag:s28] =	ssyncset.done $0x0  }
0xe1: {  	[sflag:s28] =	ssyncadd.s32 $0xFFFFFF80  }
0xe2: {  	_ =	swait.ge [sflag:s28], $0x80  }
0xe3: {  	[sflag:s28] =	ssyncset.done $0x0  }
0xe4: {  	[sflag:s28] =	ssyncadd.s32 $0xFFFFFF80  }
0xe5: {  	_ =	swait.ge [sflag:s28], $0x80  }
0xe6: {  	[sflag:s28] =	ssyncset.done $0x0  }
0xe7: {  	[sflag:s28] =	ssyncadd.s32 $0xFFFFFF80  }
0xe8: {  	_ =	swait.ge [sflag:s28], $0x80  }
.Ltmp6:
0xe9: {  	[sflag:s28] =	ssyncset.done $0x0;
	(pc) =	sbr.rel .LBB2_5-.Ltmp6, $4  }
0xea: {  	[sflag:s28] =	ssyncadd.s32 $0xFFFFFF80  }
0xeb: {  	_ =	swait.ge [sflag:s28], $0x80  }
0xec: {  	[sflag:s28] =	ssyncset.done $0x0  }
0xed: {  	[sflag:s28] =	ssyncadd.s32 $0xFFFFFF80  }
.LBB2_8:
0xee: {  	_ =	sfence.sel $0x180000  }
0xef: {  	[bflag:$0x0] =	sbarrier.arrive $0xFFFF  }
0xf0: {  	_ =	strace $0x90000047  }
0xf1: {  	s0 =	stileid.u32;
	[bflag:$0x2] =	sbarrier.arrive $0xFFFF  }
0xf2: {  	p0 =	sne.s32 s0, $0x0;
	s0 =	rddreg [dreg:$0x5]  }
0xf3: {  	s0 =	sadd.s32 @!p0 $0x100000, s0  }
0xf4: {  	[sflag:s0] =	ssyncadd.tile.s32 @!p0 $0x1;
	_ =	shalt  }
.Lfunc_end2:
_tile_overlayer_lowered:
.L_overlay_start_2:
0xf5: {  	(tag) =	ssettag $0x2  }
0xf6: {  	s0 =	rddreg [dreg:$0x0];
	s2 =	stileid.u32  }
0xf7: {  	s1 =	rddreg [dreg:$0x1];
	p0 =	sne.s32 s2, $0x0  }
0xf8: {  	s3 =	rddreg [dreg:$0x2];
	[bflag:$0x3] =	sbarrier.arrive $0xFFFF;
	s2 =	simm.s32 @!p0 $0x1C04  }
0xf9: {  	[timem:s3], [sflag:s2] =	dma.local @!p0 [hbm:s0], s1  }
0xfa: {  	s0 =	simm.s32 @!p0 $0x4  }
0xfb: {  	_ =	swait.ge @!p0 [sflag:s0], s1  }
0xfc: {  	s1 =	ssub.s32 @!p0 $0x0, s1;
	[sflag:s0] =	ssyncset.done @!p0 $0x0  }
0xfd: {  	[sflag:s0] =	ssyncadd.s32 @!p0 s1  }
0xfe: {  	[bflag:$0x3] =	sbarrier.arrive $0xFFFF  }
0xff: {  	_ =	shalt  }

// kernel: kernel.13.cloned.1.call-start
scs
__scs_entry_jumppad:
0x0: {  	(pc) =	sbr.rel $0x88, $3  }
0x1: {  	(tag) =	ssettag $0x0;
	lr =	simm.s32 $0x1  }
0x2: {  	[smem:$0x3F99] =	sst lr;
	_ =	strace $0xD0000000  }
0x3: {  	_ = 	snop  }
0x4: {  	_ = 	snop  }
0x5: {  	_ = 	snop  }
0x6: {  	_ = 	snop  }
0x7: {  	_ = 	snop  }
__scs_overlays_trampoline_lowered:
0x8: {  	[smem:$0x3FA8] =	sst s0  }
0x9: {  	[smem:$0x3FA9] =	sst s1  }
0xa: {  	[smem:$0x3FAA] =	sst s2  }
0xb: {  	[smem:$0x3FAB] =	sst s3  }
0xc: {  	[smem:$0x3FAC] =	sst s4  }
0xd: {  	[smem:$0x3FAD] =	sst s5  }
0xe: {  	[smem:$0x3FAE] =	sst s6  }
0xf: {  	[smem:$0x3FAF] =	sst s7  }
0x10: {  	[smem:$0x3FB0] =	sst s8  }
0x11: {  	[smem:$0x3FB1] =	sst s9;
	s0 =	simm.s32 @!p0 $0x0  }
0x12: {  	s1 =	sld [smem:$0x3F97];
	s0 =	simm.s32 @p0 $0x1  }
0x13: {  	[smem:$0x3FB2] =	sst s0;
	s0 =	simm.s32 @!p1 $0x0  }
0x14: {  	s2 =	sld [smem:$0x3F96];
	s0 =	simm.s32 @p1 $0x1  }
0x15: {  	[smem:$0x3FB3] =	sst s0;
	s0 =	simm.s32 @!p2 $0x0  }
0x16: {  	s3 =	sld [smem:$0x3FDB];
	s0 =	simm.s32 @p2 $0x1  }
0x17: {  	s4 =	simm.s32 $0x1BF5;
	[smem:$0x3FB5] =	sst s0  }
0x18: {  	s0 =	sld [smem:$0x3F98];
	_ =	swait.ge [sflag:s4], $0x0  }
0x19: {  	s7 =	sld [smem:$0x3F99]  }
0x1a: {  	s8 =	sadd.s32 $0xFFFFE003, lr  }
0x1b: {  	s9 =	sadd.s32 $0xFFFFFEF7, lr;
	s5 =	simm.s32 $0xFFFFFFFF;
	p2 =	slt.u32 s8, $0xFFFFF086  }
0x1c: {  	p1 =	slt.u32 s9, $0xF7A;
	s5 =	simm.s32 @!p2 $0x0  }
0x1d: {  	s5 =	simm.s32 @p1 $0x1;
	p0 =	seq.s32 s7, s2  }
0x1e: {  	s7 =	smul.u32 @!p0 $0xF7A, s2;
	p2 =	seq.s32 @!p0 s5, $0x0  }
0x1f: {  	s9 =	smul.u32 $0xF7A, s1;
	s8 =	simm.s32 @!p0 $0x1BF5;
	p2 =	por !p2, p0  }
0x20: {  	[sflag:s8] =	ssyncset.s32 @!p0 $0xFFFFF086;
	s6 =	sadd.s32 @!p0 s3, s7;
	s7 =	simm.s32 @!p0 $0x108  }
0x21: {  	s3 =	sadd.s32 s3, s9;
	s6 =	sadd.s32 @!p0 $0x88, s6;
	s7 =	simm.s32 @p2 $0x1082  }
0x22: {  	[simem:s7], [sflag:s8] =	dma.local @!p0 [hbm:s6], $0xF7A  }
0x23: {  	s9 =	sor.u32 $0xD0000000, s2;
	s6 =	simm.s32 $0x108;
	_ =	swait.ge @!p0 [sflag:s8], $0x0  }
0x24: {  	s3 =	sadd.s32 $0x88, s3;
	s6 =	simm.s32 @!p1 $0x1082;
	[sflag:s4] =	ssyncset.s32 $0xFFFFF086  }
0x25: {  	[simem:s6], [sflag:s4] =	dma.local [hbm:s3], $0xF7A  }
0x26: {  	[smem:$0x3F99] =	sst s1;
	(tag) =	ssettag s2;
	_ =	strace s9  }
0x27: {  	s1 =	sld [smem:$0x3FA9]  }
0x28: {  	s2 =	sld [smem:$0x3FAA]  }
0x29: {  	s4 =	sld [smem:$0x3FAC]  }
0x2a: {  	p0 =	seq.s32 s5, $0x0;
	s5 =	sld [smem:$0x3FAD]  }
0x2b: {  	s6 =	sld [smem:$0x3FAE]  }
0x2c: {  	s7 =	sld [smem:$0x3FAF]  }
0x2d: {  	s3 =	simm.s32 $0x108;
	s8 =	sld [smem:$0x3FB0]  }
0x2e: {  	s3 =	simm.s32 @!p0 $0x1082;
	s9 =	sld [smem:$0x3FB1]  }
0x2f: {  	lr =	sadd.s32 s0, s3;
	s0 =	sld [smem:$0x3FA8]  }
0x30: {  	s3 =	sld [smem:$0x3FAB]  }
0x31: {  	[smem:$0x3FB4] =	sst s10  }
0x32: {  	s10 =	sld [smem:$0x3FB2];
	_ =	sdelay $0x3  }
0x33: {  	p0 =	seq.s32 s10, $0x1;
	s10 =	sld [smem:$0x3FB4];
	_ =	sdelay $0x3  }
0x34: {  	[smem:$0x3FB4] =	sst s10  }
0x35: {  	s10 =	sld [smem:$0x3FB3];
	_ =	sdelay $0x3  }
0x36: {  	p1 =	seq.s32 s10, $0x1;
	s10 =	sld [smem:$0x3FB4];
	_ =	sdelay $0x3  }
0x37: {  	[smem:$0x3FB4] =	sst s10  }
0x38: {  	s10 =	sld [smem:$0x3FB5]  }
0x39: {  	_ = 	snop;
	(pc) =	sbr.ind lr, $3  }
0x3a: {  	_ = 	snop  }
0x3b: {  	_ = 	snop  }
0x3c: {  	p2 =	seq.s32 s10, $0x1;
	s10 =	sld [smem:$0x3FB4]  }
0x3d: {  	_ =	shalt  }
0x3e: {  	_ =	shalt  }
0x3f: {  	_ =	shalt  }
0x40: {  	_ =	shalt  }
0x41: {  	_ =	shalt  }
0x42: {  	_ =	shalt  }
0x43: {  	_ =	shalt  }
0x44: {  	_ =	shalt  }
0x45: {  	_ =	shalt  }
0x46: {  	_ =	shalt  }
0x47: {  	_ =	shalt  }
0x48: {  	_ =	shalt  }
0x49: {  	_ =	shalt  }
0x4a: {  	_ =	shalt  }
0x4b: {  	_ =	shalt  }
0x4c: {  	_ =	shalt  }
0x4d: {  	_ =	shalt  }
0x4e: {  	_ =	shalt  }
0x4f: {  	_ =	shalt  }
0x50: {  	_ =	shalt  }
0x51: {  	_ =	shalt  }
0x52: {  	_ =	shalt  }
0x53: {  	_ =	shalt  }
0x54: {  	_ =	shalt  }
0x55: {  	_ =	shalt  }
0x56: {  	_ =	shalt  }
0x57: {  	_ =	shalt  }
0x58: {  	_ =	shalt  }
0x59: {  	_ =	shalt  }
0x5a: {  	_ =	shalt  }
0x5b: {  	_ =	shalt  }
0x5c: {  	_ =	shalt  }
0x5d: {  	_ =	shalt  }
0x5e: {  	_ =	shalt  }
0x5f: {  	_ =	shalt  }
0x60: {  	_ =	shalt  }
0x61: {  	_ =	shalt  }
0x62: {  	_ =	shalt  }
0x63: {  	_ =	shalt  }
0x64: {  	_ =	shalt  }
0x65: {  	_ =	shalt  }
0x66: {  	_ =	shalt  }
0x67: {  	_ =	shalt  }
0x68: {  	_ =	shalt  }
0x69: {  	_ =	shalt  }
0x6a: {  	_ =	shalt  }
0x6b: {  	_ =	shalt  }
0x6c: {  	_ =	shalt  }
0x6d: {  	_ =	shalt  }
0x6e: {  	_ =	shalt  }
0x6f: {  	_ =	shalt  }
0x70: {  	_ =	shalt  }
0x71: {  	_ =	shalt  }
0x72: {  	_ =	shalt  }
0x73: {  	_ =	shalt  }
0x74: {  	_ =	shalt  }
0x75: {  	_ =	shalt  }
0x76: {  	_ =	shalt  }
0x77: {  	_ =	shalt  }
0x78: {  	_ =	shalt  }
0x79: {  	_ =	shalt  }
0x7a: {  	_ =	shalt  }
0x7b: {  	_ =	shalt  }
0x7c: {  	_ =	shalt  }
0x7d: {  	_ =	shalt  }
0x7e: {  	_ =	shalt  }
0x7f: {  	_ =	shalt  }
0x80: {  	_ =	shalt  }
0x81: {  	_ =	shalt  }
0x82: {  	_ =	shalt  }
0x83: {  	_ =	shalt  }
0x84: {  	_ =	shalt  }
0x85: {  	_ =	shalt  }
0x86: {  	_ =	shalt  }
0x87: {  	_ =	shalt  }
.Lfunc_end0:
.L_simem_size_0:
called_computation.1_lowered:
.L_overlay_start_0:
0x88: {  	s2 =	sld [smem:$0x3FD9]  }
0x89: {  	s3 =	sld [smem:$0x3FFE];
	_ =	sdelay $0x1  }
0x8a: {  	s1 =	srdreg.scid  }
0x8b: {  	s0 =	sand.u32 $0x1, s1  }
0x8c: {  	s17 =	sshll.u32 s0, $0xA;
	s2 =	sadd.s32 s3, s2  }
0x8d: {  	s2 =	sadd.s32 s2, s17  }
0x8e: {  	[smem:$0x3FC0] =	sst s2  }
0x8f: {  	_ = 	snop  }
0x90: {  	s2 =	sld [smem:$0x3FD0];
	(tm) =	ssettm $0x1  }
0x91: {  	s18 =	sld [smem:$0x3FFB];
	_ =	sdelay $0x3  }
0x92: {  	_ =	strace s18  }
0x93: {  	s3 =	sld [smem:$0x3FFC];
	_ =	sdelay $0x3  }
0x94: {  	_ =	strace s3  }
0x95: {  	s3 =	sld [smem:$0x3FFD];
	_ =	sdelay $0x3  }
0x96: {  	_ =	strace s3  }
0x97: {  	_ =	strace $0x8FFFFFFF  }
0x98: {  	s19 =	sld [smem:$0x3FDB];
	_ =	sdelay $0x1  }
0x99: {  	s4 =	simm.s32 $_scs_section_size  }
0x9a: {  	s5 =	simm.s32 $_size__tile_overlayer_lowered;
	s6 =	simm.s32 $_tile_overlayer_lowered  }
0x9b: {  	s22 =	simm.s32 $0x1BFF;
	s21 =	sshll.u32 s6, $0x1;
	s3 =	sadd.s32 s4, s19  }
0x9c: {  	s7 =	simm.s32 $0x0;
	s20 =	sshll.u32 s5, $0x1;
	s5 =	sadd.s32 s21, s3  }
0x9d: {  	[timem:s7], [sflag:s22] =	dma.local [hbm:s5], s20  }
0x9e: {  	_ =	swait.ge [sflag:s22], s20  }
0x9f: {  	s4 =	ssub.s32 $0x0, s20;
	[sflag:s22] =	ssyncset.done $0x0  }
0xa0: {  	[sflag:s22] =	ssyncadd.s32 s4;
	_ =	sdelay $0x1  }
0xa1: {  	s23 =	simm.s32 $0x1B8B  }
0xa2: {  	_ =	swait.ge [sflag:s23], $0x1  }
0xa3: {  	[sflag:s23] =	ssyncset.done $0x0  }
0xa4: {  	s25 =	simm.s32 $0x1B8E;
	s24 =	sld [smem:$0x3FFE];
	[sflag:s23] =	ssyncadd.s32 $0xFFFFFFFF  }
0xa5: {  	s26 =	simm.s32 $execute0_lowered;
	[smem:$0x3FD2] =	sst s25  }
0xa6: {  	s5 =	sshll.u32 s26, $0x1;
	_ =	strace $0x80000049;
	[dreg:$0x1] =	wrdreg $0xFFFFFFFF  }
0xa7: {  	s28 =	simm.s32 $_size_execute0_lowered;
	s3 =	sadd.s32 s3, s5;
	[dreg:$0x0] =	wrdreg $0x0  }
0xa8: {  	s5 =	sshll.u32 s28, $0x1;
	[dreg:$0x2] =	wrdreg s3  }
0xa9: {  	[dreg:$0x3] =	wrdreg s5  }
0xaa: {  	[dreg:$0x4] =	wrdreg $0xC0  }
0xab: {  	_ =	task [dreg:s7], $0x5FFFF  }
0xac: {  	[dreg:$0x1] =	wrdreg $0xFFFFFFFF  }
0xad: {  	[dreg:$0x0] =	wrdreg $0x60  }
0xae: {  	[dreg:$0x2] =	wrdreg s2  }
0xaf: {  	[dreg:$0x3] =	wrdreg s24  }
0xb0: {  	[dreg:$0x4] =	wrdreg $0x0  }
0xb1: {  	[dreg:$0x5] =	wrdreg $0x9  }
0xb2: {  	_ =	task.clear_ibuf [dreg:s7], $0x6FFFF;
	_ =	strace $0x90000049  }
0xb3: {  	s29 =	simm.s32 $0x9;
	_ =	strace $0x8000004B  }
0xb4: {  	_ =	swait.ge [sflag:s29], $0x1  }
0xb5: {  	[sflag:s29] =	ssyncadd.s32 $0xFFFFFFFF  }
0xb6: {  	_ =	strace $0x9000004B  }
0xb7: {  	_ =	sfence  }
0xb8: {  	s30 =	sld [smem:$0x0];
	_ =	sdelay $0x2  }
0xb9: {  	s31 =	sshll.u32 s1, $0xD;
	s1 =	sshrl.u32 s1, $0x2  }
0xba: {  	s3 =	sand.u32 $0x4000, s31;
	s1 =	sadd.s32 s1, s30  }
0xbb: {  	s0 =	sor.u32 s3, s0;
	s1 =	sshll.u32 s1, $0x11  }
0xbc: {  	s0 =	sor.u32 s1, s0  }
0xbd: {  	s0 =	sadd.s32 $0x8F2B, s0  }
0xbe: {  	[sflag:s0] =	ssyncadd.remote.s32 $0x1  }
0xbf: {  	_ =	sfence.sel $0xFFFF  }
0xc0: {  	[dreg:$0x0] =	wrdreg $0xFFFFFFFF;
	(pc) =	sbr.abs _section_cstart, $3  }
0xc1: {  	[dreg:$0x1] =	wrdreg $0xFFFFFFFF  }
0xc2: {  	_ =	task.clear_ibuf [dreg:s7], $0x2FFFF;
	_ =	strace $0x9FFFFFFF  }
0xc3: {  	(tm) =	ssettm $0x7FFFFFFF  }
tec
execute0_lowered:
.L_overlay_start_1:
0x0: {  	(tag) =	ssettag $0x1  }
0x1: {  	s2 =	rddreg [dreg:$0x0]  }
0x2: {  	s5 =	rddreg [dreg:$0x1]  }
0x3: {  	s3 =	rddreg [dreg:$0x2]  }
0x4: {  	s0 =	rddreg [dreg:$0x3];
	s1 =	stileid.u32  }
0x5: {  	s6 =	srdreg.scid;
	s7 =	smul.u32 $0x13C00, s1  }
0x6: {  	s4 =	simm.s32 $0x0;
	s19 =	simm.s32 $0x18C00;
	s12 =	smul.u32 $0x5000, s1  }
0x7: {  	s20 =	simm.s32 $0x1;
	s21 =	simm.s32 $0x0;
	s15 =	smul.u32 $0x4F000, s1  }
0x8: {  	s6 =	sand.u32 $0x1, s6;
	[smem:$0x7FF] =	sst s4;
	s28 =	smul.u32 $0xA00, s1  }
0x9: {  	s11 =	sadd.s32 $0x84C00, s5;
	s13 =	sadd.s32 $0x3200, s5;
	s8 =	smul.u32 $0x13C000, s6  }
0xa: {  	s31 =	sshll.u32 s1, $0x6;
	s9 =	smul.u32 $0x50000, s6;
	s6 =	ssub.s32 $0x2, s6  }
0xb: {  	_ =	strace $0x8000004A;
	s10 =	sshrl.u32 s7, $0x3;
	s24 =	sshrl.u32 s6, $0x1  }
0xc: {  	s25 =	sshrl.u32 s12, $0x3;
	s26 =	sshrl.u32 s15, $0x2;
	s29 =	sadd.s32 s28, s13  }
0xd: {  	s15 =	sor.u32 $0x1C03, s31;
	s10 =	sadd.s32 s10, s5;
	s7 =	sadd.s32 s7, s8  }
0xe: {  	s9 =	sadd.s32 s12, s9;
	s17 =	ssub.s32 s6, s24;
	s6 =	sadd.s32 s13, s25  }
0xf: {  	s18 =	sadd.s32 s26, s3;
	s13 =	simm.s32 $0x3;
	s7 =	sshrl.u32 s7, $0x3  }
0x10: {  	s14 =	sshrl.u32 s9, $0x3;
	s30 =	sor.u32 $0x400, s9;
	s9 =	smax.u32 s17, $0x1  }
0x11: {  	s17 =	simm.s32 $0x80;
	s16 =	sadd.s32 s7, s5;
	s5 =	sadd.s32 s11, s14  }
0x12: {  	s7 =	sadd.s32 $0xD200, s10;
	s10 =	sadd.s32 $0x80, s29;
	s12 =	sshrl.u32 s30, $0x3  }
0x13: {  	s14 =	simm.s32 $0x14400;
	s8 =	sadd.s32 $0x34A00, s16;
	s11 =	sadd.s32 s12, s11  }
0x14: {  	s12 =	simm.s32 $0x13C00;
	s16 =	sshrl.u32 s18, $0x3;
	s18 =	simm.s32 $0x14C00  }
.LBB2_1:
0x15: {  	[tilespmem:s12], [sflag:$0x3] =	stream.linear.gather [hbm4b:s5+s4], $0x400, $0x38;
	[tilespmem:$0x1CC00] =	vst v63  }
0x16: {  	_ =	swait.ge [sflag:s13], $0x400  }
0x17: {  	[sflag:s13] =	ssyncset.done $0x0  }
0x18: {  	[sflag:s13] =	ssyncadd.s32 $0xFFFFFC00  }
0x19: {  	[tilespmem:s14], [sflag:$0x3] =	stream.linear.gather [hbm4b:s6+s4], $0x400, $0x38;
	[tilespmem:$0x1CC00] =	vst v63  }
0x1a: {  	_ =	swait.ge [sflag:s13], $0x400  }
0x1b: {  	[sflag:s13] =	ssyncset.done $0x0  }
0x1c: {  	[sflag:s13] =	ssyncadd.s32 $0xFFFFFC00  }
0x1d: {  	[spmem:s16], [sflag:s15] =	dma.local [hbm:s7], $0x2780  }
0x1e: {  	_ =	swait.ge [sflag:s13], $0x2780  }
0x1f: {  	[sflag:s13] =	ssyncset.done $0x0  }
0x20: {  	s22 =	simm.s32 $0x400;
	p0 =	por $0x0, $0x0;
	[sflag:s13] =	ssyncadd.s32 $0xFFFFD880  }
0x21: {  	s23 =	sand.u32 @!p0 $0x400, s22;
	[bflag:$0x0] =	sbarrier.arrive $0xFFFF  }
0x22: {  	[tilespmem:s18], [sflag:$0x1] =	stream.indirect.gather [hbm4b:s2+s17], $0x80, s12, s17, $0xb8;
	[tilespmem:$0x1CC00] =	vst v63  }
0x23: {  	s31 =	simm.s32 $0x0;
	s24 =	simm.s32 @!p0 $0x0;
	s25 =	sadd.s32 @!p0 $0x13C00, s23  }
0x24: {  	[tilespmem:s25], [sflag:$0x2] =	stream.linear.gather @!p0 [hbm4b:s11+s24], $0x400, $0x38;
	[tilespmem:$0x1CC00] =	vst v63  }
0x25: {  	s22 =	sand.u32 $0x400, s31;
	s23 =	sadd.s32 @!p0 $0x14400, s23  }
0x26: {  	[tilespmem:s23], [sflag:$0x2] =	stream.linear.gather @!p0 [hbm4b:s10+s24], $0x400, $0x38;
	[tilespmem:$0x1CC00] =	vst v63  }
0x27: {  	s24 =	sadd.s32 $0x13C80, s22  }
0x28: {  	[tilespmem:s19], [sflag:$0x1] =	stream.indirect.gather [hbm4b:s2+s17], $0x80, s24, s17, $0xb8;
	[tilespmem:$0x1CC00] =	vst v63  }
0x29: {  	_ =	swait.ge [sflag:s20], $0x4000  }
0x2a: {  	[sflag:s20] =	ssyncset.done $0x0  }
0x2b: {  	s25 =	sadd.s32 $0x14400, s22;
	[sflag:s20] =	ssyncadd.s32 $0xFFFFC000  }
0x2c: {  	[spmem:s3] =	stream.indirect.scatter.add.f32 [tilespmem:s18], [sflag:$0x3], $0x80, s25, s17, $0xb8;
	[tilespmem:$0x1CC00] =	vst v63  }
0x2d: {  	_ =	swait.ge [sflag:s13], $0x4000  }
0x2e: {  	[sflag:s13] =	ssyncset.done $0x0  }
0x2f: {  	s26 =	sadd.s32 $0x13D00, s22;
	[sflag:s13] =	ssyncadd.s32 $0xFFFFC000  }
0x30: {  	[tilespmem:s18], [sflag:$0x1] =	stream.indirect.gather [hbm4b:s2+s17], $0x80, s26, s17, $0xb8;
	[tilespmem:$0x1CC00] =	vst v63  }
0x31: {  	_ =	swait.ge [sflag:s20], $0x4000  }
0x32: {  	[sflag:s20] =	ssyncset.done $0x0  }
0x33: {  	s30 =	sadd.s32 $0x14480, s22;
	[sflag:s20] =	ssyncadd.s32 $0xFFFFC000  }
0x34: {  	[spmem:s3] =	stream.indirect.scatter.add.f32 [tilespmem:s19], [sflag:$0x3], $0x80, s30, s17, $0xb8;
	[tilespmem:$0x1CC00] =	vst v63  }
0x35: {  	_ =	swait.ge [sflag:s13], $0x4000  }
0x36: {  	[sflag:s13] =	ssyncset.done $0x0  }
0x37: {  	s31 =	sadd.s32 $0x13D80, s22;
	[sflag:s13] =	ssyncadd.s32 $0xFFFFC000  }
0x38: {  	[tilespmem:s19], [sflag:$0x1] =	stream.indirect.gather [hbm4b:s2+s17], $0x80, s31, s17, $0xb8;
	[tilespmem:$0x1CC00] =	vst v63  }
0x39: {  	_ =	swait.ge [sflag:s20], $0x4000  }
0x3a: {  	[sflag:s20] =	ssyncset.done $0x0  }
0x3b: {  	s24 =	sadd.s32 $0x14500, s22;
	[sflag:s20] =	ssyncadd.s32 $0xFFFFC000  }
0x3c: {  	[spmem:s3] =	stream.indirect.scatter.add.f32 [tilespmem:s18], [sflag:$0x3], $0x80, s24, s17, $0xb8;
	[tilespmem:$0x1CC00] =	vst v63  }
0x3d: {  	_ =	swait.ge [sflag:s13], $0x4000  }
0x3e: {  	[sflag:s13] =	ssyncset.done $0x0  }
0x3f: {  	s25 =	sadd.s32 $0x13E00, s22;
	[sflag:s13] =	ssyncadd.s32 $0xFFFFC000  }
0x40: {  	[tilespmem:s18], [sflag:$0x1] =	stream.indirect.gather [hbm4b:s2+s17], $0x80, s25, s17, $0xb8;
	[tilespmem:$0x1CC00] =	vst v63  }
0x41: {  	_ =	swait.ge [sflag:s20], $0x4000  }
0x42: {  	[sflag:s20] =	ssyncset.done $0x0  }
0x43: {  	s26 =	sadd.s32 $0x14580, s22;
	[sflag:s20] =	ssyncadd.s32 $0xFFFFC000  }
0x44: {  	[spmem:s3] =	stream.indirect.scatter.add.f32 [tilespmem:s19], [sflag:$0x3], $0x80, s26, s17, $0xb8;
	[tilespmem:$0x1CC00] =	vst v63  }
0x45: {  	_ =	swait.ge [sflag:s13], $0x4000  }
0x46: {  	[sflag:s13] =	ssyncset.done $0x0  }
0x47: {  	s30 =	sadd.s32 $0x13E80, s22;
	[sflag:s13] =	ssyncadd.s32 $0xFFFFC000  }
0x48: {  	[tilespmem:s19], [sflag:$0x1] =	stream.indirect.gather [hbm4b:s2+s17], $0x80, s30, s17, $0xb8;
	[tilespmem:$0x1CC00] =	vst v63  }
0x49: {  	_ =	swait.ge [sflag:s20], $0x4000  }
0x4a: {  	[sflag:s20] =	ssyncset.done $0x0  }
0x4b: {  	s31 =	sadd.s32 $0x14600, s22;
	[sflag:s20] =	ssyncadd.s32 $0xFFFFC000  }
0x4c: {  	[spmem:s3] =	stream.indirect.scatter.add.f32 [tilespmem:s18], [sflag:$0x3], $0x80, s31, s17, $0xb8;
	[tilespmem:$0x1CC00] =	vst v63  }
0x4d: {  	_ =	swait.ge [sflag:s13], $0x4000  }
0x4e: {  	[sflag:s13] =	ssyncset.done $0x0  }
0x4f: {  	s24 =	sadd.s32 $0x13F00, s22;
	[sflag:s13] =	ssyncadd.s32 $0xFFFFC000  }
0x50: {  	[tilespmem:s18], [sflag:$0x1] =	stream.indirect.gather [hbm4b:s2+s17], $0x80, s24, s17, $0xb8;
	[tilespmem:$0x1CC00] =	vst v63  }
0x51: {  	_ =	swait.ge [sflag:s20], $0x4000  }
0x52: {  	[sflag:s20] =	ssyncset.done $0x0  }
0x53: {  	s25 =	sadd.s32 $0x14680, s22;
	[sflag:s20] =	ssyncadd.s32 $0xFFFFC000  }
0x54: {  	[spmem:s3] =	stream.indirect.scatter.add.f32 [tilespmem:s19], [sflag:$0x3], $0x80, s25, s17, $0xb8;
	[tilespmem:$0x1CC00] =	vst v63  }
0x55: {  	_ =	swait.ge [sflag:s13], $0x4000  }
0x56: {  	[sflag:s13] =	ssyncset.done $0x0  }
0x57: {  	s26 =	sadd.s32 $0x13F80, s22;
	[sflag:s13] =	ssyncadd.s32 $0xFFFFC000  }
0x58: {  	[tilespmem:s19], [sflag:$0x1] =	stream.indirect.gather [hbm4b:s2+s17], $0x80, s26, s17, $0xb8;
	[tilespmem:$0x1CC00] =	vst v63  }
0x59: {  	_ =	swait.ge [sflag:s20], $0x4000  }
0x5a: {  	[sflag:s20] =	ssyncset.done $0x0  }
0x5b: {  	s30 =	sadd.s32 $0x14700, s22;
	[sflag:s20] =	ssyncadd.s32 $0xFFFFC000  }
0x5c: {  	[spmem:s3] =	stream.indirect.scatter.add.f32 [tilespmem:s18], [sflag:$0x3], $0x80, s30, s17, $0xb8;
	[tilespmem:$0x1CC00] =	vst v63  }
0x5d: {  	_ =	swait.ge [sflag:s13], $0x4000  }
0x5e: {  	[sflag:s13] =	ssyncset.done $0x0  }
0x5f: {  	s23 =	simm.s32 @!p0 $0x2;
	[sflag:s13] =	ssyncadd.s32 $0xFFFFC000  }
0x60: {  	_ =	swait.ge @!p0 [sflag:s23], $0x400  }
0x61: {  	[sflag:s23] =	ssyncset.done @!p0 $0x0  }
0x62: {  	[sflag:s23] =	ssyncadd.s32 @!p0 $0xFFFFFC00  }
0x63: {  	s24 =	sxor.u32 @!p0 $0x400, s22;
	_ =	swait.ge @!p0 [sflag:s23], $0x400  }
0x64: {  	s24 =	sadd.s32 @!p0 $0x13C00, s24;
	[sflag:s23] =	ssyncset.done @!p0 $0x0  }
0x65: {  	s25 =	simm.s32 @!p0 $0x14C00;
	[sflag:s23] =	ssyncadd.s32 @!p0 $0xFFFFFC00;
	s23 =	simm.s32 @!p0 $0x80  }
0x66: {  	[tilespmem:s25], [sflag:$0x1] =	stream.indirect.gather @!p0 [hbm4b:s2+s23], $0x80, s24, s23, $0xb8;
	[tilespmem:$0x1CC00] =	vst v63  }
0x67: {  	s29 =	simm.s32 $0x400;
	s31 =	sor.u32 $0x380, s22;
	_ =	swait.ge [sflag:s20], $0x4000  }
0x68: {  	s22 =	sadd.s32 $0x80, s11;
	s26 =	sadd.s32 $0x14400, s31;
	[sflag:s20] =	ssyncset.done $0x0  }
0x69: {  	s25 =	simm.s32 $0x800;
	s24 =	simm.s32 $0xC00;
	[sflag:s20] =	ssyncadd.s32 $0xFFFFC000  }
0x6a: {  	[spmem:s3] =	stream.indirect.scatter.add.f32 [tilespmem:s19], [sflag:$0x3], $0x80, s26, s17, $0xb8;
	[tilespmem:$0x1CC00] =	vst v63  }
0x6b: {  	s23 =	sadd.s32 $0x80, s10;
	p0 =	por $0x0, $0x0;
	_ =	swait.ge [sflag:s13], $0x4000  }
0x6c: {  	s28 =	simm.s32 @!p0 $0x0;
	s26 =	sand.u32 @!p0 $0x400, s25;
	[sflag:s13] =	ssyncset.done $0x0  }
.LBB2_2:
0x6d: {  	s30 =	sadd.s32 @!p0 $0x13C00, s26  }
0x6e: {  	s29 =	sand.u32 $0x400, s29;
	[sflag:s13] =	ssyncadd.s32 $0xFFFFC000;
	s25 =	smov.u32 s24  }
0x6f: {  	[tilespmem:s30], [sflag:$0x2] =	stream.linear.gather @!p0 [hbm4b:s22+s28], $0x400, $0x38;
	[tilespmem:$0x1CC00] =	vst v63  }
0x70: {  	s30 =	sadd.s32 @!p0 $0x14400, s26;
	s26 =	sor.u32 $0x380, s29;
	s31 =	sxor.u32 @!p0 $0x400, s29  }
0x71: {  	[tilespmem:s30], [sflag:$0x2] =	stream.linear.gather @!p0 [hbm4b:s23+s28], $0x400, $0x38;
	[tilespmem:$0x1CC00] =	vst v63  }
0x72: {  	s24 =	sadd.s32 $0x400, s24;
	s30 =	sadd.s32 $0x13C80, s29;
	s28 =	sadd.s32 @!p0 $0x13C00, s31  }
0x73: {  	[tilespmem:s19], [sflag:$0x1] =	stream.indirect.gather [hbm4b:s2+s17], $0x80, s30, s17, $0xb8;
	[tilespmem:$0x1CC00] =	vst v63  }
0x74: {  	p1 =	sne.s32 s24, $0x5400;
	_ =	swait.ge [sflag:s20], $0x4000  }
0x75: {  	[sflag:s20] =	ssyncset.done $0x0  }
0x76: {  	s30 =	sadd.s32 $0x14400, s29;
	[sflag:s20] =	ssyncadd.s32 $0xFFFFC000  }
0x77: {  	[spmem:s3] =	stream.indirect.scatter.add.f32 [tilespmem:s18], [sflag:$0x3], $0x80, s30, s17, $0xb8;
	[tilespmem:$0x1CC00] =	vst v63  }
0x78: {  	_ =	swait.ge [sflag:s13], $0x4000  }
0x79: {  	[sflag:s13] =	ssyncset.done $0x0  }
0x7a: {  	s30 =	sadd.s32 $0x13D00, s29;
	[sflag:s13] =	ssyncadd.s32 $0xFFFFC000  }
0x7b: {  	[tilespmem:s18], [sflag:$0x1] =	stream.indirect.gather [hbm4b:s2+s17], $0x80, s30, s17, $0xb8;
	[tilespmem:$0x1CC00] =	vst v63  }
0x7c: {  	_ =	swait.ge [sflag:s20], $0x4000  }
0x7d: {  	[sflag:s20] =	ssyncset.done $0x0  }
0x7e: {  	s30 =	sadd.s32 $0x14480, s29;
	[sflag:s20] =	ssyncadd.s32 $0xFFFFC000  }
0x7f: {  	[spmem:s3] =	stream.indirect.scatter.add.f32 [tilespmem:s19], [sflag:$0x3], $0x80, s30, s17, $0xb8;
	[tilespmem:$0x1CC00] =	vst v63  }
0x80: {  	_ =	swait.ge [sflag:s13], $0x4000  }
0x81: {  	[sflag:s13] =	ssyncset.done $0x0  }
0x82: {  	s30 =	sadd.s32 $0x13D80, s29;
	[sflag:s13] =	ssyncadd.s32 $0xFFFFC000  }
0x83: {  	[tilespmem:s19], [sflag:$0x1] =	stream.indirect.gather [hbm4b:s2+s17], $0x80, s30, s17, $0xb8;
	[tilespmem:$0x1CC00] =	vst v63  }
0x84: {  	_ =	swait.ge [sflag:s20], $0x4000  }
0x85: {  	[sflag:s20] =	ssyncset.done $0x0  }
0x86: {  	s30 =	sadd.s32 $0x14500, s29;
	[sflag:s20] =	ssyncadd.s32 $0xFFFFC000  }
0x87: {  	[spmem:s3] =	stream.indirect.scatter.add.f32 [tilespmem:s18], [sflag:$0x3], $0x80, s30, s17, $0xb8;
	[tilespmem:$0x1CC00] =	vst v63  }
0x88: {  	_ =	swait.ge [sflag:s13], $0x4000  }
0x89: {  	[sflag:s13] =	ssyncset.done $0x0  }
0x8a: {  	s30 =	sadd.s32 $0x13E00, s29;
	[sflag:s13] =	ssyncadd.s32 $0xFFFFC000  }
0x8b: {  	[tilespmem:s18], [sflag:$0x1] =	stream.indirect.gather [hbm4b:s2+s17], $0x80, s30, s17, $0xb8;
	[tilespmem:$0x1CC00] =	vst v63  }
0x8c: {  	_ =	swait.ge [sflag:s20], $0x4000  }
0x8d: {  	[sflag:s20] =	ssyncset.done $0x0  }
0x8e: {  	s30 =	sadd.s32 $0x14580, s29;
	[sflag:s20] =	ssyncadd.s32 $0xFFFFC000  }
0x8f: {  	[spmem:s3] =	stream.indirect.scatter.add.f32 [tilespmem:s19], [sflag:$0x3], $0x80, s30, s17, $0xb8;
	[tilespmem:$0x1CC00] =	vst v63  }
0x90: {  	_ =	swait.ge [sflag:s13], $0x4000  }
0x91: {  	[sflag:s13] =	ssyncset.done $0x0  }
0x92: {  	s30 =	sadd.s32 $0x13E80, s29;
	[sflag:s13] =	ssyncadd.s32 $0xFFFFC000  }
0x93: {  	[tilespmem:s19], [sflag:$0x1] =	stream.indirect.gather [hbm4b:s2+s17], $0x80, s30, s17, $0xb8;
	[tilespmem:$0x1CC00] =	vst v63  }
0x94: {  	_ =	swait.ge [sflag:s20], $0x4000  }
0x95: {  	[sflag:s20] =	ssyncset.done $0x0  }
0x96: {  	s30 =	sadd.s32 $0x14600, s29;
	[sflag:s20] =	ssyncadd.s32 $0xFFFFC000  }
0x97: {  	[spmem:s3] =	stream.indirect.scatter.add.f32 [tilespmem:s18], [sflag:$0x3], $0x80, s30, s17, $0xb8;
	[tilespmem:$0x1CC00] =	vst v63  }
0x98: {  	_ =	swait.ge [sflag:s13], $0x4000  }
0x99: {  	[sflag:s13] =	ssyncset.done $0x0  }
0x9a: {  	s30 =	sadd.s32 $0x13F00, s29;
	[sflag:s13] =	ssyncadd.s32 $0xFFFFC000  }
0x9b: {  	[tilespmem:s18], [sflag:$0x1] =	stream.indirect.gather [hbm4b:s2+s17], $0x80, s30, s17, $0xb8;
	[tilespmem:$0x1CC00] =	vst v63  }
0x9c: {  	_ =	swait.ge [sflag:s20], $0x4000  }
0x9d: {  	[sflag:s20] =	ssyncset.done $0x0  }
0x9e: {  	s30 =	sadd.s32 $0x14680, s29;
	[sflag:s20] =	ssyncadd.s32 $0xFFFFC000  }
0x9f: {  	[spmem:s3] =	stream.indirect.scatter.add.f32 [tilespmem:s19], [sflag:$0x3], $0x80, s30, s17, $0xb8;
	[tilespmem:$0x1CC00] =	vst v63  }
0xa0: {  	_ =	swait.ge [sflag:s13], $0x4000  }
0xa1: {  	[sflag:s13] =	ssyncset.done $0x0  }
0xa2: {  	s30 =	sadd.s32 $0x13F80, s29;
	[sflag:s13] =	ssyncadd.s32 $0xFFFFC000  }
0xa3: {  	[tilespmem:s19], [sflag:$0x1] =	stream.indirect.gather [hbm4b:s2+s17], $0x80, s30, s17, $0xb8;
	[tilespmem:$0x1CC00] =	vst v63  }
0xa4: {  	_ =	swait.ge [sflag:s20], $0x4000  }
0xa5: {  	[sflag:s20] =	ssyncset.done $0x0  }
0xa6: {  	s29 =	sadd.s32 $0x14700, s29;
	[sflag:s20] =	ssyncadd.s32 $0xFFFFC000  }
0xa7: {  	[spmem:s3] =	stream.indirect.scatter.add.f32 [tilespmem:s18], [sflag:$0x3], $0x80, s29, s17, $0xb8;
	[tilespmem:$0x1CC00] =	vst v63  }
0xa8: {  	_ =	swait.ge [sflag:s13], $0x4000  }
0xa9: {  	[sflag:s13] =	ssyncset.done $0x0  }
0xaa: {  	s29 =	simm.s32 @!p0 $0x2;
	[sflag:s13] =	ssyncadd.s32 $0xFFFFC000  }
0xab: {  	_ =	swait.ge @!p0 [sflag:s29], $0x400  }
0xac: {  	[sflag:s29] =	ssyncset.done @!p0 $0x0  }
0xad: {  	[sflag:s29] =	ssyncadd.s32 @!p0 $0xFFFFFC00  }
0xae: {  	_ =	swait.ge @!p0 [sflag:s29], $0x400  }
0xaf: {  	[sflag:s29] =	ssyncset.done @!p0 $0x0  }
0xb0: {  	s30 =	simm.s32 @!p0 $0x14C00;
	[sflag:s29] =	ssyncadd.s32 @!p0 $0xFFFFFC00;
	s29 =	simm.s32 @!p0 $0x80  }
0xb1: {  	[tilespmem:s30], [sflag:$0x1] =	stream.indirect.gather @!p0 [hbm4b:s2+s29], $0x80, s28, s29, $0xb8;
	[tilespmem:$0x1CC00] =	vst v63  }
0xb2: {  	_ =	swait.ge [sflag:s20], $0x4000  }
.Ltmp0:
0xb3: {  	s22 =	sadd.s32 $0x80, s22;
	[sflag:s20] =	ssyncset.done $0x0;
	(pc) =	sbr.rel @p1 .LBB2_2-.Ltmp0, $4  }
0xb4: {  	s26 =	sadd.s32 $0x14400, s26;
	s23 =	sadd.s32 $0x80, s23;
	[sflag:s20] =	ssyncadd.s32 $0xFFFFC000  }
0xb5: {  	[spmem:s3] =	stream.indirect.scatter.add.f32 [tilespmem:s19], [sflag:$0x3], $0x80, s26, s17, $0xb8;
	[tilespmem:$0x1CC00] =	vst v63  }
0xb6: {  	p0 =	seq.s32 s25, $0x5000;
	s29 =	sadd.s32 $0xFFFFFC00, s25;
	_ =	swait.ge [sflag:s13], $0x4000  }
0xb7: {  	s28 =	simm.s32 @!p0 $0x0;
	s26 =	sand.u32 @!p0 $0x400, s25;
	[sflag:s13] =	ssyncset.done $0x0  }
0xb8: {  	s24 =	sadd.s32 @!p0 $0x13C00, s26;
	[sflag:s13] =	ssyncadd.s32 $0xFFFFC000  }
0xb9: {  	[tilespmem:s24], [sflag:$0x2] =	stream.linear.gather @!p0 [hbm4b:s22+s28], $0x400, $0x38;
	[tilespmem:$0x1CC00] =	vst v63  }
0xba: {  	s22 =	sand.u32 $0x400, s29;
	s24 =	sadd.s32 @!p0 $0x14400, s26  }
0xbb: {  	[tilespmem:s24], [sflag:$0x2] =	stream.linear.gather @!p0 [hbm4b:s23+s28], $0x400, $0x38;
	[tilespmem:$0x1CC00] =	vst v63  }
0xbc: {  	s24 =	sadd.s32 $0x13C80, s22  }
0xbd: {  	[tilespmem:s19], [sflag:$0x1] =	stream.indirect.gather [hbm4b:s2+s17], $0x80, s24, s17, $0xb8;
	[tilespmem:$0x1CC00] =	vst v63  }
0xbe: {  	_ =	swait.ge [sflag:s20], $0x4000  }
0xbf: {  	[sflag:s20] =	ssyncset.done $0x0  }
0xc0: {  	s25 =	sadd.s32 $0x14400, s22;
	[sflag:s20] =	ssyncadd.s32 $0xFFFFC000  }
0xc1: {  	[spmem:s3] =	stream.indirect.scatter.add.f32 [tilespmem:s18], [sflag:$0x3], $0x80, s25, s17, $0xb8;
	[tilespmem:$0x1CC00] =	vst v63  }
0xc2: {  	_ =	swait.ge [sflag:s13], $0x4000  }
0xc3: {  	[sflag:s13] =	ssyncset.done $0x0  }
0xc4: {  	s26 =	sadd.s32 $0x13D00, s22;
	[sflag:s13] =	ssyncadd.s32 $0xFFFFC000  }
0xc5: {  	[tilespmem:s18], [sflag:$0x1] =	stream.indirect.gather [hbm4b:s2+s17], $0x80, s26, s17, $0xb8;
	[tilespmem:$0x1CC00] =	vst v63  }
0xc6: {  	_ =	swait.ge [sflag:s20], $0x4000  }
0xc7: {  	[sflag:s20] =	ssyncset.done $0x0  }
0xc8: {  	s28 =	sadd.s32 $0x14480, s22;
	[sflag:s20] =	ssyncadd.s32 $0xFFFFC000  }
0xc9: {  	[spmem:s3] =	stream.indirect.scatter.add.f32 [tilespmem:s19], [sflag:$0x3], $0x80, s28, s17, $0xb8;
	[tilespmem:$0x1CC00] =	vst v63  }
0xca: {  	_ =	swait.ge [sflag:s13], $0x4000  }
0xcb: {  	[sflag:s13] =	ssyncset.done $0x0  }
0xcc: {  	s29 =	sadd.s32 $0x13D80, s22;
	[sflag:s13] =	ssyncadd.s32 $0xFFFFC000  }
0xcd: {  	[tilespmem:s19], [sflag:$0x1] =	stream.indirect.gather [hbm4b:s2+s17], $0x80, s29, s17, $0xb8;
	[tilespmem:$0x1CC00] =	vst v63  }
0xce: {  	_ =	swait.ge [sflag:s20], $0x4000  }
0xcf: {  	[sflag:s20] =	ssyncset.done $0x0  }
0xd0: {  	s30 =	sadd.s32 $0x14500, s22;
	[sflag:s20] =	ssyncadd.s32 $0xFFFFC000  }
0xd1: {  	[spmem:s3] =	stream.indirect.scatter.add.f32 [tilespmem:s18], [sflag:$0x3], $0x80, s30, s17, $0xb8;
	[tilespmem:$0x1CC00] =	vst v63  }
0xd2: {  	_ =	swait.ge [sflag:s13], $0x4000  }
0xd3: {  	[sflag:s13] =	ssyncset.done $0x0  }
0xd4: {  	s31 =	sadd.s32 $0x13E00, s22;
	[sflag:s13] =	ssyncadd.s32 $0xFFFFC000  }
0xd5: {  	[tilespmem:s18], [sflag:$0x1] =	stream.indirect.gather [hbm4b:s2+s17], $0x80, s31, s17, $0xb8;
	[tilespmem:$0x1CC00] =	vst v63  }
0xd6: {  	_ =	swait.ge [sflag:s20], $0x4000  }
0xd7: {  	[sflag:s20] =	ssyncset.done $0x0  }
0xd8: {  	s24 =	sadd.s32 $0x14580, s22;
	[sflag:s20] =	ssyncadd.s32 $0xFFFFC000  }
0xd9: {  	[spmem:s3] =	stream.indirect.scatter.add.f32 [tilespmem:s19], [sflag:$0x3], $0x80, s24, s17, $0xb8;
	[tilespmem:$0x1CC00] =	vst v63  }
0xda: {  	_ =	swait.ge [sflag:s13], $0x4000  }
0xdb: {  	[sflag:s13] =	ssyncset.done $0x0  }
0xdc: {  	s25 =	sadd.s32 $0x13E80, s22;
	[sflag:s13] =	ssyncadd.s32 $0xFFFFC000  }
0xdd: {  	[tilespmem:s19], [sflag:$0x1] =	stream.indirect.gather [hbm4b:s2+s17], $0x80, s25, s17, $0xb8;
	[tilespmem:$0x1CC00] =	vst v63  }
0xde: {  	_ =	swait.ge [sflag:s20], $0x4000  }
0xdf: {  	[sflag:s20] =	ssyncset.done $0x0  }
0xe0: {  	s26 =	sadd.s32 $0x14600, s22;
	[sflag:s20] =	ssyncadd.s32 $0xFFFFC000  }
0xe1: {  	[spmem:s3] =	stream.indirect.scatter.add.f32 [tilespmem:s18], [sflag:$0x3], $0x80, s26, s17, $0xb8;
	[tilespmem:$0x1CC00] =	vst v63  }
0xe2: {  	_ =	swait.ge [sflag:s13], $0x4000  }
0xe3: {  	[sflag:s13] =	ssyncset.done $0x0  }
0xe4: {  	s28 =	sadd.s32 $0x13F00, s22;
	[sflag:s13] =	ssyncadd.s32 $0xFFFFC000  }
0xe5: {  	[tilespmem:s18], [sflag:$0x1] =	stream.indirect.gather [hbm4b:s2+s17], $0x80, s28, s17, $0xb8;
	[tilespmem:$0x1CC00] =	vst v63  }
0xe6: {  	_ =	swait.ge [sflag:s20], $0x4000  }
0xe7: {  	[sflag:s20] =	ssyncset.done $0x0  }
0xe8: {  	s29 =	sadd.s32 $0x14680, s22;
	[sflag:s20] =	ssyncadd.s32 $0xFFFFC000  }
0xe9: {  	[spmem:s3] =	stream.indirect.scatter.add.f32 [tilespmem:s19], [sflag:$0x3], $0x80, s29, s17, $0xb8;
	[tilespmem:$0x1CC00] =	vst v63  }
0xea: {  	_ =	swait.ge [sflag:s13], $0x4000  }
0xeb: {  	[sflag:s13] =	ssyncset.done $0x0  }
0xec: {  	s30 =	sadd.s32 $0x13F80, s22;
	[sflag:s13] =	ssyncadd.s32 $0xFFFFC000  }
0xed: {  	[tilespmem:s19], [sflag:$0x1] =	stream.indirect.gather [hbm4b:s2+s17], $0x80, s30, s17, $0xb8;
	[tilespmem:$0x1CC00] =	vst v63  }
0xee: {  	_ =	swait.ge [sflag:s20], $0x4000  }
0xef: {  	[sflag:s20] =	ssyncset.done $0x0  }
0xf0: {  	s31 =	sadd.s32 $0x14700, s22;
	[sflag:s20] =	ssyncadd.s32 $0xFFFFC000  }
0xf1: {  	[spmem:s3] =	stream.indirect.scatter.add.f32 [tilespmem:s18], [sflag:$0x3], $0x80, s31, s17, $0xb8;
	[tilespmem:$0x1CC00] =	vst v63  }
0xf2: {  	_ =	swait.ge [sflag:s13], $0x4000  }
0xf3: {  	[sflag:s13] =	ssyncset.done $0x0  }
0xf4: {  	s23 =	simm.s32 @!p0 $0x2;
	[sflag:s13] =	ssyncadd.s32 $0xFFFFC000  }
0xf5: {  	_ =	swait.ge @!p0 [sflag:s23], $0x400  }
0xf6: {  	[sflag:s23] =	ssyncset.done @!p0 $0x0  }
0xf7: {  	[sflag:s23] =	ssyncadd.s32 @!p0 $0xFFFFFC00  }
0xf8: {  	s24 =	sxor.u32 @!p0 $0x400, s22;
	_ =	swait.ge @!p0 [sflag:s23], $0x400  }
0xf9: {  	s24 =	sadd.s32 @!p0 $0x13C00, s24;
	[sflag:s23] =	ssyncset.done @!p0 $0x0  }
0xfa: {  	s25 =	simm.s32 @!p0 $0x14C00;
	[sflag:s23] =	ssyncadd.s32 @!p0 $0xFFFFFC00;
	s23 =	simm.s32 @!p0 $0x80  }
0xfb: {  	[tilespmem:s25], [sflag:$0x1] =	stream.indirect.gather @!p0 [hbm4b:s2+s23], $0x80, s24, s23, $0xb8;
	[tilespmem:$0x1CC00] =	vst v63  }
0xfc: {  	_ =	swait.ge [sflag:s20], $0x4000  }
0xfd: {  	s22 =	sor.u32 $0x380, s22;
	[sflag:s20] =	ssyncset.done $0x0  }
0xfe: {  	s22 =	sadd.s32 $0x14400, s22;
	[sflag:s20] =	ssyncadd.s32 $0xFFFFC000  }
0xff: {  	[spmem:s3] =	stream.indirect.scatter.add.f32 [tilespmem:s19], [sflag:$0x3], $0x80, s22, s17, $0xb8;
	[tilespmem:$0x1CC00] =	vst v63  }
0x100: {  	_ =	swait.ge [sflag:s13], $0x4000  }
0x101: {  	s21 =	sadd.s32 $0x1, s21;
	[sflag:s13] =	ssyncset.done $0x0  }
0x102: {  	p0 =	sne.s32 s21, s9;
	[sflag:s13] =	ssyncadd.s32 $0xFFFFC000  }
.Ltmp1:
0x103: {  	[bflag:$0x0] =	sbarrier.arrive $0xFFFF;
	(pc) =	sbr.rel @p0 .LBB2_1-.Ltmp1, $4  }
0x104: {  	[hbm:s8], [sflag:s15] =	dma.local [spmem:s16], $0x2780  }
0x105: {  	_ =	swait.ge [sflag:s13], $0x2780  }
0x106: {  	[sflag:s13] =	ssyncset.done $0x0  }
0x107: {  	[sflag:s13] =	ssyncadd.s32 $0xFFFFD880  }
0x108: {  	_ =	sfence.sel $0x180000  }
0x109: {  	[bflag:$0x0] =	sbarrier.arrive $0xFFFF  }
0x10a: {  	p0 =	sne.s32 s1, $0x0;
	_ =	strace $0x9000004A  }
0x10b: {  	s0 =	sadd.s32 @!p0 $0x100000, s0;
	[bflag:$0x2] =	sbarrier.arrive $0xFFFF  }
0x10c: {  	[sflag:s0] =	ssyncadd.tile.s32 @!p0 $0x1;
	_ =	shalt  }
.Lfunc_end2:
_tile_overlayer_lowered:
.L_overlay_start_2:
0x10d: {  	(tag) =	ssettag $0x2  }
0x10e: {  	s0 =	rddreg [dreg:$0x0];
	s2 =	stileid.u32  }
0x10f: {  	s1 =	rddreg [dreg:$0x1];
	p0 =	sne.s32 s2, $0x0  }
0x110: {  	s3 =	rddreg [dreg:$0x2];
	[bflag:$0x3] =	sbarrier.arrive $0xFFFF;
	s2 =	simm.s32 @!p0 $0x1C03  }
0x111: {  	[timem:s3], [sflag:s2] =	dma.local @!p0 [hbm:s0], s1  }
0x112: {  	s0 =	simm.s32 @!p0 $0x3  }
0x113: {  	_ =	swait.ge @!p0 [sflag:s0], s1  }
0x114: {  	s1 =	ssub.s32 @!p0 $0x0, s1;
	[sflag:s0] =	ssyncset.done @!p0 $0x0  }
0x115: {  	[sflag:s0] =	ssyncadd.s32 @!p0 s1  }
0x116: {  	[bflag:$0x3] =	sbarrier.arrive $0xFFFF  }
0x117: {  	_ =	shalt  }

</sc_bundles>
